<compile_context>
chip_gen: v7x
topology: tpu7x:2x2x1
jax: 0.10.2.dev20260603
libtpu: 0.0.44.dev20260713+nightly
codegen_flags: <defaults>
</compile_context>

<pallas_src>
import functools

import jax
import jax.numpy as jnp
from jax import lax
from jax.experimental import pallas as pl
from jax.experimental.pallas import tpu as pltpu
from jax.experimental.pallas import tpu_sc as plsc

_D = 128
_T = 50
_BB = 4
_NB = 4


@functools.lru_cache(maxsize=None)
def _make_gather(batch, V):
    info = plsc.get_sparse_core_info()
    nw = info.num_cores * info.num_subcores
    assert batch % (nw * _BB) == 0
    b_per_w = batch // nw
    n_ch = b_per_w // _BB
    assert (n_ch - _NB) % _NB == 0 and n_ch >= 2 * _NB
    mesh = plsc.VectorSubcoreMesh(core_axis_name="c", subcore_axis_name="s")

    @functools.partial(
        pl.kernel,
        mesh=mesh,
        out_type=jax.ShapeDtypeStruct((batch, _T, _D), jnp.float32),
        scratch_types=[
            pltpu.VMEM((n_ch, _BB, _T), jnp.int32),
            pltpu.VMEM((_NB, _BB, _T, _D), jnp.float32),
            pltpu.SemaphoreType.DMA((_NB,)),
            pltpu.SemaphoreType.DMA((_NB,)),
        ],
    )
    def gather_kernel(idx_hbm, table_hbm, out_hbm, idx_v, rows_v, gsem, osem):
        wid = lax.axis_index("s") * info.num_cores + lax.axis_index("c")
        bbase = wid * b_per_w
        pltpu.sync_copy(idx_hbm.at[wid], idx_v)

        def gather_start(g, b):
            for j in range(_BB):
                pltpu.async_copy(
                    table_hbm.at[idx_v.at[g, j]],
                    rows_v.at[b, j],
                    gsem.at[b],
                )

        def gather_wait(b):
            for j in range(_BB):
                pltpu.make_async_copy(
                    table_hbm.at[idx_v.at[0, j]],
                    rows_v.at[b, j],
                    gsem.at[b],
                ).wait()

        def out_start(g, b):
            pltpu.async_copy(
                rows_v.at[b],
                out_hbm.at[pl.ds(bbase + g * _BB, _BB)],
                osem.at[b],
            )

        def out_wait(b):
            pltpu.make_async_copy(
                rows_v.at[b],
                out_hbm.at[pl.ds(bbase, _BB)],
                osem.at[b],
            ).wait()

        for g in range(_NB):
            gather_start(g, g)
        gather_wait(0)
        out_start(0, 0)

        def body(t, carry):
            for i in range(_NB):
                g = _NB * t + 1 + i
                b = (1 + i) % _NB
                out_wait((b - 1) % _NB)
                gather_start(g + _NB - 1, (b - 1) % _NB)
                gather_wait(b)
                out_start(g, b)
            return carry

        lax.fori_loop(0, (n_ch - _NB) // _NB, body, 0)

        for g in range(n_ch - _NB + 1, n_ch):
            b = g % _NB
            out_wait((b - 1) % _NB)
            gather_wait(b)
            out_start(g, b)
        out_wait((n_ch - 1) % _NB)

    return gather_kernel


def kernel(inputs, embedding):
    batch, steps = inputs.shape
    vocab, d = embedding.shape
    assert d == _D and steps == _T
    info = plsc.get_sparse_core_info()
    nw = info.num_cores * info.num_subcores
    n_ch = batch // (nw * _BB)
    idx = inputs.astype(jnp.int32).reshape(nw, n_ch, _BB, _T)
    return _make_gather(batch, vocab)(idx, embedding)

# --- scband reference (transcript-rebuilt; emitter-appended) ---
"""Pipeline reference for scband-embedding-16312285790443 (READ-ONLY COPY).

The authoritative reference and input builder live on the scoring server;
editing this copy changes nothing except your own understanding.
"""

import jax, jax.numpy as jnp
import numpy as np

VOCAB_SIZE = 100000
EMBED_SIZE = 128
BATCH = 4096
NUM_STEPS = 50

def setup_inputs(seed: int = 0) -> dict:
    key = jax.random.key(seed)
    k_idx, k_emb = jax.random.split(key)
    inputs = jax.random.randint(k_idx, (BATCH, NUM_STEPS), 0, VOCAB_SIZE, dtype=jnp.int64 if jax.config.jax_enable_x64 else jnp.int32)
    embedding = jax.random.normal(k_emb, (VOCAB_SIZE, EMBED_SIZE), dtype=jnp.float32) * 0.05
    return {"inputs": inputs, "embedding": embedding}

def reference(inputs, embedding):
    # tf.gather(self.embedding, inputs) -> take rows of embedding table
    return jnp.take(embedding, inputs, axis=0)

if __name__ == "__main__":
    import jax
    _d = setup_inputs()
    print(jax.jit(kernel)(*tuple(_d.values())))

</pallas_src>

<mosaic_0001>
#map = affine_map<(d0, d1) -> (0, 0, 0, 0)>
#map1 = affine_map<(d0, d1) -> (0, 0)>
#map2 = affine_map<(d0, d1) -> (0, 0, 0)>
module attributes {stable_mosaic.version = 14 : i64} {
  func.func @gather_kernel(%arg0: i32, %arg1: i32, %arg2: memref<32x32x4x50xi32, #tpu.memory_space<hbm>>, %arg3: memref<100000x128xf32, #tpu.memory_space<hbm>>, %arg4: memref<4096x50x128xf32, #tpu.memory_space<hbm>>, %arg5: memref<32x4x50xi32, #tpu.memory_space<vmem>>, %arg6: memref<4x4x50x128xf32, #tpu.memory_space<vmem>>, %arg7: memref<4x!tpu.dma_semaphore, #tpu.memory_space<semaphore_mem>>, %arg8: memref<4x!tpu.dma_semaphore, #tpu.memory_space<semaphore_mem>>) attributes {dimension_semantics = [#tpu.dimension_semantics<core_parallel>, #tpu.dimension_semantics<subcore_parallel>], iteration_bounds = array<i64: 2, 16>, scalar_prefetch = 0 : i64, scratch_operands = 4 : i64, tpu.core_type = #tpu.core_type<sc_vector_subcore>, window_params = [{transform_indices = #map}, {transform_indices = #map1}, {transform_indices = #map2}]} {
    %mul3A = arith.constant 2 : i32
    %mul3A_0 = arith.muli %arg1, %mul3A : i32
    %add3A = arith.addi %mul3A_0, %arg0 : i32
    %mul3A_1 = arith.constant 128 : i32
    %mul3A_2 = arith.muli %add3A, %mul3A_1 : i32
    "tpu.region"() ({
      %run_scoped3A = tpu.sem_alloc : memref<!tpu.dma_semaphore, #tpu.memory_space<semaphore_mem>>
      %dma_start3A_718 = arith.constant 0 : i32
      %dma_start3A_719 = arith.constant 0 : i32
      %dma_start3A_720 = arith.constant 0 : i32
      %dma_start3A_721 = tpu.memref_slice %arg2[%add3A, %dma_start3A_718, %dma_start3A_719, %dma_start3A_720] : memref<32x32x4x50xi32, #tpu.memory_space<hbm>> -> memref<1x32x4x50xi32, #tpu.memory_space<hbm>>
      %dma_start3A_722 = tpu.memref_squeeze %dma_start3A_721 : memref<1x32x4x50xi32, #tpu.memory_space<hbm>> -> memref<32x4x50xi32, #tpu.memory_space<hbm>>
      %dma_start3A_723 = arith.constant 0 : i32
      %dma_start3A_724 = arith.constant 0 : i32
      %dma_start3A_725 = arith.constant 0 : i32
      %dma_start3A_726 = tpu.memref_slice %arg2[%add3A, %dma_start3A_723, %dma_start3A_724, %dma_start3A_725] : memref<32x32x4x50xi32, #tpu.memory_space<hbm>> -> memref<1x32x4x50xi32, #tpu.memory_space<hbm>>
      %dma_start3A_727 = tpu.memref_squeeze %dma_start3A_726 : memref<1x32x4x50xi32, #tpu.memory_space<hbm>> -> memref<32x4x50xi32, #tpu.memory_space<hbm>>
      tpu.enqueue_dma source(%dma_start3A_727 : memref<32x4x50xi32, #tpu.memory_space<hbm>>) target(%arg5 : memref<32x4x50xi32, #tpu.memory_space<vmem>>) target_semaphore(%run_scoped3A : memref<!tpu.dma_semaphore, #tpu.memory_space<semaphore_mem>>)
      %dma_wait3A_728 = arith.constant 0 : i32
      %dma_wait3A_729 = arith.constant 0 : i32
      %dma_wait3A_730 = arith.constant 0 : i32
      %dma_wait3A_731 = tpu.memref_slice %arg2[%add3A, %dma_wait3A_728, %dma_wait3A_729, %dma_wait3A_730] : memref<32x32x4x50xi32, #tpu.memory_space<hbm>> -> memref<1x32x4x50xi32, #tpu.memory_space<hbm>>
      %dma_wait3A_732 = tpu.memref_squeeze %dma_wait3A_731 : memref<1x32x4x50xi32, #tpu.memory_space<hbm>> -> memref<32x4x50xi32, #tpu.memory_space<hbm>>
      %dma_wait3A_733 = arith.constant 0 : i32
      %dma_wait3A_734 = arith.constant 0 : i32
      %dma_wait3A_735 = arith.constant 0 : i32
      %dma_wait3A_736 = tpu.memref_slice %arg2[%add3A, %dma_wait3A_733, %dma_wait3A_734, %dma_wait3A_735] : memref<32x32x4x50xi32, #tpu.memory_space<hbm>> -> memref<1x32x4x50xi32, #tpu.memory_space<hbm>>
      %dma_wait3A_737 = tpu.memref_squeeze %dma_wait3A_736 : memref<1x32x4x50xi32, #tpu.memory_space<hbm>> -> memref<32x4x50xi32, #tpu.memory_space<hbm>>
      tpu.wait_dma2 semaphore(%run_scoped3A : memref<!tpu.dma_semaphore, #tpu.memory_space<semaphore_mem>>) src(%dma_wait3A_737 : memref<32x4x50xi32, #tpu.memory_space<hbm>>) dst(%arg5 : memref<32x4x50xi32, #tpu.memory_space<vmem>>)
      tpu.yield
    }) : () -> ()
    %dma_start3A = arith.constant 0 : i32
    %dma_start3A_3 = arith.constant 0 : i32
    %dma_start3A_4 = arith.constant 0 : i32
    %dma_start3A_5 = arith.constant 0 : i32
    %dma_start3A_6 = arith.constant 0 : i32
    %dma_start3A_7 = arith.constant 0 : i32
    %dma_start3A_8 = arith.constant 0 : i32
    %dma_start3A_9 = tpu.memref_slice %arg6[%dma_start3A_4, %dma_start3A_5, %dma_start3A_7, %dma_start3A_8] : memref<4x4x50x128xf32, #tpu.memory_space<vmem>> -> memref<1x1x50x128xf32, #tpu.memory_space<vmem>>
    %dma_start3A_10 = tpu.memref_squeeze %dma_start3A_9 : memref<1x1x50x128xf32, #tpu.memory_space<vmem>> -> memref<50x128xf32, #tpu.memory_space<vmem>>
    %dma_start3A_11 = arith.constant 0 : i32
    %dma_start3A_12 = tpu.memref_slice %arg5[%dma_start3A, %dma_start3A_3, %dma_start3A_11] : memref<32x4x50xi32, #tpu.memory_space<vmem>> -> memref<1x1x50xi32, #tpu.memory_space<vmem>>
    %dma_start3A_13 = tpu.memref_squeeze %dma_start3A_12 : memref<1x1x50xi32, #tpu.memory_space<vmem>> -> memref<50xi32, #tpu.memory_space<vmem>>
    %dma_start3A_14 = arith.constant 0 : i32
    %dma_start3A_15 = arith.constant 0 : i32
    %dma_start3A_16 = tpu.memref_slice %arg3[%dma_start3A_14, %dma_start3A_15] : memref<100000x128xf32, #tpu.memory_space<hbm>> -> memref<100000x128xf32, #tpu.memory_space<hbm>>
    %dma_start3A_17 = tpu.memref_slice %arg7[%dma_start3A_6] : memref<4x!tpu.dma_semaphore, #tpu.memory_space<semaphore_mem>> -> memref<1x!tpu.dma_semaphore, #tpu.memory_space<semaphore_mem>>
    %dma_start3A_18 = tpu.memref_squeeze %dma_start3A_17 : memref<1x!tpu.dma_semaphore, #tpu.memory_space<semaphore_mem>> -> memref<!tpu.dma_semaphore, #tpu.memory_space<semaphore_mem>>
    tpu.enqueue_indirect_dma source(%dma_start3A_16 : memref<100000x128xf32, #tpu.memory_space<hbm>>) target(%dma_start3A_10 : memref<50x128xf32, #tpu.memory_space<vmem>>) offsets(%dma_start3A_13 : memref<50xi32, #tpu.memory_space<vmem>>) semaphore(%dma_start3A_18 : memref<!tpu.dma_semaphore, #tpu.memory_space<semaphore_mem>>)
    %dma_start3A_19 = arith.constant 0 : i32
    %dma_start3A_20 = arith.constant 1 : i32
    %dma_start3A_21 = arith.constant 0 : i32
    %dma_start3A_22 = arith.constant 1 : i32
    %dma_start3A_23 = arith.constant 0 : i32
    %dma_start3A_24 = arith.constant 0 : i32
    %dma_start3A_25 = arith.constant 0 : i32
    %dma_start3A_26 = tpu.memref_slice %arg6[%dma_start3A_21, %dma_start3A_22, %dma_start3A_24, %dma_start3A_25] : memref<4x4x50x128xf32, #tpu.memory_space<vmem>> -> memref<1x1x50x128xf32, #tpu.memory_space<vmem>>
    %dma_start3A_27 = tpu.memref_squeeze %dma_start3A_26 : memref<1x1x50x128xf32, #tpu.memory_space<vmem>> -> memref<50x128xf32, #tpu.memory_space<vmem>>
    %dma_start3A_28 = arith.constant 0 : i32
    %dma_start3A_29 = tpu.memref_slice %arg5[%dma_start3A_19, %dma_start3A_20, %dma_start3A_28] : memref<32x4x50xi32, #tpu.memory_space<vmem>> -> memref<1x1x50xi32, #tpu.memory_space<vmem>>
    %dma_start3A_30 = tpu.memref_squeeze %dma_start3A_29 : memref<1x1x50xi32, #tpu.memory_space<vmem>> -> memref<50xi32, #tpu.memory_space<vmem>>
    %dma_start3A_31 = arith.constant 0 : i32
    %dma_start3A_32 = arith.constant 0 : i32
    %dma_start3A_33 = tpu.memref_slice %arg3[%dma_start3A_31, %dma_start3A_32] : memref<100000x128xf32, #tpu.memory_space<hbm>> -> memref<100000x128xf32, #tpu.memory_space<hbm>>
    %dma_start3A_34 = tpu.memref_slice %arg7[%dma_start3A_23] : memref<4x!tpu.dma_semaphore, #tpu.memory_space<semaphore_mem>> -> memref<1x!tpu.dma_semaphore, #tpu.memory_space<semaphore_mem>>
    %dma_start3A_35 = tpu.memref_squeeze %dma_start3A_34 : memref<1x!tpu.dma_semaphore, #tpu.memory_space<semaphore_mem>> -> memref<!tpu.dma_semaphore, #tpu.memory_space<semaphore_mem>>
    tpu.enqueue_indirect_dma source(%dma_start3A_33 : memref<100000x128xf32, #tpu.memory_space<hbm>>) target(%dma_start3A_27 : memref<50x128xf32, #tpu.memory_space<vmem>>) offsets(%dma_start3A_30 : memref<50xi32, #tpu.memory_space<vmem>>) semaphore(%dma_start3A_35 : memref<!tpu.dma_semaphore, #tpu.memory_space<semaphore_mem>>)
    %dma_start3A_36 = arith.constant 0 : i32
    %dma_start3A_37 = arith.constant 2 : i32
    %dma_start3A_38 = arith.constant 0 : i32
    %dma_start3A_39 = arith.constant 2 : i32
    %dma_start3A_40 = arith.constant 0 : i32
    %dma_start3A_41 = arith.constant 0 : i32
    %dma_start3A_42 = arith.constant 0 : i32
    %dma_start3A_43 = tpu.memref_slice %arg6[%dma_start3A_38, %dma_start3A_39, %dma_start3A_41, %dma_start3A_42] : memref<4x4x50x128xf32, #tpu.memory_space<vmem>> -> memref<1x1x50x128xf32, #tpu.memory_space<vmem>>
    %dma_start3A_44 = tpu.memref_squeeze %dma_start3A_43 : memref<1x1x50x128xf32, #tpu.memory_space<vmem>> -> memref<50x128xf32, #tpu.memory_space<vmem>>
    %dma_start3A_45 = arith.constant 0 : i32
    %dma_start3A_46 = tpu.memref_slice %arg5[%dma_start3A_36, %dma_start3A_37, %dma_start3A_45] : memref<32x4x50xi32, #tpu.memory_space<vmem>> -> memref<1x1x50xi32, #tpu.memory_space<vmem>>
    %dma_start3A_47 = tpu.memref_squeeze %dma_start3A_46 : memref<1x1x50xi32, #tpu.memory_space<vmem>> -> memref<50xi32, #tpu.memory_space<vmem>>
    %dma_start3A_48 = arith.constant 0 : i32
    %dma_start3A_49 = arith.constant 0 : i32
    %dma_start3A_50 = tpu.memref_slice %arg3[%dma_start3A_48, %dma_start3A_49] : memref<100000x128xf32, #tpu.memory_space<hbm>> -> memref<100000x128xf32, #tpu.memory_space<hbm>>
    %dma_start3A_51 = tpu.memref_slice %arg7[%dma_start3A_40] : memref<4x!tpu.dma_semaphore, #tpu.memory_space<semaphore_mem>> -> memref<1x!tpu.dma_semaphore, #tpu.memory_space<semaphore_mem>>
    %dma_start3A_52 = tpu.memref_squeeze %dma_start3A_51 : memref<1x!tpu.dma_semaphore, #tpu.memory_space<semaphore_mem>> -> memref<!tpu.dma_semaphore, #tpu.memory_space<semaphore_mem>>
    tpu.enqueue_indirect_dma source(%dma_start3A_50 : memref<100000x128xf32, #tpu.memory_space<hbm>>) target(%dma_start3A_44 : memref<50x128xf32, #tpu.memory_space<vmem>>) offsets(%dma_start3A_47 : memref<50xi32, #tpu.memory_space<vmem>>) semaphore(%dma_start3A_52 : memref<!tpu.dma_semaphore, #tpu.memory_space<semaphore_mem>>)
    %dma_start3A_53 = arith.constant 0 : i32
    %dma_start3A_54 = arith.constant 3 : i32
    %dma_start3A_55 = arith.constant 0 : i32
    %dma_start3A_56 = arith.constant 3 : i32
    %dma_start3A_57 = arith.constant 0 : i32
    %dma_start3A_58 = arith.constant 0 : i32
    %dma_start3A_59 = arith.constant 0 : i32
    %dma_start3A_60 = tpu.memref_slice %arg6[%dma_start3A_55, %dma_start3A_56, %dma_start3A_58, %dma_start3A_59] : memref<4x4x50x128xf32, #tpu.memory_space<vmem>> -> memref<1x1x50x128xf32, #tpu.memory_space<vmem>>
    %dma_start3A_61 = tpu.memref_squeeze %dma_start3A_60 : memref<1x1x50x128xf32, #tpu.memory_space<vmem>> -> memref<50x128xf32, #tpu.memory_space<vmem>>
    %dma_start3A_62 = arith.constant 0 : i32
    %dma_start3A_63 = tpu.memref_slice %arg5[%dma_start3A_53, %dma_start3A_54, %dma_start3A_62] : memref<32x4x50xi32, #tpu.memory_space<vmem>> -> memref<1x1x50xi32, #tpu.memory_space<vmem>>
    %dma_start3A_64 = tpu.memref_squeeze %dma_start3A_63 : memref<1x1x50xi32, #tpu.memory_space<vmem>> -> memref<50xi32, #tpu.memory_space<vmem>>
    %dma_start3A_65 = arith.constant 0 : i32
    %dma_start3A_66 = arith.constant 0 : i32
    %dma_start3A_67 = tpu.memref_slice %arg3[%dma_start3A_65, %dma_start3A_66] : memref<100000x128xf32, #tpu.memory_space<hbm>> -> memref<100000x128xf32, #tpu.memory_space<hbm>>
    %dma_start3A_68 = tpu.memref_slice %arg7[%dma_start3A_57] : memref<4x!tpu.dma_semaphore, #tpu.memory_space<semaphore_mem>> -> memref<1x!tpu.dma_semaphore, #tpu.memory_space<semaphore_mem>>
    %dma_start3A_69 = tpu.memref_squeeze %dma_start3A_68 : memref<1x!tpu.dma_semaphore, #tpu.memory_space<semaphore_mem>> -> memref<!tpu.dma_semaphore, #tpu.memory_space<semaphore_mem>>
    tpu.enqueue_indirect_dma source(%dma_start3A_67 : memref<100000x128xf32, #tpu.memory_space<hbm>>) target(%dma_start3A_61 : memref<50x128xf32, #tpu.memory_space<vmem>>) offsets(%dma_start3A_64 : memref<50xi32, #tpu.memory_space<vmem>>) semaphore(%dma_start3A_69 : memref<!tpu.dma_semaphore, #tpu.memory_space<semaphore_mem>>)
    %dma_start3A_70 = arith.constant 1 : i32
    %dma_start3A_71 = arith.constant 0 : i32
    %dma_start3A_72 = arith.constant 1 : i32
    %dma_start3A_73 = arith.constant 0 : i32
    %dma_start3A_74 = arith.constant 1 : i32
    %dma_start3A_75 = arith.constant 0 : i32
    %dma_start3A_76 = arith.constant 0 : i32
    %dma_start3A_77 = tpu.memref_slice %arg6[%dma_start3A_72, %dma_start3A_73, %dma_start3A_75, %dma_start3A_76] : memref<4x4x50x128xf32, #tpu.memory_space<vmem>> -> memref<1x1x50x128xf32, #tpu.memory_space<vmem>>
    %dma_start3A_78 = tpu.memref_squeeze %dma_start3A_77 : memref<1x1x50x128xf32, #tpu.memory_space<vmem>> -> memref<50x128xf32, #tpu.memory_space<vmem>>
    %dma_start3A_79 = arith.constant 0 : i32
    %dma_start3A_80 = tpu.memref_slice %arg5[%dma_start3A_70, %dma_start3A_71, %dma_start3A_79] : memref<32x4x50xi32, #tpu.memory_space<vmem>> -> memref<1x1x50xi32, #tpu.memory_space<vmem>>
    %dma_start3A_81 = tpu.memref_squeeze %dma_start3A_80 : memref<1x1x50xi32, #tpu.memory_space<vmem>> -> memref<50xi32, #tpu.memory_space<vmem>>
    %dma_start3A_82 = arith.constant 0 : i32
    %dma_start3A_83 = arith.constant 0 : i32
    %dma_start3A_84 = tpu.memref_slice %arg3[%dma_start3A_82, %dma_start3A_83] : memref<100000x128xf32, #tpu.memory_space<hbm>> -> memref<100000x128xf32, #tpu.memory_space<hbm>>
    %dma_start3A_85 = tpu.memref_slice %arg7[%dma_start3A_74] : memref<4x!tpu.dma_semaphore, #tpu.memory_space<semaphore_mem>> -> memref<1x!tpu.dma_semaphore, #tpu.memory_space<semaphore_mem>>
    %dma_start3A_86 = tpu.memref_squeeze %dma_start3A_85 : memref<1x!tpu.dma_semaphore, #tpu.memory_space<semaphore_mem>> -> memref<!tpu.dma_semaphore, #tpu.memory_space<semaphore_mem>>
    tpu.enqueue_indirect_dma source(%dma_start3A_84 : memref<100000x128xf32, #tpu.memory_space<hbm>>) target(%dma_start3A_78 : memref<50x128xf32, #tpu.memory_space<vmem>>) offsets(%dma_start3A_81 : memref<50xi32, #tpu.memory_space<vmem>>) semaphore(%dma_start3A_86 : memref<!tpu.dma_semaphore, #tpu.memory_space<semaphore_mem>>)
    %dma_start3A_87 = arith.constant 1 : i32
    %dma_start3A_88 = arith.constant 1 : i32
    %dma_start3A_89 = arith.constant 1 : i32
    %dma_start3A_90 = arith.constant 1 : i32
    %dma_start3A_91 = arith.constant 1 : i32
    %dma_start3A_92 = arith.constant 0 : i32
    %dma_start3A_93 = arith.constant 0 : i32
    %dma_start3A_94 = tpu.memref_slice %arg6[%dma_start3A_89, %dma_start3A_90, %dma_start3A_92, %dma_start3A_93] : memref<4x4x50x128xf32, #tpu.memory_space<vmem>> -> memref<1x1x50x128xf32, #tpu.memory_space<vmem>>
    %dma_start3A_95 = tpu.memref_squeeze %dma_start3A_94 : memref<1x1x50x128xf32, #tpu.memory_space<vmem>> -> memref<50x128xf32, #tpu.memory_space<vmem>>
    %dma_start3A_96 = arith.constant 0 : i32
    %dma_start3A_97 = tpu.memref_slice %arg5[%dma_start3A_87, %dma_start3A_88, %dma_start3A_96] : memref<32x4x50xi32, #tpu.memory_space<vmem>> -> memref<1x1x50xi32, #tpu.memory_space<vmem>>
    %dma_start3A_98 = tpu.memref_squeeze %dma_start3A_97 : memref<1x1x50xi32, #tpu.memory_space<vmem>> -> memref<50xi32, #tpu.memory_space<vmem>>
    %dma_start3A_99 = arith.constant 0 : i32
    %dma_start3A_100 = arith.constant 0 : i32
    %dma_start3A_101 = tpu.memref_slice %arg3[%dma_start3A_99, %dma_start3A_100] : memref<100000x128xf32, #tpu.memory_space<hbm>> -> memref<100000x128xf32, #tpu.memory_space<hbm>>
    %dma_start3A_102 = tpu.memref_slice %arg7[%dma_start3A_91] : memref<4x!tpu.dma_semaphore, #tpu.memory_space<semaphore_mem>> -> memref<1x!tpu.dma_semaphore, #tpu.memory_space<semaphore_mem>>
    %dma_start3A_103 = tpu.memref_squeeze %dma_start3A_102 : memref<1x!tpu.dma_semaphore, #tpu.memory_space<semaphore_mem>> -> memref<!tpu.dma_semaphore, #tpu.memory_space<semaphore_mem>>
    tpu.enqueue_indirect_dma source(%dma_start3A_101 : memref<100000x128xf32, #tpu.memory_space<hbm>>) target(%dma_start3A_95 : memref<50x128xf32, #tpu.memory_space<vmem>>) offsets(%dma_start3A_98 : memref<50xi32, #tpu.memory_space<vmem>>) semaphore(%dma_start3A_103 : memref<!tpu.dma_semaphore, #tpu.memory_space<semaphore_mem>>)
    %dma_start3A_104 = arith.constant 1 : i32
    %dma_start3A_105 = arith.constant 2 : i32
    %dma_start3A_106 = arith.constant 1 : i32
    %dma_start3A_107 = arith.constant 2 : i32
    %dma_start3A_108 = arith.constant 1 : i32
    %dma_start3A_109 = arith.constant 0 : i32
    %dma_start3A_110 = arith.constant 0 : i32
    %dma_start3A_111 = tpu.memref_slice %arg6[%dma_start3A_106, %dma_start3A_107, %dma_start3A_109, %dma_start3A_110] : memref<4x4x50x128xf32, #tpu.memory_space<vmem>> -> memref<1x1x50x128xf32, #tpu.memory_space<vmem>>
    %dma_start3A_112 = tpu.memref_squeeze %dma_start3A_111 : memref<1x1x50x128xf32, #tpu.memory_space<vmem>> -> memref<50x128xf32, #tpu.memory_space<vmem>>
    %dma_start3A_113 = arith.constant 0 : i32
    %dma_start3A_114 = tpu.memref_slice %arg5[%dma_start3A_104, %dma_start3A_105, %dma_start3A_113] : memref<32x4x50xi32, #tpu.memory_space<vmem>> -> memref<1x1x50xi32, #tpu.memory_space<vmem>>
    %dma_start3A_115 = tpu.memref_squeeze %dma_start3A_114 : memref<1x1x50xi32, #tpu.memory_space<vmem>> -> memref<50xi32, #tpu.memory_space<vmem>>
    %dma_start3A_116 = arith.constant 0 : i32
    %dma_start3A_117 = arith.constant 0 : i32
    %dma_start3A_118 = tpu.memref_slice %arg3[%dma_start3A_116, %dma_start3A_117] : memref<100000x128xf32, #tpu.memory_space<hbm>> -> memref<100000x128xf32, #tpu.memory_space<hbm>>
    %dma_start3A_119 = tpu.memref_slice %arg7[%dma_start3A_108] : memref<4x!tpu.dma_semaphore, #tpu.memory_space<semaphore_mem>> -> memref<1x!tpu.dma_semaphore, #tpu.memory_space<semaphore_mem>>
    %dma_start3A_120 = tpu.memref_squeeze %dma_start3A_119 : memref<1x!tpu.dma_semaphore, #tpu.memory_space<semaphore_mem>> -> memref<!tpu.dma_semaphore, #tpu.memory_space<semaphore_mem>>
    tpu.enqueue_indirect_dma source(%dma_start3A_118 : memref<100000x128xf32, #tpu.memory_space<hbm>>) target(%dma_start3A_112 : memref<50x128xf32, #tpu.memory_space<vmem>>) offsets(%dma_start3A_115 : memref<50xi32, #tpu.memory_space<vmem>>) semaphore(%dma_start3A_120 : memref<!tpu.dma_semaphore, #tpu.memory_space<semaphore_mem>>)
    %dma_start3A_121 = arith.constant 1 : i32
    %dma_start3A_122 = arith.constant 3 : i32
    %dma_start3A_123 = arith.constant 1 : i32
    %dma_start3A_124 = arith.constant 3 : i32
    %dma_start3A_125 = arith.constant 1 : i32
    %dma_start3A_126 = arith.constant 0 : i32
    %dma_start3A_127 = arith.constant 0 : i32
    %dma_start3A_128 = tpu.memref_slice %arg6[%dma_start3A_123, %dma_start3A_124, %dma_start3A_126, %dma_start3A_127] : memref<4x4x50x128xf32, #tpu.memory_space<vmem>> -> memref<1x1x50x128xf32, #tpu.memory_space<vmem>>
    %dma_start3A_129 = tpu.memref_squeeze %dma_start3A_128 : memref<1x1x50x128xf32, #tpu.memory_space<vmem>> -> memref<50x128xf32, #tpu.memory_space<vmem>>
    %dma_start3A_130 = arith.constant 0 : i32
    %dma_start3A_131 = tpu.memref_slice %arg5[%dma_start3A_121, %dma_start3A_122, %dma_start3A_130] : memref<32x4x50xi32, #tpu.memory_space<vmem>> -> memref<1x1x50xi32, #tpu.memory_space<vmem>>
    %dma_start3A_132 = tpu.memref_squeeze %dma_start3A_131 : memref<1x1x50xi32, #tpu.memory_space<vmem>> -> memref<50xi32, #tpu.memory_space<vmem>>
    %dma_start3A_133 = arith.constant 0 : i32
    %dma_start3A_134 = arith.constant 0 : i32
    %dma_start3A_135 = tpu.memref_slice %arg3[%dma_start3A_133, %dma_start3A_134] : memref<100000x128xf32, #tpu.memory_space<hbm>> -> memref<100000x128xf32, #tpu.memory_space<hbm>>
    %dma_start3A_136 = tpu.memref_slice %arg7[%dma_start3A_125] : memref<4x!tpu.dma_semaphore, #tpu.memory_space<semaphore_mem>> -> memref<1x!tpu.dma_semaphore, #tpu.memory_space<semaphore_mem>>
    %dma_start3A_137 = tpu.memref_squeeze %dma_start3A_136 : memref<1x!tpu.dma_semaphore, #tpu.memory_space<semaphore_mem>> -> memref<!tpu.dma_semaphore, #tpu.memory_space<semaphore_mem>>
    tpu.enqueue_indirect_dma source(%dma_start3A_135 : memref<100000x128xf32, #tpu.memory_space<hbm>>) target(%dma_start3A_129 : memref<50x128xf32, #tpu.memory_space<vmem>>) offsets(%dma_start3A_132 : memref<50xi32, #tpu.memory_space<vmem>>) semaphore(%dma_start3A_137 : memref<!tpu.dma_semaphore, #tpu.memory_space<semaphore_mem>>)
    %dma_start3A_138 = arith.constant 2 : i32
    %dma_start3A_139 = arith.constant 0 : i32
    %dma_start3A_140 = arith.constant 2 : i32
    %dma_start3A_141 = arith.constant 0 : i32
    %dma_start3A_142 = arith.constant 2 : i32
    %dma_start3A_143 = arith.constant 0 : i32
    %dma_start3A_144 = arith.constant 0 : i32
    %dma_start3A_145 = tpu.memref_slice %arg6[%dma_start3A_140, %dma_start3A_141, %dma_start3A_143, %dma_start3A_144] : memref<4x4x50x128xf32, #tpu.memory_space<vmem>> -> memref<1x1x50x128xf32, #tpu.memory_space<vmem>>
    %dma_start3A_146 = tpu.memref_squeeze %dma_start3A_145 : memref<1x1x50x128xf32, #tpu.memory_space<vmem>> -> memref<50x128xf32, #tpu.memory_space<vmem>>
    %dma_start3A_147 = arith.constant 0 : i32
    %dma_start3A_148 = tpu.memref_slice %arg5[%dma_start3A_138, %dma_start3A_139, %dma_start3A_147] : memref<32x4x50xi32, #tpu.memory_space<vmem>> -> memref<1x1x50xi32, #tpu.memory_space<vmem>>
    %dma_start3A_149 = tpu.memref_squeeze %dma_start3A_148 : memref<1x1x50xi32, #tpu.memory_space<vmem>> -> memref<50xi32, #tpu.memory_space<vmem>>
    %dma_start3A_150 = arith.constant 0 : i32
    %dma_start3A_151 = arith.constant 0 : i32
    %dma_start3A_152 = tpu.memref_slice %arg3[%dma_start3A_150, %dma_start3A_151] : memref<100000x128xf32, #tpu.memory_space<hbm>> -> memref<100000x128xf32, #tpu.memory_space<hbm>>
    %dma_start3A_153 = tpu.memref_slice %arg7[%dma_start3A_142] : memref<4x!tpu.dma_semaphore, #tpu.memory_space<semaphore_mem>> -> memref<1x!tpu.dma_semaphore, #tpu.memory_space<semaphore_mem>>
    %dma_start3A_154 = tpu.memref_squeeze %dma_start3A_153 : memref<1x!tpu.dma_semaphore, #tpu.memory_space<semaphore_mem>> -> memref<!tpu.dma_semaphore, #tpu.memory_space<semaphore_mem>>
    tpu.enqueue_indirect_dma source(%dma_start3A_152 : memref<100000x128xf32, #tpu.memory_space<hbm>>) target(%dma_start3A_146 : memref<50x128xf32, #tpu.memory_space<vmem>>) offsets(%dma_start3A_149 : memref<50xi32, #tpu.memory_space<vmem>>) semaphore(%dma_start3A_154 : memref<!tpu.dma_semaphore, #tpu.memory_space<semaphore_mem>>)
    %dma_start3A_155 = arith.constant 2 : i32
    %dma_start3A_156 = arith.constant 1 : i32
    %dma_start3A_157 = arith.constant 2 : i32
    %dma_start3A_158 = arith.constant 1 : i32
    %dma_start3A_159 = arith.constant 2 : i32
    %dma_start3A_160 = arith.constant 0 : i32
    %dma_start3A_161 = arith.constant 0 : i32
    %dma_start3A_162 = tpu.memref_slice %arg6[%dma_start3A_157, %dma_start3A_158, %dma_start3A_160, %dma_start3A_161] : memref<4x4x50x128xf32, #tpu.memory_space<vmem>> -> memref<1x1x50x128xf32, #tpu.memory_space<vmem>>
    %dma_start3A_163 = tpu.memref_squeeze %dma_start3A_162 : memref<1x1x50x128xf32, #tpu.memory_space<vmem>> -> memref<50x128xf32, #tpu.memory_space<vmem>>
    %dma_start3A_164 = arith.constant 0 : i32
    %dma_start3A_165 = tpu.memref_slice %arg5[%dma_start3A_155, %dma_start3A_156, %dma_start3A_164] : memref<32x4x50xi32, #tpu.memory_space<vmem>> -> memref<1x1x50xi32, #tpu.memory_space<vmem>>
    %dma_start3A_166 = tpu.memref_squeeze %dma_start3A_165 : memref<1x1x50xi32, #tpu.memory_space<vmem>> -> memref<50xi32, #tpu.memory_space<vmem>>
    %dma_start3A_167 = arith.constant 0 : i32
    %dma_start3A_168 = arith.constant 0 : i32
    %dma_start3A_169 = tpu.memref_slice %arg3[%dma_start3A_167, %dma_start3A_168] : memref<100000x128xf32, #tpu.memory_space<hbm>> -> memref<100000x128xf32, #tpu.memory_space<hbm>>
    %dma_start3A_170 = tpu.memref_slice %arg7[%dma_start3A_159] : memref<4x!tpu.dma_semaphore, #tpu.memory_space<semaphore_mem>> -> memref<1x!tpu.dma_semaphore, #tpu.memory_space<semaphore_mem>>
    %dma_start3A_171 = tpu.memref_squeeze %dma_start3A_170 : memref<1x!tpu.dma_semaphore, #tpu.memory_space<semaphore_mem>> -> memref<!tpu.dma_semaphore, #tpu.memory_space<semaphore_mem>>
    tpu.enqueue_indirect_dma source(%dma_start3A_169 : memref<100000x128xf32, #tpu.memory_space<hbm>>) target(%dma_start3A_163 : memref<50x128xf32, #tpu.memory_space<vmem>>) offsets(%dma_start3A_166 : memref<50xi32, #tpu.memory_space<vmem>>) semaphore(%dma_start3A_171 : memref<!tpu.dma_semaphore, #tpu.memory_space<semaphore_mem>>)
    %dma_start3A_172 = arith.constant 2 : i32
    %dma_start3A_173 = arith.constant 2 : i32
    %dma_start3A_174 = arith.constant 2 : i32
    %dma_start3A_175 = arith.constant 2 : i32
    %dma_start3A_176 = arith.constant 2 : i32
    %dma_start3A_177 = arith.constant 0 : i32
    %dma_start3A_178 = arith.constant 0 : i32
    %dma_start3A_179 = tpu.memref_slice %arg6[%dma_start3A_174, %dma_start3A_175, %dma_start3A_177, %dma_start3A_178] : memref<4x4x50x128xf32, #tpu.memory_space<vmem>> -> memref<1x1x50x128xf32, #tpu.memory_space<vmem>>
    %dma_start3A_180 = tpu.memref_squeeze %dma_start3A_179 : memref<1x1x50x128xf32, #tpu.memory_space<vmem>> -> memref<50x128xf32, #tpu.memory_space<vmem>>
    %dma_start3A_181 = arith.constant 0 : i32
    %dma_start3A_182 = tpu.memref_slice %arg5[%dma_start3A_172, %dma_start3A_173, %dma_start3A_181] : memref<32x4x50xi32, #tpu.memory_space<vmem>> -> memref<1x1x50xi32, #tpu.memory_space<vmem>>
    %dma_start3A_183 = tpu.memref_squeeze %dma_start3A_182 : memref<1x1x50xi32, #tpu.memory_space<vmem>> -> memref<50xi32, #tpu.memory_space<vmem>>
    %dma_start3A_184 = arith.constant 0 : i32
    %dma_start3A_185 = arith.constant 0 : i32
    %dma_start3A_186 = tpu.memref_slice %arg3[%dma_start3A_184, %dma_start3A_185] : memref<100000x128xf32, #tpu.memory_space<hbm>> -> memref<100000x128xf32, #tpu.memory_space<hbm>>
    %dma_start3A_187 = tpu.memref_slice %arg7[%dma_start3A_176] : memref<4x!tpu.dma_semaphore, #tpu.memory_space<semaphore_mem>> -> memref<1x!tpu.dma_semaphore, #tpu.memory_space<semaphore_mem>>
    %dma_start3A_188 = tpu.memref_squeeze %dma_start3A_187 : memref<1x!tpu.dma_semaphore, #tpu.memory_space<semaphore_mem>> -> memref<!tpu.dma_semaphore, #tpu.memory_space<semaphore_mem>>
    tpu.enqueue_indirect_dma source(%dma_start3A_186 : memref<100000x128xf32, #tpu.memory_space<hbm>>) target(%dma_start3A_180 : memref<50x128xf32, #tpu.memory_space<vmem>>) offsets(%dma_start3A_183 : memref<50xi32, #tpu.memory_space<vmem>>) semaphore(%dma_start3A_188 : memref<!tpu.dma_semaphore, #tpu.memory_space<semaphore_mem>>)
    %dma_start3A_189 = arith.constant 2 : i32
    %dma_start3A_190 = arith.constant 3 : i32
    %dma_start3A_191 = arith.constant 2 : i32
    %dma_start3A_192 = arith.constant 3 : i32
    %dma_start3A_193 = arith.constant 2 : i32
    %dma_start3A_194 = arith.constant 0 : i32
    %dma_start3A_195 = arith.constant 0 : i32
    %dma_start3A_196 = tpu.memref_slice %arg6[%dma_start3A_191, %dma_start3A_192, %dma_start3A_194, %dma_start3A_195] : memref<4x4x50x128xf32, #tpu.memory_space<vmem>> -> memref<1x1x50x128xf32, #tpu.memory_space<vmem>>
    %dma_start3A_197 = tpu.memref_squeeze %dma_start3A_196 : memref<1x1x50x128xf32, #tpu.memory_space<vmem>> -> memref<50x128xf32, #tpu.memory_space<vmem>>
    %dma_start3A_198 = arith.constant 0 : i32
    %dma_start3A_199 = tpu.memref_slice %arg5[%dma_start3A_189, %dma_start3A_190, %dma_start3A_198] : memref<32x4x50xi32, #tpu.memory_space<vmem>> -> memref<1x1x50xi32, #tpu.memory_space<vmem>>
    %dma_start3A_200 = tpu.memref_squeeze %dma_start3A_199 : memref<1x1x50xi32, #tpu.memory_space<vmem>> -> memref<50xi32, #tpu.memory_space<vmem>>
    %dma_start3A_201 = arith.constant 0 : i32
    %dma_start3A_202 = arith.constant 0 : i32
    %dma_start3A_203 = tpu.memref_slice %arg3[%dma_start3A_201, %dma_start3A_202] : memref<100000x128xf32, #tpu.memory_space<hbm>> -> memref<100000x128xf32, #tpu.memory_space<hbm>>
    %dma_start3A_204 = tpu.memref_slice %arg7[%dma_start3A_193] : memref<4x!tpu.dma_semaphore, #tpu.memory_space<semaphore_mem>> -> memref<1x!tpu.dma_semaphore, #tpu.memory_space<semaphore_mem>>
    %dma_start3A_205 = tpu.memref_squeeze %dma_start3A_204 : memref<1x!tpu.dma_semaphore, #tpu.memory_space<semaphore_mem>> -> memref<!tpu.dma_semaphore, #tpu.memory_space<semaphore_mem>>
    tpu.enqueue_indirect_dma source(%dma_start3A_203 : memref<100000x128xf32, #tpu.memory_space<hbm>>) target(%dma_start3A_197 : memref<50x128xf32, #tpu.memory_space<vmem>>) offsets(%dma_start3A_200 : memref<50xi32, #tpu.memory_space<vmem>>) semaphore(%dma_start3A_205 : memref<!tpu.dma_semaphore, #tpu.memory_space<semaphore_mem>>)
    %dma_start3A_206 = arith.constant 3 : i32
    %dma_start3A_207 = arith.constant 0 : i32
    %dma_start3A_208 = arith.constant 3 : i32
    %dma_start3A_209 = arith.constant 0 : i32
    %dma_start3A_210 = arith.constant 3 : i32
    %dma_start3A_211 = arith.constant 0 : i32
    %dma_start3A_212 = arith.constant 0 : i32
    %dma_start3A_213 = tpu.memref_slice %arg6[%dma_start3A_208, %dma_start3A_209, %dma_start3A_211, %dma_start3A_212] : memref<4x4x50x128xf32, #tpu.memory_space<vmem>> -> memref<1x1x50x128xf32, #tpu.memory_space<vmem>>
    %dma_start3A_214 = tpu.memref_squeeze %dma_start3A_213 : memref<1x1x50x128xf32, #tpu.memory_space<vmem>> -> memref<50x128xf32, #tpu.memory_space<vmem>>
    %dma_start3A_215 = arith.constant 0 : i32
    %dma_start3A_216 = tpu.memref_slice %arg5[%dma_start3A_206, %dma_start3A_207, %dma_start3A_215] : memref<32x4x50xi32, #tpu.memory_space<vmem>> -> memref<1x1x50xi32, #tpu.memory_space<vmem>>
    %dma_start3A_217 = tpu.memref_squeeze %dma_start3A_216 : memref<1x1x50xi32, #tpu.memory_space<vmem>> -> memref<50xi32, #tpu.memory_space<vmem>>
    %dma_start3A_218 = arith.constant 0 : i32
    %dma_start3A_219 = arith.constant 0 : i32
    %dma_start3A_220 = tpu.memref_slice %arg3[%dma_start3A_218, %dma_start3A_219] : memref<100000x128xf32, #tpu.memory_space<hbm>> -> memref<100000x128xf32, #tpu.memory_space<hbm>>
    %dma_start3A_221 = tpu.memref_slice %arg7[%dma_start3A_210] : memref<4x!tpu.dma_semaphore, #tpu.memory_space<semaphore_mem>> -> memref<1x!tpu.dma_semaphore, #tpu.memory_space<semaphore_mem>>
    %dma_start3A_222 = tpu.memref_squeeze %dma_start3A_221 : memref<1x!tpu.dma_semaphore, #tpu.memory_space<semaphore_mem>> -> memref<!tpu.dma_semaphore, #tpu.memory_space<semaphore_mem>>
    tpu.enqueue_indirect_dma source(%dma_start3A_220 : memref<100000x128xf32, #tpu.memory_space<hbm>>) target(%dma_start3A_214 : memref<50x128xf32, #tpu.memory_space<vmem>>) offsets(%dma_start3A_217 : memref<50xi32, #tpu.memory_space<vmem>>) semaphore(%dma_start3A_222 : memref<!tpu.dma_semaphore, #tpu.memory_space<semaphore_mem>>)
    %dma_start3A_223 = arith.constant 3 : i32
    %dma_start3A_224 = arith.constant 1 : i32
    %dma_start3A_225 = arith.constant 3 : i32
    %dma_start3A_226 = arith.constant 1 : i32
    %dma_start3A_227 = arith.constant 3 : i32
    %dma_start3A_228 = arith.constant 0 : i32
    %dma_start3A_229 = arith.constant 0 : i32
    %dma_start3A_230 = tpu.memref_slice %arg6[%dma_start3A_225, %dma_start3A_226, %dma_start3A_228, %dma_start3A_229] : memref<4x4x50x128xf32, #tpu.memory_space<vmem>> -> memref<1x1x50x128xf32, #tpu.memory_space<vmem>>
    %dma_start3A_231 = tpu.memref_squeeze %dma_start3A_230 : memref<1x1x50x128xf32, #tpu.memory_space<vmem>> -> memref<50x128xf32, #tpu.memory_space<vmem>>
    %dma_start3A_232 = arith.constant 0 : i32
    %dma_start3A_233 = tpu.memref_slice %arg5[%dma_start3A_223, %dma_start3A_224, %dma_start3A_232] : memref<32x4x50xi32, #tpu.memory_space<vmem>> -> memref<1x1x50xi32, #tpu.memory_space<vmem>>
    %dma_start3A_234 = tpu.memref_squeeze %dma_start3A_233 : memref<1x1x50xi32, #tpu.memory_space<vmem>> -> memref<50xi32, #tpu.memory_space<vmem>>
    %dma_start3A_235 = arith.constant 0 : i32
    %dma_start3A_236 = arith.constant 0 : i32
    %dma_start3A_237 = tpu.memref_slice %arg3[%dma_start3A_235, %dma_start3A_236] : memref<100000x128xf32, #tpu.memory_space<hbm>> -> memref<100000x128xf32, #tpu.memory_space<hbm>>
    %dma_start3A_238 = tpu.memref_slice %arg7[%dma_start3A_227] : memref<4x!tpu.dma_semaphore, #tpu.memory_space<semaphore_mem>> -> memref<1x!tpu.dma_semaphore, #tpu.memory_space<semaphore_mem>>
    %dma_start3A_239 = tpu.memref_squeeze %dma_start3A_238 : memref<1x!tpu.dma_semaphore, #tpu.memory_space<semaphore_mem>> -> memref<!tpu.dma_semaphore, #tpu.memory_space<semaphore_mem>>
    tpu.enqueue_indirect_dma source(%dma_start3A_237 : memref<100000x128xf32, #tpu.memory_space<hbm>>) target(%dma_start3A_231 : memref<50x128xf32, #tpu.memory_space<vmem>>) offsets(%dma_start3A_234 : memref<50xi32, #tpu.memory_space<vmem>>) semaphore(%dma_start3A_239 : memref<!tpu.dma_semaphore, #tpu.memory_space<semaphore_mem>>)
    %dma_start3A_240 = arith.constant 3 : i32
    %dma_start3A_241 = arith.constant 2 : i32
    %dma_start3A_242 = arith.constant 3 : i32
    %dma_start3A_243 = arith.constant 2 : i32
    %dma_start3A_244 = arith.constant 3 : i32
    %dma_start3A_245 = arith.constant 0 : i32
    %dma_start3A_246 = arith.constant 0 : i32
    %dma_start3A_247 = tpu.memref_slice %arg6[%dma_start3A_242, %dma_start3A_243, %dma_start3A_245, %dma_start3A_246] : memref<4x4x50x128xf32, #tpu.memory_space<vmem>> -> memref<1x1x50x128xf32, #tpu.memory_space<vmem>>
    %dma_start3A_248 = tpu.memref_squeeze %dma_start3A_247 : memref<1x1x50x128xf32, #tpu.memory_space<vmem>> -> memref<50x128xf32, #tpu.memory_space<vmem>>
    %dma_start3A_249 = arith.constant 0 : i32
    %dma_start3A_250 = tpu.memref_slice %arg5[%dma_start3A_240, %dma_start3A_241, %dma_start3A_249] : memref<32x4x50xi32, #tpu.memory_space<vmem>> -> memref<1x1x50xi32, #tpu.memory_space<vmem>>
    %dma_start3A_251 = tpu.memref_squeeze %dma_start3A_250 : memref<1x1x50xi32, #tpu.memory_space<vmem>> -> memref<50xi32, #tpu.memory_space<vmem>>
    %dma_start3A_252 = arith.constant 0 : i32
    %dma_start3A_253 = arith.constant 0 : i32
    %dma_start3A_254 = tpu.memref_slice %arg3[%dma_start3A_252, %dma_start3A_253] : memref<100000x128xf32, #tpu.memory_space<hbm>> -> memref<100000x128xf32, #tpu.memory_space<hbm>>
    %dma_start3A_255 = tpu.memref_slice %arg7[%dma_start3A_244] : memref<4x!tpu.dma_semaphore, #tpu.memory_space<semaphore_mem>> -> memref<1x!tpu.dma_semaphore, #tpu.memory_space<semaphore_mem>>
    %dma_start3A_256 = tpu.memref_squeeze %dma_start3A_255 : memref<1x!tpu.dma_semaphore, #tpu.memory_space<semaphore_mem>> -> memref<!tpu.dma_semaphore, #tpu.memory_space<semaphore_mem>>
    tpu.enqueue_indirect_dma source(%dma_start3A_254 : memref<100000x128xf32, #tpu.memory_space<hbm>>) target(%dma_start3A_248 : memref<50x128xf32, #tpu.memory_space<vmem>>) offsets(%dma_start3A_251 : memref<50xi32, #tpu.memory_space<vmem>>) semaphore(%dma_start3A_256 : memref<!tpu.dma_semaphore, #tpu.memory_space<semaphore_mem>>)
    %dma_start3A_257 = arith.constant 3 : i32
    %dma_start3A_258 = arith.constant 3 : i32
    %dma_start3A_259 = arith.constant 3 : i32
    %dma_start3A_260 = arith.constant 3 : i32
    %dma_start3A_261 = arith.constant 3 : i32
    %dma_start3A_262 = arith.constant 0 : i32
    %dma_start3A_263 = arith.constant 0 : i32
    %dma_start3A_264 = tpu.memref_slice %arg6[%dma_start3A_259, %dma_start3A_260, %dma_start3A_262, %dma_start3A_263] : memref<4x4x50x128xf32, #tpu.memory_space<vmem>> -> memref<1x1x50x128xf32, #tpu.memory_space<vmem>>
    %dma_start3A_265 = tpu.memref_squeeze %dma_start3A_264 : memref<1x1x50x128xf32, #tpu.memory_space<vmem>> -> memref<50x128xf32, #tpu.memory_space<vmem>>
    %dma_start3A_266 = arith.constant 0 : i32
    %dma_start3A_267 = tpu.memref_slice %arg5[%dma_start3A_257, %dma_start3A_258, %dma_start3A_266] : memref<32x4x50xi32, #tpu.memory_space<vmem>> -> memref<1x1x50xi32, #tpu.memory_space<vmem>>
    %dma_start3A_268 = tpu.memref_squeeze %dma_start3A_267 : memref<1x1x50xi32, #tpu.memory_space<vmem>> -> memref<50xi32, #tpu.memory_space<vmem>>
    %dma_start3A_269 = arith.constant 0 : i32
    %dma_start3A_270 = arith.constant 0 : i32
    %dma_start3A_271 = tpu.memref_slice %arg3[%dma_start3A_269, %dma_start3A_270] : memref<100000x128xf32, #tpu.memory_space<hbm>> -> memref<100000x128xf32, #tpu.memory_space<hbm>>
    %dma_start3A_272 = tpu.memref_slice %arg7[%dma_start3A_261] : memref<4x!tpu.dma_semaphore, #tpu.memory_space<semaphore_mem>> -> memref<1x!tpu.dma_semaphore, #tpu.memory_space<semaphore_mem>>
    %dma_start3A_273 = tpu.memref_squeeze %dma_start3A_272 : memref<1x!tpu.dma_semaphore, #tpu.memory_space<semaphore_mem>> -> memref<!tpu.dma_semaphore, #tpu.memory_space<semaphore_mem>>
    tpu.enqueue_indirect_dma source(%dma_start3A_271 : memref<100000x128xf32, #tpu.memory_space<hbm>>) target(%dma_start3A_265 : memref<50x128xf32, #tpu.memory_space<vmem>>) offsets(%dma_start3A_268 : memref<50xi32, #tpu.memory_space<vmem>>) semaphore(%dma_start3A_273 : memref<!tpu.dma_semaphore, #tpu.memory_space<semaphore_mem>>)
    %dma_wait3A = arith.constant 0 : i32
    %dma_wait3A_274 = arith.constant 0 : i32
    %dma_wait3A_275 = arith.constant 0 : i32
    %dma_wait3A_276 = arith.constant 0 : i32
    %dma_wait3A_277 = arith.constant 0 : i32
    %dma_wait3A_278 = arith.constant 0 : i32
    %dma_wait3A_279 = arith.constant 0 : i32
    %dma_wait3A_280 = tpu.memref_slice %arg6[%dma_wait3A_275, %dma_wait3A_276, %dma_wait3A_278, %dma_wait3A_279] : memref<4x4x50x128xf32, #tpu.memory_space<vmem>> -> memref<1x1x50x128xf32, #tpu.memory_space<vmem>>
    %dma_wait3A_281 = tpu.memref_squeeze %dma_wait3A_280 : memref<1x1x50x128xf32, #tpu.memory_space<vmem>> -> memref<50x128xf32, #tpu.memory_space<vmem>>
    %dma_wait3A_282 = arith.constant 0 : i32
    %dma_wait3A_283 = tpu.memref_slice %arg5[%dma_wait3A, %dma_wait3A_274, %dma_wait3A_282] : memref<32x4x50xi32, #tpu.memory_space<vmem>> -> memref<1x1x50xi32, #tpu.memory_space<vmem>>
    %dma_wait3A_284 = tpu.memref_squeeze %dma_wait3A_283 : memref<1x1x50xi32, #tpu.memory_space<vmem>> -> memref<50xi32, #tpu.memory_space<vmem>>
    %dma_wait3A_285 = arith.constant 0 : i32
    %dma_wait3A_286 = arith.constant 0 : i32
    %dma_wait3A_287 = tpu.memref_slice %arg3[%dma_wait3A_285, %dma_wait3A_286] : memref<100000x128xf32, #tpu.memory_space<hbm>> -> memref<100000x128xf32, #tpu.memory_space<hbm>>
    %dma_wait3A_288 = tpu.memref_slice %arg7[%dma_wait3A_277] : memref<4x!tpu.dma_semaphore, #tpu.memory_space<semaphore_mem>> -> memref<1x!tpu.dma_semaphore, #tpu.memory_space<semaphore_mem>>
    %dma_wait3A_289 = tpu.memref_squeeze %dma_wait3A_288 : memref<1x!tpu.dma_semaphore, #tpu.memory_space<semaphore_mem>> -> memref<!tpu.dma_semaphore, #tpu.memory_space<semaphore_mem>>
    tpu.wait_indirect_dma semaphore(%dma_wait3A_289 : memref<!tpu.dma_semaphore, #tpu.memory_space<semaphore_mem>>) src(%dma_wait3A_287 : memref<100000x128xf32, #tpu.memory_space<hbm>>) dst(%dma_wait3A_281 : memref<50x128xf32, #tpu.memory_space<vmem>>)
    %dma_wait3A_290 = arith.constant 0 : i32
    %dma_wait3A_291 = arith.constant 1 : i32
    %dma_wait3A_292 = arith.constant 0 : i32
    %dma_wait3A_293 = arith.constant 1 : i32
    %dma_wait3A_294 = arith.constant 0 : i32
    %dma_wait3A_295 = arith.constant 0 : i32
    %dma_wait3A_296 = arith.constant 0 : i32
    %dma_wait3A_297 = tpu.memref_slice %arg6[%dma_wait3A_292, %dma_wait3A_293, %dma_wait3A_295, %dma_wait3A_296] : memref<4x4x50x128xf32, #tpu.memory_space<vmem>> -> memref<1x1x50x128xf32, #tpu.memory_space<vmem>>
    %dma_wait3A_298 = tpu.memref_squeeze %dma_wait3A_297 : memref<1x1x50x128xf32, #tpu.memory_space<vmem>> -> memref<50x128xf32, #tpu.memory_space<vmem>>
    %dma_wait3A_299 = arith.constant 0 : i32
    %dma_wait3A_300 = tpu.memref_slice %arg5[%dma_wait3A_290, %dma_wait3A_291, %dma_wait3A_299] : memref<32x4x50xi32, #tpu.memory_space<vmem>> -> memref<1x1x50xi32, #tpu.memory_space<vmem>>
    %dma_wait3A_301 = tpu.memref_squeeze %dma_wait3A_300 : memref<1x1x50xi32, #tpu.memory_space<vmem>> -> memref<50xi32, #tpu.memory_space<vmem>>
    %dma_wait3A_302 = arith.constant 0 : i32
    %dma_wait3A_303 = arith.constant 0 : i32
    %dma_wait3A_304 = tpu.memref_slice %arg3[%dma_wait3A_302, %dma_wait3A_303] : memref<100000x128xf32, #tpu.memory_space<hbm>> -> memref<100000x128xf32, #tpu.memory_space<hbm>>
    %dma_wait3A_305 = tpu.memref_slice %arg7[%dma_wait3A_294] : memref<4x!tpu.dma_semaphore, #tpu.memory_space<semaphore_mem>> -> memref<1x!tpu.dma_semaphore, #tpu.memory_space<semaphore_mem>>
    %dma_wait3A_306 = tpu.memref_squeeze %dma_wait3A_305 : memref<1x!tpu.dma_semaphore, #tpu.memory_space<semaphore_mem>> -> memref<!tpu.dma_semaphore, #tpu.memory_space<semaphore_mem>>
    tpu.wait_indirect_dma semaphore(%dma_wait3A_306 : memref<!tpu.dma_semaphore, #tpu.memory_space<semaphore_mem>>) src(%dma_wait3A_304 : memref<100000x128xf32, #tpu.memory_space<hbm>>) dst(%dma_wait3A_298 : memref<50x128xf32, #tpu.memory_space<vmem>>)
    %dma_wait3A_307 = arith.constant 0 : i32
    %dma_wait3A_308 = arith.constant 2 : i32
    %dma_wait3A_309 = arith.constant 0 : i32
    %dma_wait3A_310 = arith.constant 2 : i32
    %dma_wait3A_311 = arith.constant 0 : i32
    %dma_wait3A_312 = arith.constant 0 : i32
    %dma_wait3A_313 = arith.constant 0 : i32
    %dma_wait3A_314 = tpu.memref_slice %arg6[%dma_wait3A_309, %dma_wait3A_310, %dma_wait3A_312, %dma_wait3A_313] : memref<4x4x50x128xf32, #tpu.memory_space<vmem>> -> memref<1x1x50x128xf32, #tpu.memory_space<vmem>>
    %dma_wait3A_315 = tpu.memref_squeeze %dma_wait3A_314 : memref<1x1x50x128xf32, #tpu.memory_space<vmem>> -> memref<50x128xf32, #tpu.memory_space<vmem>>
    %dma_wait3A_316 = arith.constant 0 : i32
    %dma_wait3A_317 = tpu.memref_slice %arg5[%dma_wait3A_307, %dma_wait3A_308, %dma_wait3A_316] : memref<32x4x50xi32, #tpu.memory_space<vmem>> -> memref<1x1x50xi32, #tpu.memory_space<vmem>>
    %dma_wait3A_318 = tpu.memref_squeeze %dma_wait3A_317 : memref<1x1x50xi32, #tpu.memory_space<vmem>> -> memref<50xi32, #tpu.memory_space<vmem>>
    %dma_wait3A_319 = arith.constant 0 : i32
    %dma_wait3A_320 = arith.constant 0 : i32
    %dma_wait3A_321 = tpu.memref_slice %arg3[%dma_wait3A_319, %dma_wait3A_320] : memref<100000x128xf32, #tpu.memory_space<hbm>> -> memref<100000x128xf32, #tpu.memory_space<hbm>>
    %dma_wait3A_322 = tpu.memref_slice %arg7[%dma_wait3A_311] : memref<4x!tpu.dma_semaphore, #tpu.memory_space<semaphore_mem>> -> memref<1x!tpu.dma_semaphore, #tpu.memory_space<semaphore_mem>>
    %dma_wait3A_323 = tpu.memref_squeeze %dma_wait3A_322 : memref<1x!tpu.dma_semaphore, #tpu.memory_space<semaphore_mem>> -> memref<!tpu.dma_semaphore, #tpu.memory_space<semaphore_mem>>
    tpu.wait_indirect_dma semaphore(%dma_wait3A_323 : memref<!tpu.dma_semaphore, #tpu.memory_space<semaphore_mem>>) src(%dma_wait3A_321 : memref<100000x128xf32, #tpu.memory_space<hbm>>) dst(%dma_wait3A_315 : memref<50x128xf32, #tpu.memory_space<vmem>>)
    %dma_wait3A_324 = arith.constant 0 : i32
    %dma_wait3A_325 = arith.constant 3 : i32
    %dma_wait3A_326 = arith.constant 0 : i32
    %dma_wait3A_327 = arith.constant 3 : i32
    %dma_wait3A_328 = arith.constant 0 : i32
    %dma_wait3A_329 = arith.constant 0 : i32
    %dma_wait3A_330 = arith.constant 0 : i32
    %dma_wait3A_331 = tpu.memref_slice %arg6[%dma_wait3A_326, %dma_wait3A_327, %dma_wait3A_329, %dma_wait3A_330] : memref<4x4x50x128xf32, #tpu.memory_space<vmem>> -> memref<1x1x50x128xf32, #tpu.memory_space<vmem>>
    %dma_wait3A_332 = tpu.memref_squeeze %dma_wait3A_331 : memref<1x1x50x128xf32, #tpu.memory_space<vmem>> -> memref<50x128xf32, #tpu.memory_space<vmem>>
    %dma_wait3A_333 = arith.constant 0 : i32
    %dma_wait3A_334 = tpu.memref_slice %arg5[%dma_wait3A_324, %dma_wait3A_325, %dma_wait3A_333] : memref<32x4x50xi32, #tpu.memory_space<vmem>> -> memref<1x1x50xi32, #tpu.memory_space<vmem>>
    %dma_wait3A_335 = tpu.memref_squeeze %dma_wait3A_334 : memref<1x1x50xi32, #tpu.memory_space<vmem>> -> memref<50xi32, #tpu.memory_space<vmem>>
    %dma_wait3A_336 = arith.constant 0 : i32
    %dma_wait3A_337 = arith.constant 0 : i32
    %dma_wait3A_338 = tpu.memref_slice %arg3[%dma_wait3A_336, %dma_wait3A_337] : memref<100000x128xf32, #tpu.memory_space<hbm>> -> memref<100000x128xf32, #tpu.memory_space<hbm>>
    %dma_wait3A_339 = tpu.memref_slice %arg7[%dma_wait3A_328] : memref<4x!tpu.dma_semaphore, #tpu.memory_space<semaphore_mem>> -> memref<1x!tpu.dma_semaphore, #tpu.memory_space<semaphore_mem>>
    %dma_wait3A_340 = tpu.memref_squeeze %dma_wait3A_339 : memref<1x!tpu.dma_semaphore, #tpu.memory_space<semaphore_mem>> -> memref<!tpu.dma_semaphore, #tpu.memory_space<semaphore_mem>>
    tpu.wait_indirect_dma semaphore(%dma_wait3A_340 : memref<!tpu.dma_semaphore, #tpu.memory_space<semaphore_mem>>) src(%dma_wait3A_338 : memref<100000x128xf32, #tpu.memory_space<hbm>>) dst(%dma_wait3A_332 : memref<50x128xf32, #tpu.memory_space<vmem>>)
    %add3A_341 = arith.constant 0 : i32
    %add3A_342 = arith.addi %mul3A_2, %add3A_341 : i32
    %dma_start3A_343 = arith.constant 0 : i32
    %dma_start3A_344 = arith.constant 0 : i32
    %dma_start3A_345 = arith.constant 0 : i32
    %dma_start3A_346 = arith.constant 0 : i32
    %dma_start3A_347 = arith.constant 0 : i32
    %dma_start3A_348 = tpu.memref_slice %arg6[%dma_start3A_343, %dma_start3A_345, %dma_start3A_346, %dma_start3A_347] : memref<4x4x50x128xf32, #tpu.memory_space<vmem>> -> memref<1x4x50x128xf32, #tpu.memory_space<vmem>>
    %dma_start3A_349 = tpu.memref_squeeze %dma_start3A_348 : memref<1x4x50x128xf32, #tpu.memory_space<vmem>> -> memref<4x50x128xf32, #tpu.memory_space<vmem>>
    %dma_start3A_350 = arith.constant 0 : i32
    %dma_start3A_351 = arith.constant 0 : i32
    %dma_start3A_352 = tpu.memref_slice %arg4[%add3A_342, %dma_start3A_350, %dma_start3A_351] : memref<4096x50x128xf32, #tpu.memory_space<hbm>> -> memref<4x50x128xf32, #tpu.memory_space<hbm>>
    %dma_start3A_353 = tpu.memref_slice %arg8[%dma_start3A_344] : memref<4x!tpu.dma_semaphore, #tpu.memory_space<semaphore_mem>> -> memref<1x!tpu.dma_semaphore, #tpu.memory_space<semaphore_mem>>
    %dma_start3A_354 = tpu.memref_squeeze %dma_start3A_353 : memref<1x!tpu.dma_semaphore, #tpu.memory_space<semaphore_mem>> -> memref<!tpu.dma_semaphore, #tpu.memory_space<semaphore_mem>>
    %dma_start3A_355 = arith.constant 0 : i32
    %dma_start3A_356 = arith.constant 0 : i32
    %dma_start3A_357 = tpu.memref_slice %arg4[%add3A_342, %dma_start3A_355, %dma_start3A_356] : memref<4096x50x128xf32, #tpu.memory_space<hbm>> -> memref<4x50x128xf32, #tpu.memory_space<hbm>>
    %dma_start3A_358 = arith.constant 0 : i32
    %dma_start3A_359 = arith.constant 0 : i32
    %dma_start3A_360 = arith.constant 0 : i32
    %dma_start3A_361 = tpu.memref_slice %arg6[%dma_start3A_343, %dma_start3A_358, %dma_start3A_359, %dma_start3A_360] : memref<4x4x50x128xf32, #tpu.memory_space<vmem>> -> memref<1x4x50x128xf32, #tpu.memory_space<vmem>>
    %dma_start3A_362 = tpu.memref_squeeze %dma_start3A_361 : memref<1x4x50x128xf32, #tpu.memory_space<vmem>> -> memref<4x50x128xf32, #tpu.memory_space<vmem>>
    tpu.enqueue_dma source(%dma_start3A_362 : memref<4x50x128xf32, #tpu.memory_space<vmem>>) target(%dma_start3A_357 : memref<4x50x128xf32, #tpu.memory_space<hbm>>) target_semaphore(%dma_start3A_354 : memref<!tpu.dma_semaphore, #tpu.memory_space<semaphore_mem>>)
    %scan3A = arith.constant 0 : i32
    %scan3A_363 = arith.constant 0 : i32
    %scan3A_364 = arith.constant 7 : i32
    %scan3A_365 = arith.addi %scan3A_363, %scan3A_364 : i32
    %scan3A_366 = arith.constant 1 : i32
    scf.for %scan3A_718 = %scan3A_363 to %scan3A_365 step %scan3A_366  : i32 {
      %mul3A_719 = arith.constant 4 : i32
      %mul3A_720 = arith.muli %mul3A_719, %scan3A_718 : i32
      %add3A_721 = arith.constant 1 : i32
      %add3A_722 = arith.addi %mul3A_720, %add3A_721 : i32
      %add3A_723 = arith.constant 0 : i32
      %add3A_724 = arith.addi %add3A_722, %add3A_723 : i32
      %dma_wait3A_725 = arith.constant 0 : i32
      %dma_wait3A_726 = arith.constant 0 : i32
      %dma_wait3A_727 = arith.constant 0 : i32
      %dma_wait3A_728 = arith.constant 0 : i32
      %dma_wait3A_729 = arith.constant 0 : i32
      %dma_wait3A_730 = tpu.memref_slice %arg6[%dma_wait3A_725, %dma_wait3A_727, %dma_wait3A_728, %dma_wait3A_729] : memref<4x4x50x128xf32, #tpu.memory_space<vmem>> -> memref<1x4x50x128xf32, #tpu.memory_space<vmem>>
      %dma_wait3A_731 = tpu.memref_squeeze %dma_wait3A_730 : memref<1x4x50x128xf32, #tpu.memory_space<vmem>> -> memref<4x50x128xf32, #tpu.memory_space<vmem>>
      %dma_wait3A_732 = arith.constant 0 : i32
      %dma_wait3A_733 = arith.constant 0 : i32
      %dma_wait3A_734 = tpu.memref_slice %arg4[%mul3A_2, %dma_wait3A_732, %dma_wait3A_733] : memref<4096x50x128xf32, #tpu.memory_space<hbm>> -> memref<4x50x128xf32, #tpu.memory_space<hbm>>
      %dma_wait3A_735 = tpu.memref_slice %arg8[%dma_wait3A_726] : memref<4x!tpu.dma_semaphore, #tpu.memory_space<semaphore_mem>> -> memref<1x!tpu.dma_semaphore, #tpu.memory_space<semaphore_mem>>
      %dma_wait3A_736 = tpu.memref_squeeze %dma_wait3A_735 : memref<1x!tpu.dma_semaphore, #tpu.memory_space<semaphore_mem>> -> memref<!tpu.dma_semaphore, #tpu.memory_space<semaphore_mem>>
      %dma_wait3A_737 = arith.constant 0 : i32
      %dma_wait3A_738 = arith.constant 0 : i32
      %dma_wait3A_739 = tpu.memref_slice %arg4[%mul3A_2, %dma_wait3A_737, %dma_wait3A_738] : memref<4096x50x128xf32, #tpu.memory_space<hbm>> -> memref<4x50x128xf32, #tpu.memory_space<hbm>>
      %dma_wait3A_740 = arith.constant 0 : i32
      %dma_wait3A_741 = arith.constant 0 : i32
      %dma_wait3A_742 = arith.constant 0 : i32
      %dma_wait3A_743 = tpu.memref_slice %arg6[%dma_wait3A_725, %dma_wait3A_740, %dma_wait3A_741, %dma_wait3A_742] : memref<4x4x50x128xf32, #tpu.memory_space<vmem>> -> memref<1x4x50x128xf32, #tpu.memory_space<vmem>>
      %dma_wait3A_744 = tpu.memref_squeeze %dma_wait3A_743 : memref<1x4x50x128xf32, #tpu.memory_space<vmem>> -> memref<4x50x128xf32, #tpu.memory_space<vmem>>
      tpu.wait_dma2 semaphore(%dma_wait3A_736 : memref<!tpu.dma_semaphore, #tpu.memory_space<semaphore_mem>>) src(%dma_wait3A_744 : memref<4x50x128xf32, #tpu.memory_space<vmem>>) dst(%dma_wait3A_739 : memref<4x50x128xf32, #tpu.memory_space<hbm>>)
      %add3A_745 = arith.constant 4 : i32
      %add3A_746 = arith.addi %add3A_724, %add3A_745 : i32
      %sub3A = arith.constant 1 : i32
      %sub3A_747 = arith.subi %add3A_746, %sub3A : i32
      %dma_start3A_748 = arith.constant 0 : i32
      %dma_start3A_749 = arith.constant 0 : i32
      %dma_start3A_750 = arith.constant 0 : i32
      %dma_start3A_751 = arith.constant 0 : i32
      %dma_start3A_752 = arith.constant 0 : i32
      %dma_start3A_753 = arith.constant 0 : i32
      %dma_start3A_754 = tpu.memref_slice %arg6[%dma_start3A_749, %dma_start3A_750, %dma_start3A_752, %dma_start3A_753] : memref<4x4x50x128xf32, #tpu.memory_space<vmem>> -> memref<1x1x50x128xf32, #tpu.memory_space<vmem>>
      %dma_start3A_755 = tpu.memref_squeeze %dma_start3A_754 : memref<1x1x50x128xf32, #tpu.memory_space<vmem>> -> memref<50x128xf32, #tpu.memory_space<vmem>>
      %dma_start3A_756 = arith.constant 0 : i32
      %dma_start3A_757 = tpu.memref_slice %arg5[%sub3A_747, %dma_start3A_748, %dma_start3A_756] : memref<32x4x50xi32, #tpu.memory_space<vmem>> -> memref<1x1x50xi32, #tpu.memory_space<vmem>>
      %dma_start3A_758 = tpu.memref_squeeze %dma_start3A_757 : memref<1x1x50xi32, #tpu.memory_space<vmem>> -> memref<50xi32, #tpu.memory_space<vmem>>
      %dma_start3A_759 = arith.constant 0 : i32
      %dma_start3A_760 = arith.constant 0 : i32
      %dma_start3A_761 = tpu.memref_slice %arg3[%dma_start3A_759, %dma_start3A_760] : memref<100000x128xf32, #tpu.memory_space<hbm>> -> memref<100000x128xf32, #tpu.memory_space<hbm>>
      %dma_start3A_762 = tpu.memref_slice %arg7[%dma_start3A_751] : memref<4x!tpu.dma_semaphore, #tpu.memory_space<semaphore_mem>> -> memref<1x!tpu.dma_semaphore, #tpu.memory_space<semaphore_mem>>
      %dma_start3A_763 = tpu.memref_squeeze %dma_start3A_762 : memref<1x!tpu.dma_semaphore, #tpu.memory_space<semaphore_mem>> -> memref<!tpu.dma_semaphore, #tpu.memory_space<semaphore_mem>>
      tpu.enqueue_indirect_dma source(%dma_start3A_761 : memref<100000x128xf32, #tpu.memory_space<hbm>>) target(%dma_start3A_755 : memref<50x128xf32, #tpu.memory_space<vmem>>) offsets(%dma_start3A_758 : memref<50xi32, #tpu.memory_space<vmem>>) semaphore(%dma_start3A_763 : memref<!tpu.dma_semaphore, #tpu.memory_space<semaphore_mem>>)
      %dma_start3A_764 = arith.constant 1 : i32
      %dma_start3A_765 = arith.constant 0 : i32
      %dma_start3A_766 = arith.constant 1 : i32
      %dma_start3A_767 = arith.constant 0 : i32
      %dma_start3A_768 = arith.constant 0 : i32
      %dma_start3A_769 = arith.constant 0 : i32
      %dma_start3A_770 = tpu.memref_slice %arg6[%dma_start3A_765, %dma_start3A_766, %dma_start3A_768, %dma_start3A_769] : memref<4x4x50x128xf32, #tpu.memory_space<vmem>> -> memref<1x1x50x128xf32, #tpu.memory_space<vmem>>
      %dma_start3A_771 = tpu.memref_squeeze %dma_start3A_770 : memref<1x1x50x128xf32, #tpu.memory_space<vmem>> -> memref<50x128xf32, #tpu.memory_space<vmem>>
      %dma_start3A_772 = arith.constant 0 : i32
      %dma_start3A_773 = tpu.memref_slice %arg5[%sub3A_747, %dma_start3A_764, %dma_start3A_772] : memref<32x4x50xi32, #tpu.memory_space<vmem>> -> memref<1x1x50xi32, #tpu.memory_space<vmem>>
      %dma_start3A_774 = tpu.memref_squeeze %dma_start3A_773 : memref<1x1x50xi32, #tpu.memory_space<vmem>> -> memref<50xi32, #tpu.memory_space<vmem>>
      %dma_start3A_775 = arith.constant 0 : i32
      %dma_start3A_776 = arith.constant 0 : i32
      %dma_start3A_777 = tpu.memref_slice %arg3[%dma_start3A_775, %dma_start3A_776] : memref<100000x128xf32, #tpu.memory_space<hbm>> -> memref<100000x128xf32, #tpu.memory_space<hbm>>
      %dma_start3A_778 = tpu.memref_slice %arg7[%dma_start3A_767] : memref<4x!tpu.dma_semaphore, #tpu.memory_space<semaphore_mem>> -> memref<1x!tpu.dma_semaphore, #tpu.memory_space<semaphore_mem>>
      %dma_start3A_779 = tpu.memref_squeeze %dma_start3A_778 : memref<1x!tpu.dma_semaphore, #tpu.memory_space<semaphore_mem>> -> memref<!tpu.dma_semaphore, #tpu.memory_space<semaphore_mem>>
      tpu.enqueue_indirect_dma source(%dma_start3A_777 : memref<100000x128xf32, #tpu.memory_space<hbm>>) target(%dma_start3A_771 : memref<50x128xf32, #tpu.memory_space<vmem>>) offsets(%dma_start3A_774 : memref<50xi32, #tpu.memory_space<vmem>>) semaphore(%dma_start3A_779 : memref<!tpu.dma_semaphore, #tpu.memory_space<semaphore_mem>>)
      %dma_start3A_780 = arith.constant 2 : i32
      %dma_start3A_781 = arith.constant 0 : i32
      %dma_start3A_782 = arith.constant 2 : i32
      %dma_start3A_783 = arith.constant 0 : i32
      %dma_start3A_784 = arith.constant 0 : i32
      %dma_start3A_785 = arith.constant 0 : i32
      %dma_start3A_786 = tpu.memref_slice %arg6[%dma_start3A_781, %dma_start3A_782, %dma_start3A_784, %dma_start3A_785] : memref<4x4x50x128xf32, #tpu.memory_space<vmem>> -> memref<1x1x50x128xf32, #tpu.memory_space<vmem>>
      %dma_start3A_787 = tpu.memref_squeeze %dma_start3A_786 : memref<1x1x50x128xf32, #tpu.memory_space<vmem>> -> memref<50x128xf32, #tpu.memory_space<vmem>>
      %dma_start3A_788 = arith.constant 0 : i32
      %dma_start3A_789 = tpu.memref_slice %arg5[%sub3A_747, %dma_start3A_780, %dma_start3A_788] : memref<32x4x50xi32, #tpu.memory_space<vmem>> -> memref<1x1x50xi32, #tpu.memory_space<vmem>>
      %dma_start3A_790 = tpu.memref_squeeze %dma_start3A_789 : memref<1x1x50xi32, #tpu.memory_space<vmem>> -> memref<50xi32, #tpu.memory_space<vmem>>
      %dma_start3A_791 = arith.constant 0 : i32
      %dma_start3A_792 = arith.constant 0 : i32
      %dma_start3A_793 = tpu.memref_slice %arg3[%dma_start3A_791, %dma_start3A_792] : memref<100000x128xf32, #tpu.memory_space<hbm>> -> memref<100000x128xf32, #tpu.memory_space<hbm>>
      %dma_start3A_794 = tpu.memref_slice %arg7[%dma_start3A_783] : memref<4x!tpu.dma_semaphore, #tpu.memory_space<semaphore_mem>> -> memref<1x!tpu.dma_semaphore, #tpu.memory_space<semaphore_mem>>
      %dma_start3A_795 = tpu.memref_squeeze %dma_start3A_794 : memref<1x!tpu.dma_semaphore, #tpu.memory_space<semaphore_mem>> -> memref<!tpu.dma_semaphore, #tpu.memory_space<semaphore_mem>>
      tpu.enqueue_indirect_dma source(%dma_start3A_793 : memref<100000x128xf32, #tpu.memory_space<hbm>>) target(%dma_start3A_787 : memref<50x128xf32, #tpu.memory_space<vmem>>) offsets(%dma_start3A_790 : memref<50xi32, #tpu.memory_space<vmem>>) semaphore(%dma_start3A_795 : memref<!tpu.dma_semaphore, #tpu.memory_space<semaphore_mem>>)
      %dma_start3A_796 = arith.constant 3 : i32
      %dma_start3A_797 = arith.constant 0 : i32
      %dma_start3A_798 = arith.constant 3 : i32
      %dma_start3A_799 = arith.constant 0 : i32
      %dma_start3A_800 = arith.constant 0 : i32
      %dma_start3A_801 = arith.constant 0 : i32
      %dma_start3A_802 = tpu.memref_slice %arg6[%dma_start3A_797, %dma_start3A_798, %dma_start3A_800, %dma_start3A_801] : memref<4x4x50x128xf32, #tpu.memory_space<vmem>> -> memref<1x1x50x128xf32, #tpu.memory_space<vmem>>
      %dma_start3A_803 = tpu.memref_squeeze %dma_start3A_802 : memref<1x1x50x128xf32, #tpu.memory_space<vmem>> -> memref<50x128xf32, #tpu.memory_space<vmem>>
      %dma_start3A_804 = arith.constant 0 : i32
      %dma_start3A_805 = tpu.memref_slice %arg5[%sub3A_747, %dma_start3A_796, %dma_start3A_804] : memref<32x4x50xi32, #tpu.memory_space<vmem>> -> memref<1x1x50xi32, #tpu.memory_space<vmem>>
      %dma_start3A_806 = tpu.memref_squeeze %dma_start3A_805 : memref<1x1x50xi32, #tpu.memory_space<vmem>> -> memref<50xi32, #tpu.memory_space<vmem>>
      %dma_start3A_807 = arith.constant 0 : i32
      %dma_start3A_808 = arith.constant 0 : i32
      %dma_start3A_809 = tpu.memref_slice %arg3[%dma_start3A_807, %dma_start3A_808] : memref<100000x128xf32, #tpu.memory_space<hbm>> -> memref<100000x128xf32, #tpu.memory_space<hbm>>
      %dma_start3A_810 = tpu.memref_slice %arg7[%dma_start3A_799] : memref<4x!tpu.dma_semaphore, #tpu.memory_space<semaphore_mem>> -> memref<1x!tpu.dma_semaphore, #tpu.memory_space<semaphore_mem>>
      %dma_start3A_811 = tpu.memref_squeeze %dma_start3A_810 : memref<1x!tpu.dma_semaphore, #tpu.memory_space<semaphore_mem>> -> memref<!tpu.dma_semaphore, #tpu.memory_space<semaphore_mem>>
      tpu.enqueue_indirect_dma source(%dma_start3A_809 : memref<100000x128xf32, #tpu.memory_space<hbm>>) target(%dma_start3A_803 : memref<50x128xf32, #tpu.memory_space<vmem>>) offsets(%dma_start3A_806 : memref<50xi32, #tpu.memory_space<vmem>>) semaphore(%dma_start3A_811 : memref<!tpu.dma_semaphore, #tpu.memory_space<semaphore_mem>>)
      %dma_wait3A_812 = arith.constant 0 : i32
      %dma_wait3A_813 = arith.constant 0 : i32
      %dma_wait3A_814 = arith.constant 1 : i32
      %dma_wait3A_815 = arith.constant 0 : i32
      %dma_wait3A_816 = arith.constant 1 : i32
      %dma_wait3A_817 = arith.constant 0 : i32
      %dma_wait3A_818 = arith.constant 0 : i32
      %dma_wait3A_819 = tpu.memref_slice %arg6[%dma_wait3A_814, %dma_wait3A_815, %dma_wait3A_817, %dma_wait3A_818] : memref<4x4x50x128xf32, #tpu.memory_space<vmem>> -> memref<1x1x50x128xf32, #tpu.memory_space<vmem>>
      %dma_wait3A_820 = tpu.memref_squeeze %dma_wait3A_819 : memref<1x1x50x128xf32, #tpu.memory_space<vmem>> -> memref<50x128xf32, #tpu.memory_space<vmem>>
      %dma_wait3A_821 = arith.constant 0 : i32
      %dma_wait3A_822 = tpu.memref_slice %arg5[%dma_wait3A_812, %dma_wait3A_813, %dma_wait3A_821] : memref<32x4x50xi32, #tpu.memory_space<vmem>> -> memref<1x1x50xi32, #tpu.memory_space<vmem>>
      %dma_wait3A_823 = tpu.memref_squeeze %dma_wait3A_822 : memref<1x1x50xi32, #tpu.memory_space<vmem>> -> memref<50xi32, #tpu.memory_space<vmem>>
      %dma_wait3A_824 = arith.constant 0 : i32
      %dma_wait3A_825 = arith.constant 0 : i32
      %dma_wait3A_826 = tpu.memref_slice %arg3[%dma_wait3A_824, %dma_wait3A_825] : memref<100000x128xf32, #tpu.memory_space<hbm>> -> memref<100000x128xf32, #tpu.memory_space<hbm>>
      %dma_wait3A_827 = tpu.memref_slice %arg7[%dma_wait3A_816] : memref<4x!tpu.dma_semaphore, #tpu.memory_space<semaphore_mem>> -> memref<1x!tpu.dma_semaphore, #tpu.memory_space<semaphore_mem>>
      %dma_wait3A_828 = tpu.memref_squeeze %dma_wait3A_827 : memref<1x!tpu.dma_semaphore, #tpu.memory_space<semaphore_mem>> -> memref<!tpu.dma_semaphore, #tpu.memory_space<semaphore_mem>>
      tpu.wait_indirect_dma semaphore(%dma_wait3A_828 : memref<!tpu.dma_semaphore, #tpu.memory_space<semaphore_mem>>) src(%dma_wait3A_826 : memref<100000x128xf32, #tpu.memory_space<hbm>>) dst(%dma_wait3A_820 : memref<50x128xf32, #tpu.memory_space<vmem>>)
      %dma_wait3A_829 = arith.constant 0 : i32
      %dma_wait3A_830 = arith.constant 1 : i32
      %dma_wait3A_831 = arith.constant 1 : i32
      %dma_wait3A_832 = arith.constant 1 : i32
      %dma_wait3A_833 = arith.constant 1 : i32
      %dma_wait3A_834 = arith.constant 0 : i32
      %dma_wait3A_835 = arith.constant 0 : i32
      %dma_wait3A_836 = tpu.memref_slice %arg6[%dma_wait3A_831, %dma_wait3A_832, %dma_wait3A_834, %dma_wait3A_835] : memref<4x4x50x128xf32, #tpu.memory_space<vmem>> -> memref<1x1x50x128xf32, #tpu.memory_space<vmem>>
      %dma_wait3A_837 = tpu.memref_squeeze %dma_wait3A_836 : memref<1x1x50x128xf32, #tpu.memory_space<vmem>> -> memref<50x128xf32, #tpu.memory_space<vmem>>
      %dma_wait3A_838 = arith.constant 0 : i32
      %dma_wait3A_839 = tpu.memref_slice %arg5[%dma_wait3A_829, %dma_wait3A_830, %dma_wait3A_838] : memref<32x4x50xi32, #tpu.memory_space<vmem>> -> memref<1x1x50xi32, #tpu.memory_space<vmem>>
      %dma_wait3A_840 = tpu.memref_squeeze %dma_wait3A_839 : memref<1x1x50xi32, #tpu.memory_space<vmem>> -> memref<50xi32, #tpu.memory_space<vmem>>
      %dma_wait3A_841 = arith.constant 0 : i32
      %dma_wait3A_842 = arith.constant 0 : i32
      %dma_wait3A_843 = tpu.memref_slice %arg3[%dma_wait3A_841, %dma_wait3A_842] : memref<100000x128xf32, #tpu.memory_space<hbm>> -> memref<100000x128xf32, #tpu.memory_space<hbm>>
      %dma_wait3A_844 = tpu.memref_slice %arg7[%dma_wait3A_833] : memref<4x!tpu.dma_semaphore, #tpu.memory_space<semaphore_mem>> -> memref<1x!tpu.dma_semaphore, #tpu.memory_space<semaphore_mem>>
      %dma_wait3A_845 = tpu.memref_squeeze %dma_wait3A_844 : memref<1x!tpu.dma_semaphore, #tpu.memory_space<semaphore_mem>> -> memref<!tpu.dma_semaphore, #tpu.memory_space<semaphore_mem>>
      tpu.wait_indirect_dma semaphore(%dma_wait3A_845 : memref<!tpu.dma_semaphore, #tpu.memory_space<semaphore_mem>>) src(%dma_wait3A_843 : memref<100000x128xf32, #tpu.memory_space<hbm>>) dst(%dma_wait3A_837 : memref<50x128xf32, #tpu.memory_space<vmem>>)
      %dma_wait3A_846 = arith.constant 0 : i32
      %dma_wait3A_847 = arith.constant 2 : i32
      %dma_wait3A_848 = arith.constant 1 : i32
      %dma_wait3A_849 = arith.constant 2 : i32
      %dma_wait3A_850 = arith.constant 1 : i32
      %dma_wait3A_851 = arith.constant 0 : i32
      %dma_wait3A_852 = arith.constant 0 : i32
      %dma_wait3A_853 = tpu.memref_slice %arg6[%dma_wait3A_848, %dma_wait3A_849, %dma_wait3A_851, %dma_wait3A_852] : memref<4x4x50x128xf32, #tpu.memory_space<vmem>> -> memref<1x1x50x128xf32, #tpu.memory_space<vmem>>
      %dma_wait3A_854 = tpu.memref_squeeze %dma_wait3A_853 : memref<1x1x50x128xf32, #tpu.memory_space<vmem>> -> memref<50x128xf32, #tpu.memory_space<vmem>>
      %dma_wait3A_855 = arith.constant 0 : i32
      %dma_wait3A_856 = tpu.memref_slice %arg5[%dma_wait3A_846, %dma_wait3A_847, %dma_wait3A_855] : memref<32x4x50xi32, #tpu.memory_space<vmem>> -> memref<1x1x50xi32, #tpu.memory_space<vmem>>
      %dma_wait3A_857 = tpu.memref_squeeze %dma_wait3A_856 : memref<1x1x50xi32, #tpu.memory_space<vmem>> -> memref<50xi32, #tpu.memory_space<vmem>>
      %dma_wait3A_858 = arith.constant 0 : i32
      %dma_wait3A_859 = arith.constant 0 : i32
      %dma_wait3A_860 = tpu.memref_slice %arg3[%dma_wait3A_858, %dma_wait3A_859] : memref<100000x128xf32, #tpu.memory_space<hbm>> -> memref<100000x128xf32, #tpu.memory_space<hbm>>
      %dma_wait3A_861 = tpu.memref_slice %arg7[%dma_wait3A_850] : memref<4x!tpu.dma_semaphore, #tpu.memory_space<semaphore_mem>> -> memref<1x!tpu.dma_semaphore, #tpu.memory_space<semaphore_mem>>
      %dma_wait3A_862 = tpu.memref_squeeze %dma_wait3A_861 : memref<1x!tpu.dma_semaphore, #tpu.memory_space<semaphore_mem>> -> memref<!tpu.dma_semaphore, #tpu.memory_space<semaphore_mem>>
      tpu.wait_indirect_dma semaphore(%dma_wait3A_862 : memref<!tpu.dma_semaphore, #tpu.memory_space<semaphore_mem>>) src(%dma_wait3A_860 : memref<100000x128xf32, #tpu.memory_space<hbm>>) dst(%dma_wait3A_854 : memref<50x128xf32, #tpu.memory_space<vmem>>)
      %dma_wait3A_863 = arith.constant 0 : i32
      %dma_wait3A_864 = arith.constant 3 : i32
      %dma_wait3A_865 = arith.constant 1 : i32
      %dma_wait3A_866 = arith.constant 3 : i32
      %dma_wait3A_867 = arith.constant 1 : i32
      %dma_wait3A_868 = arith.constant 0 : i32
      %dma_wait3A_869 = arith.constant 0 : i32
      %dma_wait3A_870 = tpu.memref_slice %arg6[%dma_wait3A_865, %dma_wait3A_866, %dma_wait3A_868, %dma_wait3A_869] : memref<4x4x50x128xf32, #tpu.memory_space<vmem>> -> memref<1x1x50x128xf32, #tpu.memory_space<vmem>>
      %dma_wait3A_871 = tpu.memref_squeeze %dma_wait3A_870 : memref<1x1x50x128xf32, #tpu.memory_space<vmem>> -> memref<50x128xf32, #tpu.memory_space<vmem>>
      %dma_wait3A_872 = arith.constant 0 : i32
      %dma_wait3A_873 = tpu.memref_slice %arg5[%dma_wait3A_863, %dma_wait3A_864, %dma_wait3A_872] : memref<32x4x50xi32, #tpu.memory_space<vmem>> -> memref<1x1x50xi32, #tpu.memory_space<vmem>>
      %dma_wait3A_874 = tpu.memref_squeeze %dma_wait3A_873 : memref<1x1x50xi32, #tpu.memory_space<vmem>> -> memref<50xi32, #tpu.memory_space<vmem>>
      %dma_wait3A_875 = arith.constant 0 : i32
      %dma_wait3A_876 = arith.constant 0 : i32
      %dma_wait3A_877 = tpu.memref_slice %arg3[%dma_wait3A_875, %dma_wait3A_876] : memref<100000x128xf32, #tpu.memory_space<hbm>> -> memref<100000x128xf32, #tpu.memory_space<hbm>>
      %dma_wait3A_878 = tpu.memref_slice %arg7[%dma_wait3A_867] : memref<4x!tpu.dma_semaphore, #tpu.memory_space<semaphore_mem>> -> memref<1x!tpu.dma_semaphore, #tpu.memory_space<semaphore_mem>>
      %dma_wait3A_879 = tpu.memref_squeeze %dma_wait3A_878 : memref<1x!tpu.dma_semaphore, #tpu.memory_space<semaphore_mem>> -> memref<!tpu.dma_semaphore, #tpu.memory_space<semaphore_mem>>
      tpu.wait_indirect_dma semaphore(%dma_wait3A_879 : memref<!tpu.dma_semaphore, #tpu.memory_space<semaphore_mem>>) src(%dma_wait3A_877 : memref<100000x128xf32, #tpu.memory_space<hbm>>) dst(%dma_wait3A_871 : memref<50x128xf32, #tpu.memory_space<vmem>>)
      %mul3A_880 = arith.constant 4 : i32
      %mul3A_881 = arith.muli %add3A_724, %mul3A_880 : i32
      %add3A_882 = arith.addi %mul3A_2, %mul3A_881 : i32
      %dma_start3A_883 = arith.constant 1 : i32
      %dma_start3A_884 = arith.constant 1 : i32
      %dma_start3A_885 = arith.constant 0 : i32
      %dma_start3A_886 = arith.constant 0 : i32
      %dma_start3A_887 = arith.constant 0 : i32
      %dma_start3A_888 = tpu.memref_slice %arg6[%dma_start3A_883, %dma_start3A_885, %dma_start3A_886, %dma_start3A_887] : memref<4x4x50x128xf32, #tpu.memory_space<vmem>> -> memref<1x4x50x128xf32, #tpu.memory_space<vmem>>
      %dma_start3A_889 = tpu.memref_squeeze %dma_start3A_888 : memref<1x4x50x128xf32, #tpu.memory_space<vmem>> -> memref<4x50x128xf32, #tpu.memory_space<vmem>>
      %dma_start3A_890 = arith.constant 0 : i32
      %dma_start3A_891 = arith.constant 0 : i32
      %dma_start3A_892 = tpu.memref_slice %arg4[%add3A_882, %dma_start3A_890, %dma_start3A_891] : memref<4096x50x128xf32, #tpu.memory_space<hbm>> -> memref<4x50x128xf32, #tpu.memory_space<hbm>>
      %dma_start3A_893 = tpu.memref_slice %arg8[%dma_start3A_884] : memref<4x!tpu.dma_semaphore, #tpu.memory_space<semaphore_mem>> -> memref<1x!tpu.dma_semaphore, #tpu.memory_space<semaphore_mem>>
      %dma_start3A_894 = tpu.memref_squeeze %dma_start3A_893 : memref<1x!tpu.dma_semaphore, #tpu.memory_space<semaphore_mem>> -> memref<!tpu.dma_semaphore, #tpu.memory_space<semaphore_mem>>
      %dma_start3A_895 = arith.constant 0 : i32
      %dma_start3A_896 = arith.constant 0 : i32
      %dma_start3A_897 = tpu.memref_slice %arg4[%add3A_882, %dma_start3A_895, %dma_start3A_896] : memref<4096x50x128xf32, #tpu.memory_space<hbm>> -> memref<4x50x128xf32, #tpu.memory_space<hbm>>
      %dma_start3A_898 = arith.constant 0 : i32
      %dma_start3A_899 = arith.constant 0 : i32
      %dma_start3A_900 = arith.constant 0 : i32
      %dma_start3A_901 = tpu.memref_slice %arg6[%dma_start3A_883, %dma_start3A_898, %dma_start3A_899, %dma_start3A_900] : memref<4x4x50x128xf32, #tpu.memory_space<vmem>> -> memref<1x4x50x128xf32, #tpu.memory_space<vmem>>
      %dma_start3A_902 = tpu.memref_squeeze %dma_start3A_901 : memref<1x4x50x128xf32, #tpu.memory_space<vmem>> -> memref<4x50x128xf32, #tpu.memory_space<vmem>>
      tpu.enqueue_dma source(%dma_start3A_902 : memref<4x50x128xf32, #tpu.memory_space<vmem>>) target(%dma_start3A_897 : memref<4x50x128xf32, #tpu.memory_space<hbm>>) target_semaphore(%dma_start3A_894 : memref<!tpu.dma_semaphore, #tpu.memory_space<semaphore_mem>>)
      %mul3A_903 = arith.constant 4 : i32
      %mul3A_904 = arith.muli %mul3A_903, %scan3A_718 : i32
      %add3A_905 = arith.constant 1 : i32
      %add3A_906 = arith.addi %mul3A_904, %add3A_905 : i32
      %add3A_907 = arith.constant 1 : i32
      %add3A_908 = arith.addi %add3A_906, %add3A_907 : i32
      %dma_wait3A_909 = arith.constant 1 : i32
      %dma_wait3A_910 = arith.constant 1 : i32
      %dma_wait3A_911 = arith.constant 0 : i32
      %dma_wait3A_912 = arith.constant 0 : i32
      %dma_wait3A_913 = arith.constant 0 : i32
      %dma_wait3A_914 = tpu.memref_slice %arg6[%dma_wait3A_909, %dma_wait3A_911, %dma_wait3A_912, %dma_wait3A_913] : memref<4x4x50x128xf32, #tpu.memory_space<vmem>> -> memref<1x4x50x128xf32, #tpu.memory_space<vmem>>
      %dma_wait3A_915 = tpu.memref_squeeze %dma_wait3A_914 : memref<1x4x50x128xf32, #tpu.memory_space<vmem>> -> memref<4x50x128xf32, #tpu.memory_space<vmem>>
      %dma_wait3A_916 = arith.constant 0 : i32
      %dma_wait3A_917 = arith.constant 0 : i32
      %dma_wait3A_918 = tpu.memref_slice %arg4[%mul3A_2, %dma_wait3A_916, %dma_wait3A_917] : memref<4096x50x128xf32, #tpu.memory_space<hbm>> -> memref<4x50x128xf32, #tpu.memory_space<hbm>>
      %dma_wait3A_919 = tpu.memref_slice %arg8[%dma_wait3A_910] : memref<4x!tpu.dma_semaphore, #tpu.memory_space<semaphore_mem>> -> memref<1x!tpu.dma_semaphore, #tpu.memory_space<semaphore_mem>>
      %dma_wait3A_920 = tpu.memref_squeeze %dma_wait3A_919 : memref<1x!tpu.dma_semaphore, #tpu.memory_space<semaphore_mem>> -> memref<!tpu.dma_semaphore, #tpu.memory_space<semaphore_mem>>
      %dma_wait3A_921 = arith.constant 0 : i32
      %dma_wait3A_922 = arith.constant 0 : i32
      %dma_wait3A_923 = tpu.memref_slice %arg4[%mul3A_2, %dma_wait3A_921, %dma_wait3A_922] : memref<4096x50x128xf32, #tpu.memory_space<hbm>> -> memref<4x50x128xf32, #tpu.memory_space<hbm>>
      %dma_wait3A_924 = arith.constant 0 : i32
      %dma_wait3A_925 = arith.constant 0 : i32
      %dma_wait3A_926 = arith.constant 0 : i32
      %dma_wait3A_927 = tpu.memref_slice %arg6[%dma_wait3A_909, %dma_wait3A_924, %dma_wait3A_925, %dma_wait3A_926] : memref<4x4x50x128xf32, #tpu.memory_space<vmem>> -> memref<1x4x50x128xf32, #tpu.memory_space<vmem>>
      %dma_wait3A_928 = tpu.memref_squeeze %dma_wait3A_927 : memref<1x4x50x128xf32, #tpu.memory_space<vmem>> -> memref<4x50x128xf32, #tpu.memory_space<vmem>>
      tpu.wait_dma2 semaphore(%dma_wait3A_920 : memref<!tpu.dma_semaphore, #tpu.memory_space<semaphore_mem>>) src(%dma_wait3A_928 : memref<4x50x128xf32, #tpu.memory_space<vmem>>) dst(%dma_wait3A_923 : memref<4x50x128xf32, #tpu.memory_space<hbm>>)
      %add3A_929 = arith.constant 4 : i32
      %add3A_930 = arith.addi %add3A_908, %add3A_929 : i32
      %sub3A_931 = arith.constant 1 : i32
      %sub3A_932 = arith.subi %add3A_930, %sub3A_931 : i32
      %dma_start3A_933 = arith.constant 0 : i32
      %dma_start3A_934 = arith.constant 1 : i32
      %dma_start3A_935 = arith.constant 0 : i32
      %dma_start3A_936 = arith.constant 1 : i32
      %dma_start3A_937 = arith.constant 0 : i32
      %dma_start3A_938 = arith.constant 0 : i32
      %dma_start3A_939 = tpu.memref_slice %arg6[%dma_start3A_934, %dma_start3A_935, %dma_start3A_937, %dma_start3A_938] : memref<4x4x50x128xf32, #tpu.memory_space<vmem>> -> memref<1x1x50x128xf32, #tpu.memory_space<vmem>>
      %dma_start3A_940 = tpu.memref_squeeze %dma_start3A_939 : memref<1x1x50x128xf32, #tpu.memory_space<vmem>> -> memref<50x128xf32, #tpu.memory_space<vmem>>
      %dma_start3A_941 = arith.constant 0 : i32
      %dma_start3A_942 = tpu.memref_slice %arg5[%sub3A_932, %dma_start3A_933, %dma_start3A_941] : memref<32x4x50xi32, #tpu.memory_space<vmem>> -> memref<1x1x50xi32, #tpu.memory_space<vmem>>
      %dma_start3A_943 = tpu.memref_squeeze %dma_start3A_942 : memref<1x1x50xi32, #tpu.memory_space<vmem>> -> memref<50xi32, #tpu.memory_space<vmem>>
      %dma_start3A_944 = arith.constant 0 : i32
      %dma_start3A_945 = arith.constant 0 : i32
      %dma_start3A_946 = tpu.memref_slice %arg3[%dma_start3A_944, %dma_start3A_945] : memref<100000x128xf32, #tpu.memory_space<hbm>> -> memref<100000x128xf32, #tpu.memory_space<hbm>>
      %dma_start3A_947 = tpu.memref_slice %arg7[%dma_start3A_936] : memref<4x!tpu.dma_semaphore, #tpu.memory_space<semaphore_mem>> -> memref<1x!tpu.dma_semaphore, #tpu.memory_space<semaphore_mem>>
      %dma_start3A_948 = tpu.memref_squeeze %dma_start3A_947 : memref<1x!tpu.dma_semaphore, #tpu.memory_space<semaphore_mem>> -> memref<!tpu.dma_semaphore, #tpu.memory_space<semaphore_mem>>
      tpu.enqueue_indirect_dma source(%dma_start3A_946 : memref<100000x128xf32, #tpu.memory_space<hbm>>) target(%dma_start3A_940 : memref<50x128xf32, #tpu.memory_space<vmem>>) offsets(%dma_start3A_943 : memref<50xi32, #tpu.memory_space<vmem>>) semaphore(%dma_start3A_948 : memref<!tpu.dma_semaphore, #tpu.memory_space<semaphore_mem>>)
      %dma_start3A_949 = arith.constant 1 : i32
      %dma_start3A_950 = arith.constant 1 : i32
      %dma_start3A_951 = arith.constant 1 : i32
      %dma_start3A_952 = arith.constant 1 : i32
      %dma_start3A_953 = arith.constant 0 : i32
      %dma_start3A_954 = arith.constant 0 : i32
      %dma_start3A_955 = tpu.memref_slice %arg6[%dma_start3A_950, %dma_start3A_951, %dma_start3A_953, %dma_start3A_954] : memref<4x4x50x128xf32, #tpu.memory_space<vmem>> -> memref<1x1x50x128xf32, #tpu.memory_space<vmem>>
      %dma_start3A_956 = tpu.memref_squeeze %dma_start3A_955 : memref<1x1x50x128xf32, #tpu.memory_space<vmem>> -> memref<50x128xf32, #tpu.memory_space<vmem>>
      %dma_start3A_957 = arith.constant 0 : i32
      %dma_start3A_958 = tpu.memref_slice %arg5[%sub3A_932, %dma_start3A_949, %dma_start3A_957] : memref<32x4x50xi32, #tpu.memory_space<vmem>> -> memref<1x1x50xi32, #tpu.memory_space<vmem>>
      %dma_start3A_959 = tpu.memref_squeeze %dma_start3A_958 : memref<1x1x50xi32, #tpu.memory_space<vmem>> -> memref<50xi32, #tpu.memory_space<vmem>>
      %dma_start3A_960 = arith.constant 0 : i32
      %dma_start3A_961 = arith.constant 0 : i32
      %dma_start3A_962 = tpu.memref_slice %arg3[%dma_start3A_960, %dma_start3A_961] : memref<100000x128xf32, #tpu.memory_space<hbm>> -> memref<100000x128xf32, #tpu.memory_space<hbm>>
      %dma_start3A_963 = tpu.memref_slice %arg7[%dma_start3A_952] : memref<4x!tpu.dma_semaphore, #tpu.memory_space<semaphore_mem>> -> memref<1x!tpu.dma_semaphore, #tpu.memory_space<semaphore_mem>>
      %dma_start3A_964 = tpu.memref_squeeze %dma_start3A_963 : memref<1x!tpu.dma_semaphore, #tpu.memory_space<semaphore_mem>> -> memref<!tpu.dma_semaphore, #tpu.memory_space<semaphore_mem>>
      tpu.enqueue_indirect_dma source(%dma_start3A_962 : memref<100000x128xf32, #tpu.memory_space<hbm>>) target(%dma_start3A_956 : memref<50x128xf32, #tpu.memory_space<vmem>>) offsets(%dma_start3A_959 : memref<50xi32, #tpu.memory_space<vmem>>) semaphore(%dma_start3A_964 : memref<!tpu.dma_semaphore, #tpu.memory_space<semaphore_mem>>)
      %dma_start3A_965 = arith.constant 2 : i32
      %dma_start3A_966 = arith.constant 1 : i32
      %dma_start3A_967 = arith.constant 2 : i32
      %dma_start3A_968 = arith.constant 1 : i32
      %dma_start3A_969 = arith.constant 0 : i32
      %dma_start3A_970 = arith.constant 0 : i32
      %dma_start3A_971 = tpu.memref_slice %arg6[%dma_start3A_966, %dma_start3A_967, %dma_start3A_969, %dma_start3A_970] : memref<4x4x50x128xf32, #tpu.memory_space<vmem>> -> memref<1x1x50x128xf32, #tpu.memory_space<vmem>>
      %dma_start3A_972 = tpu.memref_squeeze %dma_start3A_971 : memref<1x1x50x128xf32, #tpu.memory_space<vmem>> -> memref<50x128xf32, #tpu.memory_space<vmem>>
      %dma_start3A_973 = arith.constant 0 : i32
      %dma_start3A_974 = tpu.memref_slice %arg5[%sub3A_932, %dma_start3A_965, %dma_start3A_973] : memref<32x4x50xi32, #tpu.memory_space<vmem>> -> memref<1x1x50xi32, #tpu.memory_space<vmem>>
      %dma_start3A_975 = tpu.memref_squeeze %dma_start3A_974 : memref<1x1x50xi32, #tpu.memory_space<vmem>> -> memref<50xi32, #tpu.memory_space<vmem>>
      %dma_start3A_976 = arith.constant 0 : i32
      %dma_start3A_977 = arith.constant 0 : i32
      %dma_start3A_978 = tpu.memref_slice %arg3[%dma_start3A_976, %dma_start3A_977] : memref<100000x128xf32, #tpu.memory_space<hbm>> -> memref<100000x128xf32, #tpu.memory_space<hbm>>
      %dma_start3A_979 = tpu.memref_slice %arg7[%dma_start3A_968] : memref<4x!tpu.dma_semaphore, #tpu.memory_space<semaphore_mem>> -> memref<1x!tpu.dma_semaphore, #tpu.memory_space<semaphore_mem>>
      %dma_start3A_980 = tpu.memref_squeeze %dma_start3A_979 : memref<1x!tpu.dma_semaphore, #tpu.memory_space<semaphore_mem>> -> memref<!tpu.dma_semaphore, #tpu.memory_space<semaphore_mem>>
      tpu.enqueue_indirect_dma source(%dma_start3A_978 : memref<100000x128xf32, #tpu.memory_space<hbm>>) target(%dma_start3A_972 : memref<50x128xf32, #tpu.memory_space<vmem>>) offsets(%dma_start3A_975 : memref<50xi32, #tpu.memory_space<vmem>>) semaphore(%dma_start3A_980 : memref<!tpu.dma_semaphore, #tpu.memory_space<semaphore_mem>>)
      %dma_start3A_981 = arith.constant 3 : i32
      %dma_start3A_982 = arith.constant 1 : i32
      %dma_start3A_983 = arith.constant 3 : i32
      %dma_start3A_984 = arith.constant 1 : i32
      %dma_start3A_985 = arith.constant 0 : i32
      %dma_start3A_986 = arith.constant 0 : i32
      %dma_start3A_987 = tpu.memref_slice %arg6[%dma_start3A_982, %dma_start3A_983, %dma_start3A_985, %dma_start3A_986] : memref<4x4x50x128xf32, #tpu.memory_space<vmem>> -> memref<1x1x50x128xf32, #tpu.memory_space<vmem>>
      %dma_start3A_988 = tpu.memref_squeeze %dma_start3A_987 : memref<1x1x50x128xf32, #tpu.memory_space<vmem>> -> memref<50x128xf32, #tpu.memory_space<vmem>>
      %dma_start3A_989 = arith.constant 0 : i32
      %dma_start3A_990 = tpu.memref_slice %arg5[%sub3A_932, %dma_start3A_981, %dma_start3A_989] : memref<32x4x50xi32, #tpu.memory_space<vmem>> -> memref<1x1x50xi32, #tpu.memory_space<vmem>>
      %dma_start3A_991 = tpu.memref_squeeze %dma_start3A_990 : memref<1x1x50xi32, #tpu.memory_space<vmem>> -> memref<50xi32, #tpu.memory_space<vmem>>
      %dma_start3A_992 = arith.constant 0 : i32
      %dma_start3A_993 = arith.constant 0 : i32
      %dma_start3A_994 = tpu.memref_slice %arg3[%dma_start3A_992, %dma_start3A_993] : memref<100000x128xf32, #tpu.memory_space<hbm>> -> memref<100000x128xf32, #tpu.memory_space<hbm>>
      %dma_start3A_995 = tpu.memref_slice %arg7[%dma_start3A_984] : memref<4x!tpu.dma_semaphore, #tpu.memory_space<semaphore_mem>> -> memref<1x!tpu.dma_semaphore, #tpu.memory_space<semaphore_mem>>
      %dma_start3A_996 = tpu.memref_squeeze %dma_start3A_995 : memref<1x!tpu.dma_semaphore, #tpu.memory_space<semaphore_mem>> -> memref<!tpu.dma_semaphore, #tpu.memory_space<semaphore_mem>>
      tpu.enqueue_indirect_dma source(%dma_start3A_994 : memref<100000x128xf32, #tpu.memory_space<hbm>>) target(%dma_start3A_988 : memref<50x128xf32, #tpu.memory_space<vmem>>) offsets(%dma_start3A_991 : memref<50xi32, #tpu.memory_space<vmem>>) semaphore(%dma_start3A_996 : memref<!tpu.dma_semaphore, #tpu.memory_space<semaphore_mem>>)
      %dma_wait3A_997 = arith.constant 0 : i32
      %dma_wait3A_998 = arith.constant 0 : i32
      %dma_wait3A_999 = arith.constant 2 : i32
      %dma_wait3A_1000 = arith.constant 0 : i32
      %dma_wait3A_1001 = arith.constant 2 : i32
      %dma_wait3A_1002 = arith.constant 0 : i32
      %dma_wait3A_1003 = arith.constant 0 : i32
      %dma_wait3A_1004 = tpu.memref_slice %arg6[%dma_wait3A_999, %dma_wait3A_1000, %dma_wait3A_1002, %dma_wait3A_1003] : memref<4x4x50x128xf32, #tpu.memory_space<vmem>> -> memref<1x1x50x128xf32, #tpu.memory_space<vmem>>
      %dma_wait3A_1005 = tpu.memref_squeeze %dma_wait3A_1004 : memref<1x1x50x128xf32, #tpu.memory_space<vmem>> -> memref<50x128xf32, #tpu.memory_space<vmem>>
      %dma_wait3A_1006 = arith.constant 0 : i32
      %dma_wait3A_1007 = tpu.memref_slice %arg5[%dma_wait3A_997, %dma_wait3A_998, %dma_wait3A_1006] : memref<32x4x50xi32, #tpu.memory_space<vmem>> -> memref<1x1x50xi32, #tpu.memory_space<vmem>>
      %dma_wait3A_1008 = tpu.memref_squeeze %dma_wait3A_1007 : memref<1x1x50xi32, #tpu.memory_space<vmem>> -> memref<50xi32, #tpu.memory_space<vmem>>
      %dma_wait3A_1009 = arith.constant 0 : i32
      %dma_wait3A_1010 = arith.constant 0 : i32
      %dma_wait3A_1011 = tpu.memref_slice %arg3[%dma_wait3A_1009, %dma_wait3A_1010] : memref<100000x128xf32, #tpu.memory_space<hbm>> -> memref<100000x128xf32, #tpu.memory_space<hbm>>
      %dma_wait3A_1012 = tpu.memref_slice %arg7[%dma_wait3A_1001] : memref<4x!tpu.dma_semaphore, #tpu.memory_space<semaphore_mem>> -> memref<1x!tpu.dma_semaphore, #tpu.memory_space<semaphore_mem>>
      %dma_wait3A_1013 = tpu.memref_squeeze %dma_wait3A_1012 : memref<1x!tpu.dma_semaphore, #tpu.memory_space<semaphore_mem>> -> memref<!tpu.dma_semaphore, #tpu.memory_space<semaphore_mem>>
      tpu.wait_indirect_dma semaphore(%dma_wait3A_1013 : memref<!tpu.dma_semaphore, #tpu.memory_space<semaphore_mem>>) src(%dma_wait3A_1011 : memref<100000x128xf32, #tpu.memory_space<hbm>>) dst(%dma_wait3A_1005 : memref<50x128xf32, #tpu.memory_space<vmem>>)
      %dma_wait3A_1014 = arith.constant 0 : i32
      %dma_wait3A_1015 = arith.constant 1 : i32
      %dma_wait3A_1016 = arith.constant 2 : i32
      %dma_wait3A_1017 = arith.constant 1 : i32
      %dma_wait3A_1018 = arith.constant 2 : i32
      %dma_wait3A_1019 = arith.constant 0 : i32
      %dma_wait3A_1020 = arith.constant 0 : i32
      %dma_wait3A_1021 = tpu.memref_slice %arg6[%dma_wait3A_1016, %dma_wait3A_1017, %dma_wait3A_1019, %dma_wait3A_1020] : memref<4x4x50x128xf32, #tpu.memory_space<vmem>> -> memref<1x1x50x128xf32, #tpu.memory_space<vmem>>
      %dma_wait3A_1022 = tpu.memref_squeeze %dma_wait3A_1021 : memref<1x1x50x128xf32, #tpu.memory_space<vmem>> -> memref<50x128xf32, #tpu.memory_space<vmem>>
      %dma_wait3A_1023 = arith.constant 0 : i32
      %dma_wait3A_1024 = tpu.memref_slice %arg5[%dma_wait3A_1014, %dma_wait3A_1015, %dma_wait3A_1023] : memref<32x4x50xi32, #tpu.memory_space<vmem>> -> memref<1x1x50xi32, #tpu.memory_space<vmem>>
      %dma_wait3A_1025 = tpu.memref_squeeze %dma_wait3A_1024 : memref<1x1x50xi32, #tpu.memory_space<vmem>> -> memref<50xi32, #tpu.memory_space<vmem>>
      %dma_wait3A_1026 = arith.constant 0 : i32
      %dma_wait3A_1027 = arith.constant 0 : i32
      %dma_wait3A_1028 = tpu.memref_slice %arg3[%dma_wait3A_1026, %dma_wait3A_1027] : memref<100000x128xf32, #tpu.memory_space<hbm>> -> memref<100000x128xf32, #tpu.memory_space<hbm>>
      %dma_wait3A_1029 = tpu.memref_slice %arg7[%dma_wait3A_1018] : memref<4x!tpu.dma_semaphore, #tpu.memory_space<semaphore_mem>> -> memref<1x!tpu.dma_semaphore, #tpu.memory_space<semaphore_mem>>
      %dma_wait3A_1030 = tpu.memref_squeeze %dma_wait3A_1029 : memref<1x!tpu.dma_semaphore, #tpu.memory_space<semaphore_mem>> -> memref<!tpu.dma_semaphore, #tpu.memory_space<semaphore_mem>>
      tpu.wait_indirect_dma semaphore(%dma_wait3A_1030 : memref<!tpu.dma_semaphore, #tpu.memory_space<semaphore_mem>>) src(%dma_wait3A_1028 : memref<100000x128xf32, #tpu.memory_space<hbm>>) dst(%dma_wait3A_1022 : memref<50x128xf32, #tpu.memory_space<vmem>>)
      %dma_wait3A_1031 = arith.constant 0 : i32
      %dma_wait3A_1032 = arith.constant 2 : i32
      %dma_wait3A_1033 = arith.constant 2 : i32
      %dma_wait3A_1034 = arith.constant 2 : i32
      %dma_wait3A_1035 = arith.constant 2 : i32
      %dma_wait3A_1036 = arith.constant 0 : i32
      %dma_wait3A_1037 = arith.constant 0 : i32
      %dma_wait3A_1038 = tpu.memref_slice %arg6[%dma_wait3A_1033, %dma_wait3A_1034, %dma_wait3A_1036, %dma_wait3A_1037] : memref<4x4x50x128xf32, #tpu.memory_space<vmem>> -> memref<1x1x50x128xf32, #tpu.memory_space<vmem>>
      %dma_wait3A_1039 = tpu.memref_squeeze %dma_wait3A_1038 : memref<1x1x50x128xf32, #tpu.memory_space<vmem>> -> memref<50x128xf32, #tpu.memory_space<vmem>>
      %dma_wait3A_1040 = arith.constant 0 : i32
      %dma_wait3A_1041 = tpu.memref_slice %arg5[%dma_wait3A_1031, %dma_wait3A_1032, %dma_wait3A_1040] : memref<32x4x50xi32, #tpu.memory_space<vmem>> -> memref<1x1x50xi32, #tpu.memory_space<vmem>>
      %dma_wait3A_1042 = tpu.memref_squeeze %dma_wait3A_1041 : memref<1x1x50xi32, #tpu.memory_space<vmem>> -> memref<50xi32, #tpu.memory_space<vmem>>
      %dma_wait3A_1043 = arith.constant 0 : i32
      %dma_wait3A_1044 = arith.constant 0 : i32
      %dma_wait3A_1045 = tpu.memref_slice %arg3[%dma_wait3A_1043, %dma_wait3A_1044] : memref<100000x128xf32, #tpu.memory_space<hbm>> -> memref<100000x128xf32, #tpu.memory_space<hbm>>
      %dma_wait3A_1046 = tpu.memref_slice %arg7[%dma_wait3A_1035] : memref<4x!tpu.dma_semaphore, #tpu.memory_space<semaphore_mem>> -> memref<1x!tpu.dma_semaphore, #tpu.memory_space<semaphore_mem>>
      %dma_wait3A_1047 = tpu.memref_squeeze %dma_wait3A_1046 : memref<1x!tpu.dma_semaphore, #tpu.memory_space<semaphore_mem>> -> memref<!tpu.dma_semaphore, #tpu.memory_space<semaphore_mem>>
      tpu.wait_indirect_dma semaphore(%dma_wait3A_1047 : memref<!tpu.dma_semaphore, #tpu.memory_space<semaphore_mem>>) src(%dma_wait3A_1045 : memref<100000x128xf32, #tpu.memory_space<hbm>>) dst(%dma_wait3A_1039 : memref<50x128xf32, #tpu.memory_space<vmem>>)
      %dma_wait3A_1048 = arith.constant 0 : i32
      %dma_wait3A_1049 = arith.constant 3 : i32
      %dma_wait3A_1050 = arith.constant 2 : i32
      %dma_wait3A_1051 = arith.constant 3 : i32
      %dma_wait3A_1052 = arith.constant 2 : i32
      %dma_wait3A_1053 = arith.constant 0 : i32
      %dma_wait3A_1054 = arith.constant 0 : i32
      %dma_wait3A_1055 = tpu.memref_slice %arg6[%dma_wait3A_1050, %dma_wait3A_1051, %dma_wait3A_1053, %dma_wait3A_1054] : memref<4x4x50x128xf32, #tpu.memory_space<vmem>> -> memref<1x1x50x128xf32, #tpu.memory_space<vmem>>
      %dma_wait3A_1056 = tpu.memref_squeeze %dma_wait3A_1055 : memref<1x1x50x128xf32, #tpu.memory_space<vmem>> -> memref<50x128xf32, #tpu.memory_space<vmem>>
      %dma_wait3A_1057 = arith.constant 0 : i32
      %dma_wait3A_1058 = tpu.memref_slice %arg5[%dma_wait3A_1048, %dma_wait3A_1049, %dma_wait3A_1057] : memref<32x4x50xi32, #tpu.memory_space<vmem>> -> memref<1x1x50xi32, #tpu.memory_space<vmem>>
      %dma_wait3A_1059 = tpu.memref_squeeze %dma_wait3A_1058 : memref<1x1x50xi32, #tpu.memory_space<vmem>> -> memref<50xi32, #tpu.memory_space<vmem>>
      %dma_wait3A_1060 = arith.constant 0 : i32
      %dma_wait3A_1061 = arith.constant 0 : i32
      %dma_wait3A_1062 = tpu.memref_slice %arg3[%dma_wait3A_1060, %dma_wait3A_1061] : memref<100000x128xf32, #tpu.memory_space<hbm>> -> memref<100000x128xf32, #tpu.memory_space<hbm>>
      %dma_wait3A_1063 = tpu.memref_slice %arg7[%dma_wait3A_1052] : memref<4x!tpu.dma_semaphore, #tpu.memory_space<semaphore_mem>> -> memref<1x!tpu.dma_semaphore, #tpu.memory_space<semaphore_mem>>
      %dma_wait3A_1064 = tpu.memref_squeeze %dma_wait3A_1063 : memref<1x!tpu.dma_semaphore, #tpu.memory_space<semaphore_mem>> -> memref<!tpu.dma_semaphore, #tpu.memory_space<semaphore_mem>>
      tpu.wait_indirect_dma semaphore(%dma_wait3A_1064 : memref<!tpu.dma_semaphore, #tpu.memory_space<semaphore_mem>>) src(%dma_wait3A_1062 : memref<100000x128xf32, #tpu.memory_space<hbm>>) dst(%dma_wait3A_1056 : memref<50x128xf32, #tpu.memory_space<vmem>>)
      %mul3A_1065 = arith.constant 4 : i32
      %mul3A_1066 = arith.muli %add3A_908, %mul3A_1065 : i32
      %add3A_1067 = arith.addi %mul3A_2, %mul3A_1066 : i32
      %dma_start3A_1068 = arith.constant 2 : i32
      %dma_start3A_1069 = arith.constant 2 : i32
      %dma_start3A_1070 = arith.constant 0 : i32
      %dma_start3A_1071 = arith.constant 0 : i32
      %dma_start3A_1072 = arith.constant 0 : i32
      %dma_start3A_1073 = tpu.memref_slice %arg6[%dma_start3A_1068, %dma_start3A_1070, %dma_start3A_1071, %dma_start3A_1072] : memref<4x4x50x128xf32, #tpu.memory_space<vmem>> -> memref<1x4x50x128xf32, #tpu.memory_space<vmem>>
      %dma_start3A_1074 = tpu.memref_squeeze %dma_start3A_1073 : memref<1x4x50x128xf32, #tpu.memory_space<vmem>> -> memref<4x50x128xf32, #tpu.memory_space<vmem>>
      %dma_start3A_1075 = arith.constant 0 : i32
      %dma_start3A_1076 = arith.constant 0 : i32
      %dma_start3A_1077 = tpu.memref_slice %arg4[%add3A_1067, %dma_start3A_1075, %dma_start3A_1076] : memref<4096x50x128xf32, #tpu.memory_space<hbm>> -> memref<4x50x128xf32, #tpu.memory_space<hbm>>
      %dma_start3A_1078 = tpu.memref_slice %arg8[%dma_start3A_1069] : memref<4x!tpu.dma_semaphore, #tpu.memory_space<semaphore_mem>> -> memref<1x!tpu.dma_semaphore, #tpu.memory_space<semaphore_mem>>
      %dma_start3A_1079 = tpu.memref_squeeze %dma_start3A_1078 : memref<1x!tpu.dma_semaphore, #tpu.memory_space<semaphore_mem>> -> memref<!tpu.dma_semaphore, #tpu.memory_space<semaphore_mem>>
      %dma_start3A_1080 = arith.constant 0 : i32
      %dma_start3A_1081 = arith.constant 0 : i32
      %dma_start3A_1082 = tpu.memref_slice %arg4[%add3A_1067, %dma_start3A_1080, %dma_start3A_1081] : memref<4096x50x128xf32, #tpu.memory_space<hbm>> -> memref<4x50x128xf32, #tpu.memory_space<hbm>>
      %dma_start3A_1083 = arith.constant 0 : i32
      %dma_start3A_1084 = arith.constant 0 : i32
      %dma_start3A_1085 = arith.constant 0 : i32
      %dma_start3A_1086 = tpu.memref_slice %arg6[%dma_start3A_1068, %dma_start3A_1083, %dma_start3A_1084, %dma_start3A_1085] : memref<4x4x50x128xf32, #tpu.memory_space<vmem>> -> memref<1x4x50x128xf32, #tpu.memory_space<vmem>>
      %dma_start3A_1087 = tpu.memref_squeeze %dma_start3A_1086 : memref<1x4x50x128xf32, #tpu.memory_space<vmem>> -> memref<4x50x128xf32, #tpu.memory_space<vmem>>
      tpu.enqueue_dma source(%dma_start3A_1087 : memref<4x50x128xf32, #tpu.memory_space<vmem>>) target(%dma_start3A_1082 : memref<4x50x128xf32, #tpu.memory_space<hbm>>) target_semaphore(%dma_start3A_1079 : memref<!tpu.dma_semaphore, #tpu.memory_space<semaphore_mem>>)
      %mul3A_1088 = arith.constant 4 : i32
      %mul3A_1089 = arith.muli %mul3A_1088, %scan3A_718 : i32
      %add3A_1090 = arith.constant 1 : i32
      %add3A_1091 = arith.addi %mul3A_1089, %add3A_1090 : i32
      %add3A_1092 = arith.constant 2 : i32
      %add3A_1093 = arith.addi %add3A_1091, %add3A_1092 : i32
      %dma_wait3A_1094 = arith.constant 2 : i32
      %dma_wait3A_1095 = arith.constant 2 : i32
      %dma_wait3A_1096 = arith.constant 0 : i32
      %dma_wait3A_1097 = arith.constant 0 : i32
      %dma_wait3A_1098 = arith.constant 0 : i32
      %dma_wait3A_1099 = tpu.memref_slice %arg6[%dma_wait3A_1094, %dma_wait3A_1096, %dma_wait3A_1097, %dma_wait3A_1098] : memref<4x4x50x128xf32, #tpu.memory_space<vmem>> -> memref<1x4x50x128xf32, #tpu.memory_space<vmem>>
      %dma_wait3A_1100 = tpu.memref_squeeze %dma_wait3A_1099 : memref<1x4x50x128xf32, #tpu.memory_space<vmem>> -> memref<4x50x128xf32, #tpu.memory_space<vmem>>
      %dma_wait3A_1101 = arith.constant 0 : i32
      %dma_wait3A_1102 = arith.constant 0 : i32
      %dma_wait3A_1103 = tpu.memref_slice %arg4[%mul3A_2, %dma_wait3A_1101, %dma_wait3A_1102] : memref<4096x50x128xf32, #tpu.memory_space<hbm>> -> memref<4x50x128xf32, #tpu.memory_space<hbm>>
      %dma_wait3A_1104 = tpu.memref_slice %arg8[%dma_wait3A_1095] : memref<4x!tpu.dma_semaphore, #tpu.memory_space<semaphore_mem>> -> memref<1x!tpu.dma_semaphore, #tpu.memory_space<semaphore_mem>>
      %dma_wait3A_1105 = tpu.memref_squeeze %dma_wait3A_1104 : memref<1x!tpu.dma_semaphore, #tpu.memory_space<semaphore_mem>> -> memref<!tpu.dma_semaphore, #tpu.memory_space<semaphore_mem>>
      %dma_wait3A_1106 = arith.constant 0 : i32
      %dma_wait3A_1107 = arith.constant 0 : i32
      %dma_wait3A_1108 = tpu.memref_slice %arg4[%mul3A_2, %dma_wait3A_1106, %dma_wait3A_1107] : memref<4096x50x128xf32, #tpu.memory_space<hbm>> -> memref<4x50x128xf32, #tpu.memory_space<hbm>>
      %dma_wait3A_1109 = arith.constant 0 : i32
      %dma_wait3A_1110 = arith.constant 0 : i32
      %dma_wait3A_1111 = arith.constant 0 : i32
      %dma_wait3A_1112 = tpu.memref_slice %arg6[%dma_wait3A_1094, %dma_wait3A_1109, %dma_wait3A_1110, %dma_wait3A_1111] : memref<4x4x50x128xf32, #tpu.memory_space<vmem>> -> memref<1x4x50x128xf32, #tpu.memory_space<vmem>>
      %dma_wait3A_1113 = tpu.memref_squeeze %dma_wait3A_1112 : memref<1x4x50x128xf32, #tpu.memory_space<vmem>> -> memref<4x50x128xf32, #tpu.memory_space<vmem>>
      tpu.wait_dma2 semaphore(%dma_wait3A_1105 : memref<!tpu.dma_semaphore, #tpu.memory_space<semaphore_mem>>) src(%dma_wait3A_1113 : memref<4x50x128xf32, #tpu.memory_space<vmem>>) dst(%dma_wait3A_1108 : memref<4x50x128xf32, #tpu.memory_space<hbm>>)
      %add3A_1114 = arith.constant 4 : i32
      %add3A_1115 = arith.addi %add3A_1093, %add3A_1114 : i32
      %sub3A_1116 = arith.constant 1 : i32
      %sub3A_1117 = arith.subi %add3A_1115, %sub3A_1116 : i32
      %dma_start3A_1118 = arith.constant 0 : i32
      %dma_start3A_1119 = arith.constant 2 : i32
      %dma_start3A_1120 = arith.constant 0 : i32
      %dma_start3A_1121 = arith.constant 2 : i32
      %dma_start3A_1122 = arith.constant 0 : i32
      %dma_start3A_1123 = arith.constant 0 : i32
      %dma_start3A_1124 = tpu.memref_slice %arg6[%dma_start3A_1119, %dma_start3A_1120, %dma_start3A_1122, %dma_start3A_1123] : memref<4x4x50x128xf32, #tpu.memory_space<vmem>> -> memref<1x1x50x128xf32, #tpu.memory_space<vmem>>
      %dma_start3A_1125 = tpu.memref_squeeze %dma_start3A_1124 : memref<1x1x50x128xf32, #tpu.memory_space<vmem>> -> memref<50x128xf32, #tpu.memory_space<vmem>>
      %dma_start3A_1126 = arith.constant 0 : i32
      %dma_start3A_1127 = tpu.memref_slice %arg5[%sub3A_1117, %dma_start3A_1118, %dma_start3A_1126] : memref<32x4x50xi32, #tpu.memory_space<vmem>> -> memref<1x1x50xi32, #tpu.memory_space<vmem>>
      %dma_start3A_1128 = tpu.memref_squeeze %dma_start3A_1127 : memref<1x1x50xi32, #tpu.memory_space<vmem>> -> memref<50xi32, #tpu.memory_space<vmem>>
      %dma_start3A_1129 = arith.constant 0 : i32
      %dma_start3A_1130 = arith.constant 0 : i32
      %dma_start3A_1131 = tpu.memref_slice %arg3[%dma_start3A_1129, %dma_start3A_1130] : memref<100000x128xf32, #tpu.memory_space<hbm>> -> memref<100000x128xf32, #tpu.memory_space<hbm>>
      %dma_start3A_1132 = tpu.memref_slice %arg7[%dma_start3A_1121] : memref<4x!tpu.dma_semaphore, #tpu.memory_space<semaphore_mem>> -> memref<1x!tpu.dma_semaphore, #tpu.memory_space<semaphore_mem>>
      %dma_start3A_1133 = tpu.memref_squeeze %dma_start3A_1132 : memref<1x!tpu.dma_semaphore, #tpu.memory_space<semaphore_mem>> -> memref<!tpu.dma_semaphore, #tpu.memory_space<semaphore_mem>>
      tpu.enqueue_indirect_dma source(%dma_start3A_1131 : memref<100000x128xf32, #tpu.memory_space<hbm>>) target(%dma_start3A_1125 : memref<50x128xf32, #tpu.memory_space<vmem>>) offsets(%dma_start3A_1128 : memref<50xi32, #tpu.memory_space<vmem>>) semaphore(%dma_start3A_1133 : memref<!tpu.dma_semaphore, #tpu.memory_space<semaphore_mem>>)
      %dma_start3A_1134 = arith.constant 1 : i32
      %dma_start3A_1135 = arith.constant 2 : i32
      %dma_start3A_1136 = arith.constant 1 : i32
      %dma_start3A_1137 = arith.constant 2 : i32
      %dma_start3A_1138 = arith.constant 0 : i32
      %dma_start3A_1139 = arith.constant 0 : i32
      %dma_start3A_1140 = tpu.memref_slice %arg6[%dma_start3A_1135, %dma_start3A_1136, %dma_start3A_1138, %dma_start3A_1139] : memref<4x4x50x128xf32, #tpu.memory_space<vmem>> -> memref<1x1x50x128xf32, #tpu.memory_space<vmem>>
      %dma_start3A_1141 = tpu.memref_squeeze %dma_start3A_1140 : memref<1x1x50x128xf32, #tpu.memory_space<vmem>> -> memref<50x128xf32, #tpu.memory_space<vmem>>
      %dma_start3A_1142 = arith.constant 0 : i32
      %dma_start3A_1143 = tpu.memref_slice %arg5[%sub3A_1117, %dma_start3A_1134, %dma_start3A_1142] : memref<32x4x50xi32, #tpu.memory_space<vmem>> -> memref<1x1x50xi32, #tpu.memory_space<vmem>>
      %dma_start3A_1144 = tpu.memref_squeeze %dma_start3A_1143 : memref<1x1x50xi32, #tpu.memory_space<vmem>> -> memref<50xi32, #tpu.memory_space<vmem>>
      %dma_start3A_1145 = arith.constant 0 : i32
      %dma_start3A_1146 = arith.constant 0 : i32
      %dma_start3A_1147 = tpu.memref_slice %arg3[%dma_start3A_1145, %dma_start3A_1146] : memref<100000x128xf32, #tpu.memory_space<hbm>> -> memref<100000x128xf32, #tpu.memory_space<hbm>>
      %dma_start3A_1148 = tpu.memref_slice %arg7[%dma_start3A_1137] : memref<4x!tpu.dma_semaphore, #tpu.memory_space<semaphore_mem>> -> memref<1x!tpu.dma_semaphore, #tpu.memory_space<semaphore_mem>>
      %dma_start3A_1149 = tpu.memref_squeeze %dma_start3A_1148 : memref<1x!tpu.dma_semaphore, #tpu.memory_space<semaphore_mem>> -> memref<!tpu.dma_semaphore, #tpu.memory_space<semaphore_mem>>
      tpu.enqueue_indirect_dma source(%dma_start3A_1147 : memref<100000x128xf32, #tpu.memory_space<hbm>>) target(%dma_start3A_1141 : memref<50x128xf32, #tpu.memory_space<vmem>>) offsets(%dma_start3A_1144 : memref<50xi32, #tpu.memory_space<vmem>>) semaphore(%dma_start3A_1149 : memref<!tpu.dma_semaphore, #tpu.memory_space<semaphore_mem>>)
      %dma_start3A_1150 = arith.constant 2 : i32
      %dma_start3A_1151 = arith.constant 2 : i32
      %dma_start3A_1152 = arith.constant 2 : i32
      %dma_start3A_1153 = arith.constant 2 : i32
      %dma_start3A_1154 = arith.constant 0 : i32
      %dma_start3A_1155 = arith.constant 0 : i32
      %dma_start3A_1156 = tpu.memref_slice %arg6[%dma_start3A_1151, %dma_start3A_1152, %dma_start3A_1154, %dma_start3A_1155] : memref<4x4x50x128xf32, #tpu.memory_space<vmem>> -> memref<1x1x50x128xf32, #tpu.memory_space<vmem>>
      %dma_start3A_1157 = tpu.memref_squeeze %dma_start3A_1156 : memref<1x1x50x128xf32, #tpu.memory_space<vmem>> -> memref<50x128xf32, #tpu.memory_space<vmem>>
      %dma_start3A_1158 = arith.constant 0 : i32
      %dma_start3A_1159 = tpu.memref_slice %arg5[%sub3A_1117, %dma_start3A_1150, %dma_start3A_1158] : memref<32x4x50xi32, #tpu.memory_space<vmem>> -> memref<1x1x50xi32, #tpu.memory_space<vmem>>
      %dma_start3A_1160 = tpu.memref_squeeze %dma_start3A_1159 : memref<1x1x50xi32, #tpu.memory_space<vmem>> -> memref<50xi32, #tpu.memory_space<vmem>>
      %dma_start3A_1161 = arith.constant 0 : i32
      %dma_start3A_1162 = arith.constant 0 : i32
      %dma_start3A_1163 = tpu.memref_slice %arg3[%dma_start3A_1161, %dma_start3A_1162] : memref<100000x128xf32, #tpu.memory_space<hbm>> -> memref<100000x128xf32, #tpu.memory_space<hbm>>
      %dma_start3A_1164 = tpu.memref_slice %arg7[%dma_start3A_1153] : memref<4x!tpu.dma_semaphore, #tpu.memory_space<semaphore_mem>> -> memref<1x!tpu.dma_semaphore, #tpu.memory_space<semaphore_mem>>
      %dma_start3A_1165 = tpu.memref_squeeze %dma_start3A_1164 : memref<1x!tpu.dma_semaphore, #tpu.memory_space<semaphore_mem>> -> memref<!tpu.dma_semaphore, #tpu.memory_space<semaphore_mem>>
      tpu.enqueue_indirect_dma source(%dma_start3A_1163 : memref<100000x128xf32, #tpu.memory_space<hbm>>) target(%dma_start3A_1157 : memref<50x128xf32, #tpu.memory_space<vmem>>) offsets(%dma_start3A_1160 : memref<50xi32, #tpu.memory_space<vmem>>) semaphore(%dma_start3A_1165 : memref<!tpu.dma_semaphore, #tpu.memory_space<semaphore_mem>>)
      %dma_start3A_1166 = arith.constant 3 : i32
      %dma_start3A_1167 = arith.constant 2 : i32
      %dma_start3A_1168 = arith.constant 3 : i32
      %dma_start3A_1169 = arith.constant 2 : i32
      %dma_start3A_1170 = arith.constant 0 : i32
      %dma_start3A_1171 = arith.constant 0 : i32
      %dma_start3A_1172 = tpu.memref_slice %arg6[%dma_start3A_1167, %dma_start3A_1168, %dma_start3A_1170, %dma_start3A_1171] : memref<4x4x50x128xf32, #tpu.memory_space<vmem>> -> memref<1x1x50x128xf32, #tpu.memory_space<vmem>>
      %dma_start3A_1173 = tpu.memref_squeeze %dma_start3A_1172 : memref<1x1x50x128xf32, #tpu.memory_space<vmem>> -> memref<50x128xf32, #tpu.memory_space<vmem>>
      %dma_start3A_1174 = arith.constant 0 : i32
      %dma_start3A_1175 = tpu.memref_slice %arg5[%sub3A_1117, %dma_start3A_1166, %dma_start3A_1174] : memref<32x4x50xi32, #tpu.memory_space<vmem>> -> memref<1x1x50xi32, #tpu.memory_space<vmem>>
      %dma_start3A_1176 = tpu.memref_squeeze %dma_start3A_1175 : memref<1x1x50xi32, #tpu.memory_space<vmem>> -> memref<50xi32, #tpu.memory_space<vmem>>
      %dma_start3A_1177 = arith.constant 0 : i32
      %dma_start3A_1178 = arith.constant 0 : i32
      %dma_start3A_1179 = tpu.memref_slice %arg3[%dma_start3A_1177, %dma_start3A_1178] : memref<100000x128xf32, #tpu.memory_space<hbm>> -> memref<100000x128xf32, #tpu.memory_space<hbm>>
      %dma_start3A_1180 = tpu.memref_slice %arg7[%dma_start3A_1169] : memref<4x!tpu.dma_semaphore, #tpu.memory_space<semaphore_mem>> -> memref<1x!tpu.dma_semaphore, #tpu.memory_space<semaphore_mem>>
      %dma_start3A_1181 = tpu.memref_squeeze %dma_start3A_1180 : memref<1x!tpu.dma_semaphore, #tpu.memory_space<semaphore_mem>> -> memref<!tpu.dma_semaphore, #tpu.memory_space<semaphore_mem>>
      tpu.enqueue_indirect_dma source(%dma_start3A_1179 : memref<100000x128xf32, #tpu.memory_space<hbm>>) target(%dma_start3A_1173 : memref<50x128xf32, #tpu.memory_space<vmem>>) offsets(%dma_start3A_1176 : memref<50xi32, #tpu.memory_space<vmem>>) semaphore(%dma_start3A_1181 : memref<!tpu.dma_semaphore, #tpu.memory_space<semaphore_mem>>)
      %dma_wait3A_1182 = arith.constant 0 : i32
      %dma_wait3A_1183 = arith.constant 0 : i32
      %dma_wait3A_1184 = arith.constant 3 : i32
      %dma_wait3A_1185 = arith.constant 0 : i32
      %dma_wait3A_1186 = arith.constant 3 : i32
      %dma_wait3A_1187 = arith.constant 0 : i32
      %dma_wait3A_1188 = arith.constant 0 : i32
      %dma_wait3A_1189 = tpu.memref_slice %arg6[%dma_wait3A_1184, %dma_wait3A_1185, %dma_wait3A_1187, %dma_wait3A_1188] : memref<4x4x50x128xf32, #tpu.memory_space<vmem>> -> memref<1x1x50x128xf32, #tpu.memory_space<vmem>>
      %dma_wait3A_1190 = tpu.memref_squeeze %dma_wait3A_1189 : memref<1x1x50x128xf32, #tpu.memory_space<vmem>> -> memref<50x128xf32, #tpu.memory_space<vmem>>
      %dma_wait3A_1191 = arith.constant 0 : i32
      %dma_wait3A_1192 = tpu.memref_slice %arg5[%dma_wait3A_1182, %dma_wait3A_1183, %dma_wait3A_1191] : memref<32x4x50xi32, #tpu.memory_space<vmem>> -> memref<1x1x50xi32, #tpu.memory_space<vmem>>
      %dma_wait3A_1193 = tpu.memref_squeeze %dma_wait3A_1192 : memref<1x1x50xi32, #tpu.memory_space<vmem>> -> memref<50xi32, #tpu.memory_space<vmem>>
      %dma_wait3A_1194 = arith.constant 0 : i32
      %dma_wait3A_1195 = arith.constant 0 : i32
      %dma_wait3A_1196 = tpu.memref_slice %arg3[%dma_wait3A_1194, %dma_wait3A_1195] : memref<100000x128xf32, #tpu.memory_space<hbm>> -> memref<100000x128xf32, #tpu.memory_space<hbm>>
      %dma_wait3A_1197 = tpu.memref_slice %arg7[%dma_wait3A_1186] : memref<4x!tpu.dma_semaphore, #tpu.memory_space<semaphore_mem>> -> memref<1x!tpu.dma_semaphore, #tpu.memory_space<semaphore_mem>>
      %dma_wait3A_1198 = tpu.memref_squeeze %dma_wait3A_1197 : memref<1x!tpu.dma_semaphore, #tpu.memory_space<semaphore_mem>> -> memref<!tpu.dma_semaphore, #tpu.memory_space<semaphore_mem>>
      tpu.wait_indirect_dma semaphore(%dma_wait3A_1198 : memref<!tpu.dma_semaphore, #tpu.memory_space<semaphore_mem>>) src(%dma_wait3A_1196 : memref<100000x128xf32, #tpu.memory_space<hbm>>) dst(%dma_wait3A_1190 : memref<50x128xf32, #tpu.memory_space<vmem>>)
      %dma_wait3A_1199 = arith.constant 0 : i32
      %dma_wait3A_1200 = arith.constant 1 : i32
      %dma_wait3A_1201 = arith.constant 3 : i32
      %dma_wait3A_1202 = arith.constant 1 : i32
      %dma_wait3A_1203 = arith.constant 3 : i32
      %dma_wait3A_1204 = arith.constant 0 : i32
      %dma_wait3A_1205 = arith.constant 0 : i32
      %dma_wait3A_1206 = tpu.memref_slice %arg6[%dma_wait3A_1201, %dma_wait3A_1202, %dma_wait3A_1204, %dma_wait3A_1205] : memref<4x4x50x128xf32, #tpu.memory_space<vmem>> -> memref<1x1x50x128xf32, #tpu.memory_space<vmem>>
      %dma_wait3A_1207 = tpu.memref_squeeze %dma_wait3A_1206 : memref<1x1x50x128xf32, #tpu.memory_space<vmem>> -> memref<50x128xf32, #tpu.memory_space<vmem>>
      %dma_wait3A_1208 = arith.constant 0 : i32
      %dma_wait3A_1209 = tpu.memref_slice %arg5[%dma_wait3A_1199, %dma_wait3A_1200, %dma_wait3A_1208] : memref<32x4x50xi32, #tpu.memory_space<vmem>> -> memref<1x1x50xi32, #tpu.memory_space<vmem>>
      %dma_wait3A_1210 = tpu.memref_squeeze %dma_wait3A_1209 : memref<1x1x50xi32, #tpu.memory_space<vmem>> -> memref<50xi32, #tpu.memory_space<vmem>>
      %dma_wait3A_1211 = arith.constant 0 : i32
      %dma_wait3A_1212 = arith.constant 0 : i32
      %dma_wait3A_1213 = tpu.memref_slice %arg3[%dma_wait3A_1211, %dma_wait3A_1212] : memref<100000x128xf32, #tpu.memory_space<hbm>> -> memref<100000x128xf32, #tpu.memory_space<hbm>>
      %dma_wait3A_1214 = tpu.memref_slice %arg7[%dma_wait3A_1203] : memref<4x!tpu.dma_semaphore, #tpu.memory_space<semaphore_mem>> -> memref<1x!tpu.dma_semaphore, #tpu.memory_space<semaphore_mem>>
      %dma_wait3A_1215 = tpu.memref_squeeze %dma_wait3A_1214 : memref<1x!tpu.dma_semaphore, #tpu.memory_space<semaphore_mem>> -> memref<!tpu.dma_semaphore, #tpu.memory_space<semaphore_mem>>
      tpu.wait_indirect_dma semaphore(%dma_wait3A_1215 : memref<!tpu.dma_semaphore, #tpu.memory_space<semaphore_mem>>) src(%dma_wait3A_1213 : memref<100000x128xf32, #tpu.memory_space<hbm>>) dst(%dma_wait3A_1207 : memref<50x128xf32, #tpu.memory_space<vmem>>)
      %dma_wait3A_1216 = arith.constant 0 : i32
      %dma_wait3A_1217 = arith.constant 2 : i32
      %dma_wait3A_1218 = arith.constant 3 : i32
      %dma_wait3A_1219 = arith.constant 2 : i32
      %dma_wait3A_1220 = arith.constant 3 : i32
      %dma_wait3A_1221 = arith.constant 0 : i32
      %dma_wait3A_1222 = arith.constant 0 : i32
      %dma_wait3A_1223 = tpu.memref_slice %arg6[%dma_wait3A_1218, %dma_wait3A_1219, %dma_wait3A_1221, %dma_wait3A_1222] : memref<4x4x50x128xf32, #tpu.memory_space<vmem>> -> memref<1x1x50x128xf32, #tpu.memory_space<vmem>>
      %dma_wait3A_1224 = tpu.memref_squeeze %dma_wait3A_1223 : memref<1x1x50x128xf32, #tpu.memory_space<vmem>> -> memref<50x128xf32, #tpu.memory_space<vmem>>
      %dma_wait3A_1225 = arith.constant 0 : i32
      %dma_wait3A_1226 = tpu.memref_slice %arg5[%dma_wait3A_1216, %dma_wait3A_1217, %dma_wait3A_1225] : memref<32x4x50xi32, #tpu.memory_space<vmem>> -> memref<1x1x50xi32, #tpu.memory_space<vmem>>
      %dma_wait3A_1227 = tpu.memref_squeeze %dma_wait3A_1226 : memref<1x1x50xi32, #tpu.memory_space<vmem>> -> memref<50xi32, #tpu.memory_space<vmem>>
      %dma_wait3A_1228 = arith.constant 0 : i32
      %dma_wait3A_1229 = arith.constant 0 : i32
      %dma_wait3A_1230 = tpu.memref_slice %arg3[%dma_wait3A_1228, %dma_wait3A_1229] : memref<100000x128xf32, #tpu.memory_space<hbm>> -> memref<100000x128xf32, #tpu.memory_space<hbm>>
      %dma_wait3A_1231 = tpu.memref_slice %arg7[%dma_wait3A_1220] : memref<4x!tpu.dma_semaphore, #tpu.memory_space<semaphore_mem>> -> memref<1x!tpu.dma_semaphore, #tpu.memory_space<semaphore_mem>>
      %dma_wait3A_1232 = tpu.memref_squeeze %dma_wait3A_1231 : memref<1x!tpu.dma_semaphore, #tpu.memory_space<semaphore_mem>> -> memref<!tpu.dma_semaphore, #tpu.memory_space<semaphore_mem>>
      tpu.wait_indirect_dma semaphore(%dma_wait3A_1232 : memref<!tpu.dma_semaphore, #tpu.memory_space<semaphore_mem>>) src(%dma_wait3A_1230 : memref<100000x128xf32, #tpu.memory_space<hbm>>) dst(%dma_wait3A_1224 : memref<50x128xf32, #tpu.memory_space<vmem>>)
      %dma_wait3A_1233 = arith.constant 0 : i32
      %dma_wait3A_1234 = arith.constant 3 : i32
      %dma_wait3A_1235 = arith.constant 3 : i32
      %dma_wait3A_1236 = arith.constant 3 : i32
      %dma_wait3A_1237 = arith.constant 3 : i32
      %dma_wait3A_1238 = arith.constant 0 : i32
      %dma_wait3A_1239 = arith.constant 0 : i32
      %dma_wait3A_1240 = tpu.memref_slice %arg6[%dma_wait3A_1235, %dma_wait3A_1236, %dma_wait3A_1238, %dma_wait3A_1239] : memref<4x4x50x128xf32, #tpu.memory_space<vmem>> -> memref<1x1x50x128xf32, #tpu.memory_space<vmem>>
      %dma_wait3A_1241 = tpu.memref_squeeze %dma_wait3A_1240 : memref<1x1x50x128xf32, #tpu.memory_space<vmem>> -> memref<50x128xf32, #tpu.memory_space<vmem>>
      %dma_wait3A_1242 = arith.constant 0 : i32
      %dma_wait3A_1243 = tpu.memref_slice %arg5[%dma_wait3A_1233, %dma_wait3A_1234, %dma_wait3A_1242] : memref<32x4x50xi32, #tpu.memory_space<vmem>> -> memref<1x1x50xi32, #tpu.memory_space<vmem>>
      %dma_wait3A_1244 = tpu.memref_squeeze %dma_wait3A_1243 : memref<1x1x50xi32, #tpu.memory_space<vmem>> -> memref<50xi32, #tpu.memory_space<vmem>>
      %dma_wait3A_1245 = arith.constant 0 : i32
      %dma_wait3A_1246 = arith.constant 0 : i32
      %dma_wait3A_1247 = tpu.memref_slice %arg3[%dma_wait3A_1245, %dma_wait3A_1246] : memref<100000x128xf32, #tpu.memory_space<hbm>> -> memref<100000x128xf32, #tpu.memory_space<hbm>>
      %dma_wait3A_1248 = tpu.memref_slice %arg7[%dma_wait3A_1237] : memref<4x!tpu.dma_semaphore, #tpu.memory_space<semaphore_mem>> -> memref<1x!tpu.dma_semaphore, #tpu.memory_space<semaphore_mem>>
      %dma_wait3A_1249 = tpu.memref_squeeze %dma_wait3A_1248 : memref<1x!tpu.dma_semaphore, #tpu.memory_space<semaphore_mem>> -> memref<!tpu.dma_semaphore, #tpu.memory_space<semaphore_mem>>
      tpu.wait_indirect_dma semaphore(%dma_wait3A_1249 : memref<!tpu.dma_semaphore, #tpu.memory_space<semaphore_mem>>) src(%dma_wait3A_1247 : memref<100000x128xf32, #tpu.memory_space<hbm>>) dst(%dma_wait3A_1241 : memref<50x128xf32, #tpu.memory_space<vmem>>)
      %mul3A_1250 = arith.constant 4 : i32
      %mul3A_1251 = arith.muli %add3A_1093, %mul3A_1250 : i32
      %add3A_1252 = arith.addi %mul3A_2, %mul3A_1251 : i32
      %dma_start3A_1253 = arith.constant 3 : i32
      %dma_start3A_1254 = arith.constant 3 : i32
      %dma_start3A_1255 = arith.constant 0 : i32
      %dma_start3A_1256 = arith.constant 0 : i32
      %dma_start3A_1257 = arith.constant 0 : i32
      %dma_start3A_1258 = tpu.memref_slice %arg6[%dma_start3A_1253, %dma_start3A_1255, %dma_start3A_1256, %dma_start3A_1257] : memref<4x4x50x128xf32, #tpu.memory_space<vmem>> -> memref<1x4x50x128xf32, #tpu.memory_space<vmem>>
      %dma_start3A_1259 = tpu.memref_squeeze %dma_start3A_1258 : memref<1x4x50x128xf32, #tpu.memory_space<vmem>> -> memref<4x50x128xf32, #tpu.memory_space<vmem>>
      %dma_start3A_1260 = arith.constant 0 : i32
      %dma_start3A_1261 = arith.constant 0 : i32
      %dma_start3A_1262 = tpu.memref_slice %arg4[%add3A_1252, %dma_start3A_1260, %dma_start3A_1261] : memref<4096x50x128xf32, #tpu.memory_space<hbm>> -> memref<4x50x128xf32, #tpu.memory_space<hbm>>
      %dma_start3A_1263 = tpu.memref_slice %arg8[%dma_start3A_1254] : memref<4x!tpu.dma_semaphore, #tpu.memory_space<semaphore_mem>> -> memref<1x!tpu.dma_semaphore, #tpu.memory_space<semaphore_mem>>
      %dma_start3A_1264 = tpu.memref_squeeze %dma_start3A_1263 : memref<1x!tpu.dma_semaphore, #tpu.memory_space<semaphore_mem>> -> memref<!tpu.dma_semaphore, #tpu.memory_space<semaphore_mem>>
      %dma_start3A_1265 = arith.constant 0 : i32
      %dma_start3A_1266 = arith.constant 0 : i32
      %dma_start3A_1267 = tpu.memref_slice %arg4[%add3A_1252, %dma_start3A_1265, %dma_start3A_1266] : memref<4096x50x128xf32, #tpu.memory_space<hbm>> -> memref<4x50x128xf32, #tpu.memory_space<hbm>>
      %dma_start3A_1268 = arith.constant 0 : i32
      %dma_start3A_1269 = arith.constant 0 : i32
      %dma_start3A_1270 = arith.constant 0 : i32
      %dma_start3A_1271 = tpu.memref_slice %arg6[%dma_start3A_1253, %dma_start3A_1268, %dma_start3A_1269, %dma_start3A_1270] : memref<4x4x50x128xf32, #tpu.memory_space<vmem>> -> memref<1x4x50x128xf32, #tpu.memory_space<vmem>>
      %dma_start3A_1272 = tpu.memref_squeeze %dma_start3A_1271 : memref<1x4x50x128xf32, #tpu.memory_space<vmem>> -> memref<4x50x128xf32, #tpu.memory_space<vmem>>
      tpu.enqueue_dma source(%dma_start3A_1272 : memref<4x50x128xf32, #tpu.memory_space<vmem>>) target(%dma_start3A_1267 : memref<4x50x128xf32, #tpu.memory_space<hbm>>) target_semaphore(%dma_start3A_1264 : memref<!tpu.dma_semaphore, #tpu.memory_space<semaphore_mem>>)
      %mul3A_1273 = arith.constant 4 : i32
      %mul3A_1274 = arith.muli %mul3A_1273, %scan3A_718 : i32
      %add3A_1275 = arith.constant 1 : i32
      %add3A_1276 = arith.addi %mul3A_1274, %add3A_1275 : i32
      %add3A_1277 = arith.constant 3 : i32
      %add3A_1278 = arith.addi %add3A_1276, %add3A_1277 : i32
      %dma_wait3A_1279 = arith.constant 3 : i32
      %dma_wait3A_1280 = arith.constant 3 : i32
      %dma_wait3A_1281 = arith.constant 0 : i32
      %dma_wait3A_1282 = arith.constant 0 : i32
      %dma_wait3A_1283 = arith.constant 0 : i32
      %dma_wait3A_1284 = tpu.memref_slice %arg6[%dma_wait3A_1279, %dma_wait3A_1281, %dma_wait3A_1282, %dma_wait3A_1283] : memref<4x4x50x128xf32, #tpu.memory_space<vmem>> -> memref<1x4x50x128xf32, #tpu.memory_space<vmem>>
      %dma_wait3A_1285 = tpu.memref_squeeze %dma_wait3A_1284 : memref<1x4x50x128xf32, #tpu.memory_space<vmem>> -> memref<4x50x128xf32, #tpu.memory_space<vmem>>
      %dma_wait3A_1286 = arith.constant 0 : i32
      %dma_wait3A_1287 = arith.constant 0 : i32
      %dma_wait3A_1288 = tpu.memref_slice %arg4[%mul3A_2, %dma_wait3A_1286, %dma_wait3A_1287] : memref<4096x50x128xf32, #tpu.memory_space<hbm>> -> memref<4x50x128xf32, #tpu.memory_space<hbm>>
      %dma_wait3A_1289 = tpu.memref_slice %arg8[%dma_wait3A_1280] : memref<4x!tpu.dma_semaphore, #tpu.memory_space<semaphore_mem>> -> memref<1x!tpu.dma_semaphore, #tpu.memory_space<semaphore_mem>>
      %dma_wait3A_1290 = tpu.memref_squeeze %dma_wait3A_1289 : memref<1x!tpu.dma_semaphore, #tpu.memory_space<semaphore_mem>> -> memref<!tpu.dma_semaphore, #tpu.memory_space<semaphore_mem>>
      %dma_wait3A_1291 = arith.constant 0 : i32
      %dma_wait3A_1292 = arith.constant 0 : i32
      %dma_wait3A_1293 = tpu.memref_slice %arg4[%mul3A_2, %dma_wait3A_1291, %dma_wait3A_1292] : memref<4096x50x128xf32, #tpu.memory_space<hbm>> -> memref<4x50x128xf32, #tpu.memory_space<hbm>>
      %dma_wait3A_1294 = arith.constant 0 : i32
      %dma_wait3A_1295 = arith.constant 0 : i32
      %dma_wait3A_1296 = arith.constant 0 : i32
      %dma_wait3A_1297 = tpu.memref_slice %arg6[%dma_wait3A_1279, %dma_wait3A_1294, %dma_wait3A_1295, %dma_wait3A_1296] : memref<4x4x50x128xf32, #tpu.memory_space<vmem>> -> memref<1x4x50x128xf32, #tpu.memory_space<vmem>>
      %dma_wait3A_1298 = tpu.memref_squeeze %dma_wait3A_1297 : memref<1x4x50x128xf32, #tpu.memory_space<vmem>> -> memref<4x50x128xf32, #tpu.memory_space<vmem>>
      tpu.wait_dma2 semaphore(%dma_wait3A_1290 : memref<!tpu.dma_semaphore, #tpu.memory_space<semaphore_mem>>) src(%dma_wait3A_1298 : memref<4x50x128xf32, #tpu.memory_space<vmem>>) dst(%dma_wait3A_1293 : memref<4x50x128xf32, #tpu.memory_space<hbm>>)
      %add3A_1299 = arith.constant 4 : i32
      %add3A_1300 = arith.addi %add3A_1278, %add3A_1299 : i32
      %sub3A_1301 = arith.constant 1 : i32
      %sub3A_1302 = arith.subi %add3A_1300, %sub3A_1301 : i32
      %dma_start3A_1303 = arith.constant 0 : i32
      %dma_start3A_1304 = arith.constant 3 : i32
      %dma_start3A_1305 = arith.constant 0 : i32
      %dma_start3A_1306 = arith.constant 3 : i32
      %dma_start3A_1307 = arith.constant 0 : i32
      %dma_start3A_1308 = arith.constant 0 : i32
      %dma_start3A_1309 = tpu.memref_slice %arg6[%dma_start3A_1304, %dma_start3A_1305, %dma_start3A_1307, %dma_start3A_1308] : memref<4x4x50x128xf32, #tpu.memory_space<vmem>> -> memref<1x1x50x128xf32, #tpu.memory_space<vmem>>
      %dma_start3A_1310 = tpu.memref_squeeze %dma_start3A_1309 : memref<1x1x50x128xf32, #tpu.memory_space<vmem>> -> memref<50x128xf32, #tpu.memory_space<vmem>>
      %dma_start3A_1311 = arith.constant 0 : i32
      %dma_start3A_1312 = tpu.memref_slice %arg5[%sub3A_1302, %dma_start3A_1303, %dma_start3A_1311] : memref<32x4x50xi32, #tpu.memory_space<vmem>> -> memref<1x1x50xi32, #tpu.memory_space<vmem>>
      %dma_start3A_1313 = tpu.memref_squeeze %dma_start3A_1312 : memref<1x1x50xi32, #tpu.memory_space<vmem>> -> memref<50xi32, #tpu.memory_space<vmem>>
      %dma_start3A_1314 = arith.constant 0 : i32
      %dma_start3A_1315 = arith.constant 0 : i32
      %dma_start3A_1316 = tpu.memref_slice %arg3[%dma_start3A_1314, %dma_start3A_1315] : memref<100000x128xf32, #tpu.memory_space<hbm>> -> memref<100000x128xf32, #tpu.memory_space<hbm>>
      %dma_start3A_1317 = tpu.memref_slice %arg7[%dma_start3A_1306] : memref<4x!tpu.dma_semaphore, #tpu.memory_space<semaphore_mem>> -> memref<1x!tpu.dma_semaphore, #tpu.memory_space<semaphore_mem>>
      %dma_start3A_1318 = tpu.memref_squeeze %dma_start3A_1317 : memref<1x!tpu.dma_semaphore, #tpu.memory_space<semaphore_mem>> -> memref<!tpu.dma_semaphore, #tpu.memory_space<semaphore_mem>>
      tpu.enqueue_indirect_dma source(%dma_start3A_1316 : memref<100000x128xf32, #tpu.memory_space<hbm>>) target(%dma_start3A_1310 : memref<50x128xf32, #tpu.memory_space<vmem>>) offsets(%dma_start3A_1313 : memref<50xi32, #tpu.memory_space<vmem>>) semaphore(%dma_start3A_1318 : memref<!tpu.dma_semaphore, #tpu.memory_space<semaphore_mem>>)
      %dma_start3A_1319 = arith.constant 1 : i32
      %dma_start3A_1320 = arith.constant 3 : i32
      %dma_start3A_1321 = arith.constant 1 : i32
      %dma_start3A_1322 = arith.constant 3 : i32
      %dma_start3A_1323 = arith.constant 0 : i32
      %dma_start3A_1324 = arith.constant 0 : i32
      %dma_start3A_1325 = tpu.memref_slice %arg6[%dma_start3A_1320, %dma_start3A_1321, %dma_start3A_1323, %dma_start3A_1324] : memref<4x4x50x128xf32, #tpu.memory_space<vmem>> -> memref<1x1x50x128xf32, #tpu.memory_space<vmem>>
      %dma_start3A_1326 = tpu.memref_squeeze %dma_start3A_1325 : memref<1x1x50x128xf32, #tpu.memory_space<vmem>> -> memref<50x128xf32, #tpu.memory_space<vmem>>
      %dma_start3A_1327 = arith.constant 0 : i32
      %dma_start3A_1328 = tpu.memref_slice %arg5[%sub3A_1302, %dma_start3A_1319, %dma_start3A_1327] : memref<32x4x50xi32, #tpu.memory_space<vmem>> -> memref<1x1x50xi32, #tpu.memory_space<vmem>>
      %dma_start3A_1329 = tpu.memref_squeeze %dma_start3A_1328 : memref<1x1x50xi32, #tpu.memory_space<vmem>> -> memref<50xi32, #tpu.memory_space<vmem>>
      %dma_start3A_1330 = arith.constant 0 : i32
      %dma_start3A_1331 = arith.constant 0 : i32
      %dma_start3A_1332 = tpu.memref_slice %arg3[%dma_start3A_1330, %dma_start3A_1331] : memref<100000x128xf32, #tpu.memory_space<hbm>> -> memref<100000x128xf32, #tpu.memory_space<hbm>>
      %dma_start3A_1333 = tpu.memref_slice %arg7[%dma_start3A_1322] : memref<4x!tpu.dma_semaphore, #tpu.memory_space<semaphore_mem>> -> memref<1x!tpu.dma_semaphore, #tpu.memory_space<semaphore_mem>>
      %dma_start3A_1334 = tpu.memref_squeeze %dma_start3A_1333 : memref<1x!tpu.dma_semaphore, #tpu.memory_space<semaphore_mem>> -> memref<!tpu.dma_semaphore, #tpu.memory_space<semaphore_mem>>
      tpu.enqueue_indirect_dma source(%dma_start3A_1332 : memref<100000x128xf32, #tpu.memory_space<hbm>>) target(%dma_start3A_1326 : memref<50x128xf32, #tpu.memory_space<vmem>>) offsets(%dma_start3A_1329 : memref<50xi32, #tpu.memory_space<vmem>>) semaphore(%dma_start3A_1334 : memref<!tpu.dma_semaphore, #tpu.memory_space<semaphore_mem>>)
      %dma_start3A_1335 = arith.constant 2 : i32
      %dma_start3A_1336 = arith.constant 3 : i32
      %dma_start3A_1337 = arith.constant 2 : i32
      %dma_start3A_1338 = arith.constant 3 : i32
      %dma_start3A_1339 = arith.constant 0 : i32
      %dma_start3A_1340 = arith.constant 0 : i32
      %dma_start3A_1341 = tpu.memref_slice %arg6[%dma_start3A_1336, %dma_start3A_1337, %dma_start3A_1339, %dma_start3A_1340] : memref<4x4x50x128xf32, #tpu.memory_space<vmem>> -> memref<1x1x50x128xf32, #tpu.memory_space<vmem>>
      %dma_start3A_1342 = tpu.memref_squeeze %dma_start3A_1341 : memref<1x1x50x128xf32, #tpu.memory_space<vmem>> -> memref<50x128xf32, #tpu.memory_space<vmem>>
      %dma_start3A_1343 = arith.constant 0 : i32
      %dma_start3A_1344 = tpu.memref_slice %arg5[%sub3A_1302, %dma_start3A_1335, %dma_start3A_1343] : memref<32x4x50xi32, #tpu.memory_space<vmem>> -> memref<1x1x50xi32, #tpu.memory_space<vmem>>
      %dma_start3A_1345 = tpu.memref_squeeze %dma_start3A_1344 : memref<1x1x50xi32, #tpu.memory_space<vmem>> -> memref<50xi32, #tpu.memory_space<vmem>>
      %dma_start3A_1346 = arith.constant 0 : i32
      %dma_start3A_1347 = arith.constant 0 : i32
      %dma_start3A_1348 = tpu.memref_slice %arg3[%dma_start3A_1346, %dma_start3A_1347] : memref<100000x128xf32, #tpu.memory_space<hbm>> -> memref<100000x128xf32, #tpu.memory_space<hbm>>
      %dma_start3A_1349 = tpu.memref_slice %arg7[%dma_start3A_1338] : memref<4x!tpu.dma_semaphore, #tpu.memory_space<semaphore_mem>> -> memref<1x!tpu.dma_semaphore, #tpu.memory_space<semaphore_mem>>
      %dma_start3A_1350 = tpu.memref_squeeze %dma_start3A_1349 : memref<1x!tpu.dma_semaphore, #tpu.memory_space<semaphore_mem>> -> memref<!tpu.dma_semaphore, #tpu.memory_space<semaphore_mem>>
      tpu.enqueue_indirect_dma source(%dma_start3A_1348 : memref<100000x128xf32, #tpu.memory_space<hbm>>) target(%dma_start3A_1342 : memref<50x128xf32, #tpu.memory_space<vmem>>) offsets(%dma_start3A_1345 : memref<50xi32, #tpu.memory_space<vmem>>) semaphore(%dma_start3A_1350 : memref<!tpu.dma_semaphore, #tpu.memory_space<semaphore_mem>>)
      %dma_start3A_1351 = arith.constant 3 : i32
      %dma_start3A_1352 = arith.constant 3 : i32
      %dma_start3A_1353 = arith.constant 3 : i32
      %dma_start3A_1354 = arith.constant 3 : i32
      %dma_start3A_1355 = arith.constant 0 : i32
      %dma_start3A_1356 = arith.constant 0 : i32
      %dma_start3A_1357 = tpu.memref_slice %arg6[%dma_start3A_1352, %dma_start3A_1353, %dma_start3A_1355, %dma_start3A_1356] : memref<4x4x50x128xf32, #tpu.memory_space<vmem>> -> memref<1x1x50x128xf32, #tpu.memory_space<vmem>>
      %dma_start3A_1358 = tpu.memref_squeeze %dma_start3A_1357 : memref<1x1x50x128xf32, #tpu.memory_space<vmem>> -> memref<50x128xf32, #tpu.memory_space<vmem>>
      %dma_start3A_1359 = arith.constant 0 : i32
      %dma_start3A_1360 = tpu.memref_slice %arg5[%sub3A_1302, %dma_start3A_1351, %dma_start3A_1359] : memref<32x4x50xi32, #tpu.memory_space<vmem>> -> memref<1x1x50xi32, #tpu.memory_space<vmem>>
      %dma_start3A_1361 = tpu.memref_squeeze %dma_start3A_1360 : memref<1x1x50xi32, #tpu.memory_space<vmem>> -> memref<50xi32, #tpu.memory_space<vmem>>
      %dma_start3A_1362 = arith.constant 0 : i32
      %dma_start3A_1363 = arith.constant 0 : i32
      %dma_start3A_1364 = tpu.memref_slice %arg3[%dma_start3A_1362, %dma_start3A_1363] : memref<100000x128xf32, #tpu.memory_space<hbm>> -> memref<100000x128xf32, #tpu.memory_space<hbm>>
      %dma_start3A_1365 = tpu.memref_slice %arg7[%dma_start3A_1354] : memref<4x!tpu.dma_semaphore, #tpu.memory_space<semaphore_mem>> -> memref<1x!tpu.dma_semaphore, #tpu.memory_space<semaphore_mem>>
      %dma_start3A_1366 = tpu.memref_squeeze %dma_start3A_1365 : memref<1x!tpu.dma_semaphore, #tpu.memory_space<semaphore_mem>> -> memref<!tpu.dma_semaphore, #tpu.memory_space<semaphore_mem>>
      tpu.enqueue_indirect_dma source(%dma_start3A_1364 : memref<100000x128xf32, #tpu.memory_space<hbm>>) target(%dma_start3A_1358 : memref<50x128xf32, #tpu.memory_space<vmem>>) offsets(%dma_start3A_1361 : memref<50xi32, #tpu.memory_space<vmem>>) semaphore(%dma_start3A_1366 : memref<!tpu.dma_semaphore, #tpu.memory_space<semaphore_mem>>)
      %dma_wait3A_1367 = arith.constant 0 : i32
      %dma_wait3A_1368 = arith.constant 0 : i32
      %dma_wait3A_1369 = arith.constant 0 : i32
      %dma_wait3A_1370 = arith.constant 0 : i32
      %dma_wait3A_1371 = arith.constant 0 : i32
      %dma_wait3A_1372 = arith.constant 0 : i32
      %dma_wait3A_1373 = arith.constant 0 : i32
      %dma_wait3A_1374 = tpu.memref_slice %arg6[%dma_wait3A_1369, %dma_wait3A_1370, %dma_wait3A_1372, %dma_wait3A_1373] : memref<4x4x50x128xf32, #tpu.memory_space<vmem>> -> memref<1x1x50x128xf32, #tpu.memory_space<vmem>>
      %dma_wait3A_1375 = tpu.memref_squeeze %dma_wait3A_1374 : memref<1x1x50x128xf32, #tpu.memory_space<vmem>> -> memref<50x128xf32, #tpu.memory_space<vmem>>
      %dma_wait3A_1376 = arith.constant 0 : i32
      %dma_wait3A_1377 = tpu.memref_slice %arg5[%dma_wait3A_1367, %dma_wait3A_1368, %dma_wait3A_1376] : memref<32x4x50xi32, #tpu.memory_space<vmem>> -> memref<1x1x50xi32, #tpu.memory_space<vmem>>
      %dma_wait3A_1378 = tpu.memref_squeeze %dma_wait3A_1377 : memref<1x1x50xi32, #tpu.memory_space<vmem>> -> memref<50xi32, #tpu.memory_space<vmem>>
      %dma_wait3A_1379 = arith.constant 0 : i32
      %dma_wait3A_1380 = arith.constant 0 : i32
      %dma_wait3A_1381 = tpu.memref_slice %arg3[%dma_wait3A_1379, %dma_wait3A_1380] : memref<100000x128xf32, #tpu.memory_space<hbm>> -> memref<100000x128xf32, #tpu.memory_space<hbm>>
      %dma_wait3A_1382 = tpu.memref_slice %arg7[%dma_wait3A_1371] : memref<4x!tpu.dma_semaphore, #tpu.memory_space<semaphore_mem>> -> memref<1x!tpu.dma_semaphore, #tpu.memory_space<semaphore_mem>>
      %dma_wait3A_1383 = tpu.memref_squeeze %dma_wait3A_1382 : memref<1x!tpu.dma_semaphore, #tpu.memory_space<semaphore_mem>> -> memref<!tpu.dma_semaphore, #tpu.memory_space<semaphore_mem>>
      tpu.wait_indirect_dma semaphore(%dma_wait3A_1383 : memref<!tpu.dma_semaphore, #tpu.memory_space<semaphore_mem>>) src(%dma_wait3A_1381 : memref<100000x128xf32, #tpu.memory_space<hbm>>) dst(%dma_wait3A_1375 : memref<50x128xf32, #tpu.memory_space<vmem>>)
      %dma_wait3A_1384 = arith.constant 0 : i32
      %dma_wait3A_1385 = arith.constant 1 : i32
      %dma_wait3A_1386 = arith.constant 0 : i32
      %dma_wait3A_1387 = arith.constant 1 : i32
      %dma_wait3A_1388 = arith.constant 0 : i32
      %dma_wait3A_1389 = arith.constant 0 : i32
      %dma_wait3A_1390 = arith.constant 0 : i32
      %dma_wait3A_1391 = tpu.memref_slice %arg6[%dma_wait3A_1386, %dma_wait3A_1387, %dma_wait3A_1389, %dma_wait3A_1390] : memref<4x4x50x128xf32, #tpu.memory_space<vmem>> -> memref<1x1x50x128xf32, #tpu.memory_space<vmem>>
      %dma_wait3A_1392 = tpu.memref_squeeze %dma_wait3A_1391 : memref<1x1x50x128xf32, #tpu.memory_space<vmem>> -> memref<50x128xf32, #tpu.memory_space<vmem>>
      %dma_wait3A_1393 = arith.constant 0 : i32
      %dma_wait3A_1394 = tpu.memref_slice %arg5[%dma_wait3A_1384, %dma_wait3A_1385, %dma_wait3A_1393] : memref<32x4x50xi32, #tpu.memory_space<vmem>> -> memref<1x1x50xi32, #tpu.memory_space<vmem>>
      %dma_wait3A_1395 = tpu.memref_squeeze %dma_wait3A_1394 : memref<1x1x50xi32, #tpu.memory_space<vmem>> -> memref<50xi32, #tpu.memory_space<vmem>>
      %dma_wait3A_1396 = arith.constant 0 : i32
      %dma_wait3A_1397 = arith.constant 0 : i32
      %dma_wait3A_1398 = tpu.memref_slice %arg3[%dma_wait3A_1396, %dma_wait3A_1397] : memref<100000x128xf32, #tpu.memory_space<hbm>> -> memref<100000x128xf32, #tpu.memory_space<hbm>>
      %dma_wait3A_1399 = tpu.memref_slice %arg7[%dma_wait3A_1388] : memref<4x!tpu.dma_semaphore, #tpu.memory_space<semaphore_mem>> -> memref<1x!tpu.dma_semaphore, #tpu.memory_space<semaphore_mem>>
      %dma_wait3A_1400 = tpu.memref_squeeze %dma_wait3A_1399 : memref<1x!tpu.dma_semaphore, #tpu.memory_space<semaphore_mem>> -> memref<!tpu.dma_semaphore, #tpu.memory_space<semaphore_mem>>
      tpu.wait_indirect_dma semaphore(%dma_wait3A_1400 : memref<!tpu.dma_semaphore, #tpu.memory_space<semaphore_mem>>) src(%dma_wait3A_1398 : memref<100000x128xf32, #tpu.memory_space<hbm>>) dst(%dma_wait3A_1392 : memref<50x128xf32, #tpu.memory_space<vmem>>)
      %dma_wait3A_1401 = arith.constant 0 : i32
      %dma_wait3A_1402 = arith.constant 2 : i32
      %dma_wait3A_1403 = arith.constant 0 : i32
      %dma_wait3A_1404 = arith.constant 2 : i32
      %dma_wait3A_1405 = arith.constant 0 : i32
      %dma_wait3A_1406 = arith.constant 0 : i32
      %dma_wait3A_1407 = arith.constant 0 : i32
      %dma_wait3A_1408 = tpu.memref_slice %arg6[%dma_wait3A_1403, %dma_wait3A_1404, %dma_wait3A_1406, %dma_wait3A_1407] : memref<4x4x50x128xf32, #tpu.memory_space<vmem>> -> memref<1x1x50x128xf32, #tpu.memory_space<vmem>>
      %dma_wait3A_1409 = tpu.memref_squeeze %dma_wait3A_1408 : memref<1x1x50x128xf32, #tpu.memory_space<vmem>> -> memref<50x128xf32, #tpu.memory_space<vmem>>
      %dma_wait3A_1410 = arith.constant 0 : i32
      %dma_wait3A_1411 = tpu.memref_slice %arg5[%dma_wait3A_1401, %dma_wait3A_1402, %dma_wait3A_1410] : memref<32x4x50xi32, #tpu.memory_space<vmem>> -> memref<1x1x50xi32, #tpu.memory_space<vmem>>
      %dma_wait3A_1412 = tpu.memref_squeeze %dma_wait3A_1411 : memref<1x1x50xi32, #tpu.memory_space<vmem>> -> memref<50xi32, #tpu.memory_space<vmem>>
      %dma_wait3A_1413 = arith.constant 0 : i32
      %dma_wait3A_1414 = arith.constant 0 : i32
      %dma_wait3A_1415 = tpu.memref_slice %arg3[%dma_wait3A_1413, %dma_wait3A_1414] : memref<100000x128xf32, #tpu.memory_space<hbm>> -> memref<100000x128xf32, #tpu.memory_space<hbm>>
      %dma_wait3A_1416 = tpu.memref_slice %arg7[%dma_wait3A_1405] : memref<4x!tpu.dma_semaphore, #tpu.memory_space<semaphore_mem>> -> memref<1x!tpu.dma_semaphore, #tpu.memory_space<semaphore_mem>>
      %dma_wait3A_1417 = tpu.memref_squeeze %dma_wait3A_1416 : memref<1x!tpu.dma_semaphore, #tpu.memory_space<semaphore_mem>> -> memref<!tpu.dma_semaphore, #tpu.memory_space<semaphore_mem>>
      tpu.wait_indirect_dma semaphore(%dma_wait3A_1417 : memref<!tpu.dma_semaphore, #tpu.memory_space<semaphore_mem>>) src(%dma_wait3A_1415 : memref<100000x128xf32, #tpu.memory_space<hbm>>) dst(%dma_wait3A_1409 : memref<50x128xf32, #tpu.memory_space<vmem>>)
      %dma_wait3A_1418 = arith.constant 0 : i32
      %dma_wait3A_1419 = arith.constant 3 : i32
      %dma_wait3A_1420 = arith.constant 0 : i32
      %dma_wait3A_1421 = arith.constant 3 : i32
      %dma_wait3A_1422 = arith.constant 0 : i32
      %dma_wait3A_1423 = arith.constant 0 : i32
      %dma_wait3A_1424 = arith.constant 0 : i32
      %dma_wait3A_1425 = tpu.memref_slice %arg6[%dma_wait3A_1420, %dma_wait3A_1421, %dma_wait3A_1423, %dma_wait3A_1424] : memref<4x4x50x128xf32, #tpu.memory_space<vmem>> -> memref<1x1x50x128xf32, #tpu.memory_space<vmem>>
      %dma_wait3A_1426 = tpu.memref_squeeze %dma_wait3A_1425 : memref<1x1x50x128xf32, #tpu.memory_space<vmem>> -> memref<50x128xf32, #tpu.memory_space<vmem>>
      %dma_wait3A_1427 = arith.constant 0 : i32
      %dma_wait3A_1428 = tpu.memref_slice %arg5[%dma_wait3A_1418, %dma_wait3A_1419, %dma_wait3A_1427] : memref<32x4x50xi32, #tpu.memory_space<vmem>> -> memref<1x1x50xi32, #tpu.memory_space<vmem>>
      %dma_wait3A_1429 = tpu.memref_squeeze %dma_wait3A_1428 : memref<1x1x50xi32, #tpu.memory_space<vmem>> -> memref<50xi32, #tpu.memory_space<vmem>>
      %dma_wait3A_1430 = arith.constant 0 : i32
      %dma_wait3A_1431 = arith.constant 0 : i32
      %dma_wait3A_1432 = tpu.memref_slice %arg3[%dma_wait3A_1430, %dma_wait3A_1431] : memref<100000x128xf32, #tpu.memory_space<hbm>> -> memref<100000x128xf32, #tpu.memory_space<hbm>>
      %dma_wait3A_1433 = tpu.memref_slice %arg7[%dma_wait3A_1422] : memref<4x!tpu.dma_semaphore, #tpu.memory_space<semaphore_mem>> -> memref<1x!tpu.dma_semaphore, #tpu.memory_space<semaphore_mem>>
      %dma_wait3A_1434 = tpu.memref_squeeze %dma_wait3A_1433 : memref<1x!tpu.dma_semaphore, #tpu.memory_space<semaphore_mem>> -> memref<!tpu.dma_semaphore, #tpu.memory_space<semaphore_mem>>
      tpu.wait_indirect_dma semaphore(%dma_wait3A_1434 : memref<!tpu.dma_semaphore, #tpu.memory_space<semaphore_mem>>) src(%dma_wait3A_1432 : memref<100000x128xf32, #tpu.memory_space<hbm>>) dst(%dma_wait3A_1426 : memref<50x128xf32, #tpu.memory_space<vmem>>)
      %mul3A_1435 = arith.constant 4 : i32
      %mul3A_1436 = arith.muli %add3A_1278, %mul3A_1435 : i32
      %add3A_1437 = arith.addi %mul3A_2, %mul3A_1436 : i32
      %dma_start3A_1438 = arith.constant 0 : i32
      %dma_start3A_1439 = arith.constant 0 : i32
      %dma_start3A_1440 = arith.constant 0 : i32
      %dma_start3A_1441 = arith.constant 0 : i32
      %dma_start3A_1442 = arith.constant 0 : i32
      %dma_start3A_1443 = tpu.memref_slice %arg6[%dma_start3A_1438, %dma_start3A_1440, %dma_start3A_1441, %dma_start3A_1442] : memref<4x4x50x128xf32, #tpu.memory_space<vmem>> -> memref<1x4x50x128xf32, #tpu.memory_space<vmem>>
      %dma_start3A_1444 = tpu.memref_squeeze %dma_start3A_1443 : memref<1x4x50x128xf32, #tpu.memory_space<vmem>> -> memref<4x50x128xf32, #tpu.memory_space<vmem>>
      %dma_start3A_1445 = arith.constant 0 : i32
      %dma_start3A_1446 = arith.constant 0 : i32
      %dma_start3A_1447 = tpu.memref_slice %arg4[%add3A_1437, %dma_start3A_1445, %dma_start3A_1446] : memref<4096x50x128xf32, #tpu.memory_space<hbm>> -> memref<4x50x128xf32, #tpu.memory_space<hbm>>
      %dma_start3A_1448 = tpu.memref_slice %arg8[%dma_start3A_1439] : memref<4x!tpu.dma_semaphore, #tpu.memory_space<semaphore_mem>> -> memref<1x!tpu.dma_semaphore, #tpu.memory_space<semaphore_mem>>
      %dma_start3A_1449 = tpu.memref_squeeze %dma_start3A_1448 : memref<1x!tpu.dma_semaphore, #tpu.memory_space<semaphore_mem>> -> memref<!tpu.dma_semaphore, #tpu.memory_space<semaphore_mem>>
      %dma_start3A_1450 = arith.constant 0 : i32
      %dma_start3A_1451 = arith.constant 0 : i32
      %dma_start3A_1452 = tpu.memref_slice %arg4[%add3A_1437, %dma_start3A_1450, %dma_start3A_1451] : memref<4096x50x128xf32, #tpu.memory_space<hbm>> -> memref<4x50x128xf32, #tpu.memory_space<hbm>>
      %dma_start3A_1453 = arith.constant 0 : i32
      %dma_start3A_1454 = arith.constant 0 : i32
      %dma_start3A_1455 = arith.constant 0 : i32
      %dma_start3A_1456 = tpu.memref_slice %arg6[%dma_start3A_1438, %dma_start3A_1453, %dma_start3A_1454, %dma_start3A_1455] : memref<4x4x50x128xf32, #tpu.memory_space<vmem>> -> memref<1x4x50x128xf32, #tpu.memory_space<vmem>>
      %dma_start3A_1457 = tpu.memref_squeeze %dma_start3A_1456 : memref<1x4x50x128xf32, #tpu.memory_space<vmem>> -> memref<4x50x128xf32, #tpu.memory_space<vmem>>
      tpu.enqueue_dma source(%dma_start3A_1457 : memref<4x50x128xf32, #tpu.memory_space<vmem>>) target(%dma_start3A_1452 : memref<4x50x128xf32, #tpu.memory_space<hbm>>) target_semaphore(%dma_start3A_1449 : memref<!tpu.dma_semaphore, #tpu.memory_space<semaphore_mem>>)
    }
    %scan3A_367 = arith.constant 7 : i32
    %dma_wait3A_368 = arith.constant 0 : i32
    %dma_wait3A_369 = arith.constant 0 : i32
    %dma_wait3A_370 = arith.constant 0 : i32
    %dma_wait3A_371 = arith.constant 0 : i32
    %dma_wait3A_372 = arith.constant 0 : i32
    %dma_wait3A_373 = tpu.memref_slice %arg6[%dma_wait3A_368, %dma_wait3A_370, %dma_wait3A_371, %dma_wait3A_372] : memref<4x4x50x128xf32, #tpu.memory_space<vmem>> -> memref<1x4x50x128xf32, #tpu.memory_space<vmem>>
    %dma_wait3A_374 = tpu.memref_squeeze %dma_wait3A_373 : memref<1x4x50x128xf32, #tpu.memory_space<vmem>> -> memref<4x50x128xf32, #tpu.memory_space<vmem>>
    %dma_wait3A_375 = arith.constant 0 : i32
    %dma_wait3A_376 = arith.constant 0 : i32
    %dma_wait3A_377 = tpu.memref_slice %arg4[%mul3A_2, %dma_wait3A_375, %dma_wait3A_376] : memref<4096x50x128xf32, #tpu.memory_space<hbm>> -> memref<4x50x128xf32, #tpu.memory_space<hbm>>
    %dma_wait3A_378 = tpu.memref_slice %arg8[%dma_wait3A_369] : memref<4x!tpu.dma_semaphore, #tpu.memory_space<semaphore_mem>> -> memref<1x!tpu.dma_semaphore, #tpu.memory_space<semaphore_mem>>
    %dma_wait3A_379 = tpu.memref_squeeze %dma_wait3A_378 : memref<1x!tpu.dma_semaphore, #tpu.memory_space<semaphore_mem>> -> memref<!tpu.dma_semaphore, #tpu.memory_space<semaphore_mem>>
    %dma_wait3A_380 = arith.constant 0 : i32
    %dma_wait3A_381 = arith.constant 0 : i32
    %dma_wait3A_382 = tpu.memref_slice %arg4[%mul3A_2, %dma_wait3A_380, %dma_wait3A_381] : memref<4096x50x128xf32, #tpu.memory_space<hbm>> -> memref<4x50x128xf32, #tpu.memory_space<hbm>>
    %dma_wait3A_383 = arith.constant 0 : i32
    %dma_wait3A_384 = arith.constant 0 : i32
    %dma_wait3A_385 = arith.constant 0 : i32
    %dma_wait3A_386 = tpu.memref_slice %arg6[%dma_wait3A_368, %dma_wait3A_383, %dma_wait3A_384, %dma_wait3A_385] : memref<4x4x50x128xf32, #tpu.memory_space<vmem>> -> memref<1x4x50x128xf32, #tpu.memory_space<vmem>>
    %dma_wait3A_387 = tpu.memref_squeeze %dma_wait3A_386 : memref<1x4x50x128xf32, #tpu.memory_space<vmem>> -> memref<4x50x128xf32, #tpu.memory_space<vmem>>
    tpu.wait_dma2 semaphore(%dma_wait3A_379 : memref<!tpu.dma_semaphore, #tpu.memory_space<semaphore_mem>>) src(%dma_wait3A_387 : memref<4x50x128xf32, #tpu.memory_space<vmem>>) dst(%dma_wait3A_382 : memref<4x50x128xf32, #tpu.memory_space<hbm>>)
    %dma_wait3A_388 = arith.constant 0 : i32
    %dma_wait3A_389 = arith.constant 0 : i32
    %dma_wait3A_390 = arith.constant 1 : i32
    %dma_wait3A_391 = arith.constant 0 : i32
    %dma_wait3A_392 = arith.constant 1 : i32
    %dma_wait3A_393 = arith.constant 0 : i32
    %dma_wait3A_394 = arith.constant 0 : i32
    %dma_wait3A_395 = tpu.memref_slice %arg6[%dma_wait3A_390, %dma_wait3A_391, %dma_wait3A_393, %dma_wait3A_394] : memref<4x4x50x128xf32, #tpu.memory_space<vmem>> -> memref<1x1x50x128xf32, #tpu.memory_space<vmem>>
    %dma_wait3A_396 = tpu.memref_squeeze %dma_wait3A_395 : memref<1x1x50x128xf32, #tpu.memory_space<vmem>> -> memref<50x128xf32, #tpu.memory_space<vmem>>
    %dma_wait3A_397 = arith.constant 0 : i32
    %dma_wait3A_398 = tpu.memref_slice %arg5[%dma_wait3A_388, %dma_wait3A_389, %dma_wait3A_397] : memref<32x4x50xi32, #tpu.memory_space<vmem>> -> memref<1x1x50xi32, #tpu.memory_space<vmem>>
    %dma_wait3A_399 = tpu.memref_squeeze %dma_wait3A_398 : memref<1x1x50xi32, #tpu.memory_space<vmem>> -> memref<50xi32, #tpu.memory_space<vmem>>
    %dma_wait3A_400 = arith.constant 0 : i32
    %dma_wait3A_401 = arith.constant 0 : i32
    %dma_wait3A_402 = tpu.memref_slice %arg3[%dma_wait3A_400, %dma_wait3A_401] : memref<100000x128xf32, #tpu.memory_space<hbm>> -> memref<100000x128xf32, #tpu.memory_space<hbm>>
    %dma_wait3A_403 = tpu.memref_slice %arg7[%dma_wait3A_392] : memref<4x!tpu.dma_semaphore, #tpu.memory_space<semaphore_mem>> -> memref<1x!tpu.dma_semaphore, #tpu.memory_space<semaphore_mem>>
    %dma_wait3A_404 = tpu.memref_squeeze %dma_wait3A_403 : memref<1x!tpu.dma_semaphore, #tpu.memory_space<semaphore_mem>> -> memref<!tpu.dma_semaphore, #tpu.memory_space<semaphore_mem>>
    tpu.wait_indirect_dma semaphore(%dma_wait3A_404 : memref<!tpu.dma_semaphore, #tpu.memory_space<semaphore_mem>>) src(%dma_wait3A_402 : memref<100000x128xf32, #tpu.memory_space<hbm>>) dst(%dma_wait3A_396 : memref<50x128xf32, #tpu.memory_space<vmem>>)
    %dma_wait3A_405 = arith.constant 0 : i32
    %dma_wait3A_406 = arith.constant 1 : i32
    %dma_wait3A_407 = arith.constant 1 : i32
    %dma_wait3A_408 = arith.constant 1 : i32
    %dma_wait3A_409 = arith.constant 1 : i32
    %dma_wait3A_410 = arith.constant 0 : i32
    %dma_wait3A_411 = arith.constant 0 : i32
    %dma_wait3A_412 = tpu.memref_slice %arg6[%dma_wait3A_407, %dma_wait3A_408, %dma_wait3A_410, %dma_wait3A_411] : memref<4x4x50x128xf32, #tpu.memory_space<vmem>> -> memref<1x1x50x128xf32, #tpu.memory_space<vmem>>
    %dma_wait3A_413 = tpu.memref_squeeze %dma_wait3A_412 : memref<1x1x50x128xf32, #tpu.memory_space<vmem>> -> memref<50x128xf32, #tpu.memory_space<vmem>>
    %dma_wait3A_414 = arith.constant 0 : i32
    %dma_wait3A_415 = tpu.memref_slice %arg5[%dma_wait3A_405, %dma_wait3A_406, %dma_wait3A_414] : memref<32x4x50xi32, #tpu.memory_space<vmem>> -> memref<1x1x50xi32, #tpu.memory_space<vmem>>
    %dma_wait3A_416 = tpu.memref_squeeze %dma_wait3A_415 : memref<1x1x50xi32, #tpu.memory_space<vmem>> -> memref<50xi32, #tpu.memory_space<vmem>>
    %dma_wait3A_417 = arith.constant 0 : i32
    %dma_wait3A_418 = arith.constant 0 : i32
    %dma_wait3A_419 = tpu.memref_slice %arg3[%dma_wait3A_417, %dma_wait3A_418] : memref<100000x128xf32, #tpu.memory_space<hbm>> -> memref<100000x128xf32, #tpu.memory_space<hbm>>
    %dma_wait3A_420 = tpu.memref_slice %arg7[%dma_wait3A_409] : memref<4x!tpu.dma_semaphore, #tpu.memory_space<semaphore_mem>> -> memref<1x!tpu.dma_semaphore, #tpu.memory_space<semaphore_mem>>
    %dma_wait3A_421 = tpu.memref_squeeze %dma_wait3A_420 : memref<1x!tpu.dma_semaphore, #tpu.memory_space<semaphore_mem>> -> memref<!tpu.dma_semaphore, #tpu.memory_space<semaphore_mem>>
    tpu.wait_indirect_dma semaphore(%dma_wait3A_421 : memref<!tpu.dma_semaphore, #tpu.memory_space<semaphore_mem>>) src(%dma_wait3A_419 : memref<100000x128xf32, #tpu.memory_space<hbm>>) dst(%dma_wait3A_413 : memref<50x128xf32, #tpu.memory_space<vmem>>)
    %dma_wait3A_422 = arith.constant 0 : i32
    %dma_wait3A_423 = arith.constant 2 : i32
    %dma_wait3A_424 = arith.constant 1 : i32
    %dma_wait3A_425 = arith.constant 2 : i32
    %dma_wait3A_426 = arith.constant 1 : i32
    %dma_wait3A_427 = arith.constant 0 : i32
    %dma_wait3A_428 = arith.constant 0 : i32
    %dma_wait3A_429 = tpu.memref_slice %arg6[%dma_wait3A_424, %dma_wait3A_425, %dma_wait3A_427, %dma_wait3A_428] : memref<4x4x50x128xf32, #tpu.memory_space<vmem>> -> memref<1x1x50x128xf32, #tpu.memory_space<vmem>>
    %dma_wait3A_430 = tpu.memref_squeeze %dma_wait3A_429 : memref<1x1x50x128xf32, #tpu.memory_space<vmem>> -> memref<50x128xf32, #tpu.memory_space<vmem>>
    %dma_wait3A_431 = arith.constant 0 : i32
    %dma_wait3A_432 = tpu.memref_slice %arg5[%dma_wait3A_422, %dma_wait3A_423, %dma_wait3A_431] : memref<32x4x50xi32, #tpu.memory_space<vmem>> -> memref<1x1x50xi32, #tpu.memory_space<vmem>>
    %dma_wait3A_433 = tpu.memref_squeeze %dma_wait3A_432 : memref<1x1x50xi32, #tpu.memory_space<vmem>> -> memref<50xi32, #tpu.memory_space<vmem>>
    %dma_wait3A_434 = arith.constant 0 : i32
    %dma_wait3A_435 = arith.constant 0 : i32
    %dma_wait3A_436 = tpu.memref_slice %arg3[%dma_wait3A_434, %dma_wait3A_435] : memref<100000x128xf32, #tpu.memory_space<hbm>> -> memref<100000x128xf32, #tpu.memory_space<hbm>>
    %dma_wait3A_437 = tpu.memref_slice %arg7[%dma_wait3A_426] : memref<4x!tpu.dma_semaphore, #tpu.memory_space<semaphore_mem>> -> memref<1x!tpu.dma_semaphore, #tpu.memory_space<semaphore_mem>>
    %dma_wait3A_438 = tpu.memref_squeeze %dma_wait3A_437 : memref<1x!tpu.dma_semaphore, #tpu.memory_space<semaphore_mem>> -> memref<!tpu.dma_semaphore, #tpu.memory_space<semaphore_mem>>
    tpu.wait_indirect_dma semaphore(%dma_wait3A_438 : memref<!tpu.dma_semaphore, #tpu.memory_space<semaphore_mem>>) src(%dma_wait3A_436 : memref<100000x128xf32, #tpu.memory_space<hbm>>) dst(%dma_wait3A_430 : memref<50x128xf32, #tpu.memory_space<vmem>>)
    %dma_wait3A_439 = arith.constant 0 : i32
    %dma_wait3A_440 = arith.constant 3 : i32
    %dma_wait3A_441 = arith.constant 1 : i32
    %dma_wait3A_442 = arith.constant 3 : i32
    %dma_wait3A_443 = arith.constant 1 : i32
    %dma_wait3A_444 = arith.constant 0 : i32
    %dma_wait3A_445 = arith.constant 0 : i32
    %dma_wait3A_446 = tpu.memref_slice %arg6[%dma_wait3A_441, %dma_wait3A_442, %dma_wait3A_444, %dma_wait3A_445] : memref<4x4x50x128xf32, #tpu.memory_space<vmem>> -> memref<1x1x50x128xf32, #tpu.memory_space<vmem>>
    %dma_wait3A_447 = tpu.memref_squeeze %dma_wait3A_446 : memref<1x1x50x128xf32, #tpu.memory_space<vmem>> -> memref<50x128xf32, #tpu.memory_space<vmem>>
    %dma_wait3A_448 = arith.constant 0 : i32
    %dma_wait3A_449 = tpu.memref_slice %arg5[%dma_wait3A_439, %dma_wait3A_440, %dma_wait3A_448] : memref<32x4x50xi32, #tpu.memory_space<vmem>> -> memref<1x1x50xi32, #tpu.memory_space<vmem>>
    %dma_wait3A_450 = tpu.memref_squeeze %dma_wait3A_449 : memref<1x1x50xi32, #tpu.memory_space<vmem>> -> memref<50xi32, #tpu.memory_space<vmem>>
    %dma_wait3A_451 = arith.constant 0 : i32
    %dma_wait3A_452 = arith.constant 0 : i32
    %dma_wait3A_453 = tpu.memref_slice %arg3[%dma_wait3A_451, %dma_wait3A_452] : memref<100000x128xf32, #tpu.memory_space<hbm>> -> memref<100000x128xf32, #tpu.memory_space<hbm>>
    %dma_wait3A_454 = tpu.memref_slice %arg7[%dma_wait3A_443] : memref<4x!tpu.dma_semaphore, #tpu.memory_space<semaphore_mem>> -> memref<1x!tpu.dma_semaphore, #tpu.memory_space<semaphore_mem>>
    %dma_wait3A_455 = tpu.memref_squeeze %dma_wait3A_454 : memref<1x!tpu.dma_semaphore, #tpu.memory_space<semaphore_mem>> -> memref<!tpu.dma_semaphore, #tpu.memory_space<semaphore_mem>>
    tpu.wait_indirect_dma semaphore(%dma_wait3A_455 : memref<!tpu.dma_semaphore, #tpu.memory_space<semaphore_mem>>) src(%dma_wait3A_453 : memref<100000x128xf32, #tpu.memory_space<hbm>>) dst(%dma_wait3A_447 : memref<50x128xf32, #tpu.memory_space<vmem>>)
    %add3A_456 = arith.constant 116 : i32
    %add3A_457 = arith.addi %mul3A_2, %add3A_456 : i32
    %dma_start3A_458 = arith.constant 1 : i32
    %dma_start3A_459 = arith.constant 1 : i32
    %dma_start3A_460 = arith.constant 0 : i32
    %dma_start3A_461 = arith.constant 0 : i32
    %dma_start3A_462 = arith.constant 0 : i32
    %dma_start3A_463 = tpu.memref_slice %arg6[%dma_start3A_458, %dma_start3A_460, %dma_start3A_461, %dma_start3A_462] : memref<4x4x50x128xf32, #tpu.memory_space<vmem>> -> memref<1x4x50x128xf32, #tpu.memory_space<vmem>>
    %dma_start3A_464 = tpu.memref_squeeze %dma_start3A_463 : memref<1x4x50x128xf32, #tpu.memory_space<vmem>> -> memref<4x50x128xf32, #tpu.memory_space<vmem>>
    %dma_start3A_465 = arith.constant 0 : i32
    %dma_start3A_466 = arith.constant 0 : i32
    %dma_start3A_467 = tpu.memref_slice %arg4[%add3A_457, %dma_start3A_465, %dma_start3A_466] : memref<4096x50x128xf32, #tpu.memory_space<hbm>> -> memref<4x50x128xf32, #tpu.memory_space<hbm>>
    %dma_start3A_468 = tpu.memref_slice %arg8[%dma_start3A_459] : memref<4x!tpu.dma_semaphore, #tpu.memory_space<semaphore_mem>> -> memref<1x!tpu.dma_semaphore, #tpu.memory_space<semaphore_mem>>
    %dma_start3A_469 = tpu.memref_squeeze %dma_start3A_468 : memref<1x!tpu.dma_semaphore, #tpu.memory_space<semaphore_mem>> -> memref<!tpu.dma_semaphore, #tpu.memory_space<semaphore_mem>>
    %dma_start3A_470 = arith.constant 0 : i32
    %dma_start3A_471 = arith.constant 0 : i32
    %dma_start3A_472 = tpu.memref_slice %arg4[%add3A_457, %dma_start3A_470, %dma_start3A_471] : memref<4096x50x128xf32, #tpu.memory_space<hbm>> -> memref<4x50x128xf32, #tpu.memory_space<hbm>>
    %dma_start3A_473 = arith.constant 0 : i32
    %dma_start3A_474 = arith.constant 0 : i32
    %dma_start3A_475 = arith.constant 0 : i32
    %dma_start3A_476 = tpu.memref_slice %arg6[%dma_start3A_458, %dma_start3A_473, %dma_start3A_474, %dma_start3A_475] : memref<4x4x50x128xf32, #tpu.memory_space<vmem>> -> memref<1x4x50x128xf32, #tpu.memory_space<vmem>>
    %dma_start3A_477 = tpu.memref_squeeze %dma_start3A_476 : memref<1x4x50x128xf32, #tpu.memory_space<vmem>> -> memref<4x50x128xf32, #tpu.memory_space<vmem>>
    tpu.enqueue_dma source(%dma_start3A_477 : memref<4x50x128xf32, #tpu.memory_space<vmem>>) target(%dma_start3A_472 : memref<4x50x128xf32, #tpu.memory_space<hbm>>) target_semaphore(%dma_start3A_469 : memref<!tpu.dma_semaphore, #tpu.memory_space<semaphore_mem>>)
    %dma_wait3A_478 = arith.constant 1 : i32
    %dma_wait3A_479 = arith.constant 1 : i32
    %dma_wait3A_480 = arith.constant 0 : i32
    %dma_wait3A_481 = arith.constant 0 : i32
    %dma_wait3A_482 = arith.constant 0 : i32
    %dma_wait3A_483 = tpu.memref_slice %arg6[%dma_wait3A_478, %dma_wait3A_480, %dma_wait3A_481, %dma_wait3A_482] : memref<4x4x50x128xf32, #tpu.memory_space<vmem>> -> memref<1x4x50x128xf32, #tpu.memory_space<vmem>>
    %dma_wait3A_484 = tpu.memref_squeeze %dma_wait3A_483 : memref<1x4x50x128xf32, #tpu.memory_space<vmem>> -> memref<4x50x128xf32, #tpu.memory_space<vmem>>
    %dma_wait3A_485 = arith.constant 0 : i32
    %dma_wait3A_486 = arith.constant 0 : i32
    %dma_wait3A_487 = tpu.memref_slice %arg4[%mul3A_2, %dma_wait3A_485, %dma_wait3A_486] : memref<4096x50x128xf32, #tpu.memory_space<hbm>> -> memref<4x50x128xf32, #tpu.memory_space<hbm>>
    %dma_wait3A_488 = tpu.memref_slice %arg8[%dma_wait3A_479] : memref<4x!tpu.dma_semaphore, #tpu.memory_space<semaphore_mem>> -> memref<1x!tpu.dma_semaphore, #tpu.memory_space<semaphore_mem>>
    %dma_wait3A_489 = tpu.memref_squeeze %dma_wait3A_488 : memref<1x!tpu.dma_semaphore, #tpu.memory_space<semaphore_mem>> -> memref<!tpu.dma_semaphore, #tpu.memory_space<semaphore_mem>>
    %dma_wait3A_490 = arith.constant 0 : i32
    %dma_wait3A_491 = arith.constant 0 : i32
    %dma_wait3A_492 = tpu.memref_slice %arg4[%mul3A_2, %dma_wait3A_490, %dma_wait3A_491] : memref<4096x50x128xf32, #tpu.memory_space<hbm>> -> memref<4x50x128xf32, #tpu.memory_space<hbm>>
    %dma_wait3A_493 = arith.constant 0 : i32
    %dma_wait3A_494 = arith.constant 0 : i32
    %dma_wait3A_495 = arith.constant 0 : i32
    %dma_wait3A_496 = tpu.memref_slice %arg6[%dma_wait3A_478, %dma_wait3A_493, %dma_wait3A_494, %dma_wait3A_495] : memref<4x4x50x128xf32, #tpu.memory_space<vmem>> -> memref<1x4x50x128xf32, #tpu.memory_space<vmem>>
    %dma_wait3A_497 = tpu.memref_squeeze %dma_wait3A_496 : memref<1x4x50x128xf32, #tpu.memory_space<vmem>> -> memref<4x50x128xf32, #tpu.memory_space<vmem>>
    tpu.wait_dma2 semaphore(%dma_wait3A_489 : memref<!tpu.dma_semaphore, #tpu.memory_space<semaphore_mem>>) src(%dma_wait3A_497 : memref<4x50x128xf32, #tpu.memory_space<vmem>>) dst(%dma_wait3A_492 : memref<4x50x128xf32, #tpu.memory_space<hbm>>)
    %dma_wait3A_498 = arith.constant 0 : i32
    %dma_wait3A_499 = arith.constant 0 : i32
    %dma_wait3A_500 = arith.constant 2 : i32
    %dma_wait3A_501 = arith.constant 0 : i32
    %dma_wait3A_502 = arith.constant 2 : i32
    %dma_wait3A_503 = arith.constant 0 : i32
    %dma_wait3A_504 = arith.constant 0 : i32
    %dma_wait3A_505 = tpu.memref_slice %arg6[%dma_wait3A_500, %dma_wait3A_501, %dma_wait3A_503, %dma_wait3A_504] : memref<4x4x50x128xf32, #tpu.memory_space<vmem>> -> memref<1x1x50x128xf32, #tpu.memory_space<vmem>>
    %dma_wait3A_506 = tpu.memref_squeeze %dma_wait3A_505 : memref<1x1x50x128xf32, #tpu.memory_space<vmem>> -> memref<50x128xf32, #tpu.memory_space<vmem>>
    %dma_wait3A_507 = arith.constant 0 : i32
    %dma_wait3A_508 = tpu.memref_slice %arg5[%dma_wait3A_498, %dma_wait3A_499, %dma_wait3A_507] : memref<32x4x50xi32, #tpu.memory_space<vmem>> -> memref<1x1x50xi32, #tpu.memory_space<vmem>>
    %dma_wait3A_509 = tpu.memref_squeeze %dma_wait3A_508 : memref<1x1x50xi32, #tpu.memory_space<vmem>> -> memref<50xi32, #tpu.memory_space<vmem>>
    %dma_wait3A_510 = arith.constant 0 : i32
    %dma_wait3A_511 = arith.constant 0 : i32
    %dma_wait3A_512 = tpu.memref_slice %arg3[%dma_wait3A_510, %dma_wait3A_511] : memref<100000x128xf32, #tpu.memory_space<hbm>> -> memref<100000x128xf32, #tpu.memory_space<hbm>>
    %dma_wait3A_513 = tpu.memref_slice %arg7[%dma_wait3A_502] : memref<4x!tpu.dma_semaphore, #tpu.memory_space<semaphore_mem>> -> memref<1x!tpu.dma_semaphore, #tpu.memory_space<semaphore_mem>>
    %dma_wait3A_514 = tpu.memref_squeeze %dma_wait3A_513 : memref<1x!tpu.dma_semaphore, #tpu.memory_space<semaphore_mem>> -> memref<!tpu.dma_semaphore, #tpu.memory_space<semaphore_mem>>
    tpu.wait_indirect_dma semaphore(%dma_wait3A_514 : memref<!tpu.dma_semaphore, #tpu.memory_space<semaphore_mem>>) src(%dma_wait3A_512 : memref<100000x128xf32, #tpu.memory_space<hbm>>) dst(%dma_wait3A_506 : memref<50x128xf32, #tpu.memory_space<vmem>>)
    %dma_wait3A_515 = arith.constant 0 : i32
    %dma_wait3A_516 = arith.constant 1 : i32
    %dma_wait3A_517 = arith.constant 2 : i32
    %dma_wait3A_518 = arith.constant 1 : i32
    %dma_wait3A_519 = arith.constant 2 : i32
    %dma_wait3A_520 = arith.constant 0 : i32
    %dma_wait3A_521 = arith.constant 0 : i32
    %dma_wait3A_522 = tpu.memref_slice %arg6[%dma_wait3A_517, %dma_wait3A_518, %dma_wait3A_520, %dma_wait3A_521] : memref<4x4x50x128xf32, #tpu.memory_space<vmem>> -> memref<1x1x50x128xf32, #tpu.memory_space<vmem>>
    %dma_wait3A_523 = tpu.memref_squeeze %dma_wait3A_522 : memref<1x1x50x128xf32, #tpu.memory_space<vmem>> -> memref<50x128xf32, #tpu.memory_space<vmem>>
    %dma_wait3A_524 = arith.constant 0 : i32
    %dma_wait3A_525 = tpu.memref_slice %arg5[%dma_wait3A_515, %dma_wait3A_516, %dma_wait3A_524] : memref<32x4x50xi32, #tpu.memory_space<vmem>> -> memref<1x1x50xi32, #tpu.memory_space<vmem>>
    %dma_wait3A_526 = tpu.memref_squeeze %dma_wait3A_525 : memref<1x1x50xi32, #tpu.memory_space<vmem>> -> memref<50xi32, #tpu.memory_space<vmem>>
    %dma_wait3A_527 = arith.constant 0 : i32
    %dma_wait3A_528 = arith.constant 0 : i32
    %dma_wait3A_529 = tpu.memref_slice %arg3[%dma_wait3A_527, %dma_wait3A_528] : memref<100000x128xf32, #tpu.memory_space<hbm>> -> memref<100000x128xf32, #tpu.memory_space<hbm>>
    %dma_wait3A_530 = tpu.memref_slice %arg7[%dma_wait3A_519] : memref<4x!tpu.dma_semaphore, #tpu.memory_space<semaphore_mem>> -> memref<1x!tpu.dma_semaphore, #tpu.memory_space<semaphore_mem>>
    %dma_wait3A_531 = tpu.memref_squeeze %dma_wait3A_530 : memref<1x!tpu.dma_semaphore, #tpu.memory_space<semaphore_mem>> -> memref<!tpu.dma_semaphore, #tpu.memory_space<semaphore_mem>>
    tpu.wait_indirect_dma semaphore(%dma_wait3A_531 : memref<!tpu.dma_semaphore, #tpu.memory_space<semaphore_mem>>) src(%dma_wait3A_529 : memref<100000x128xf32, #tpu.memory_space<hbm>>) dst(%dma_wait3A_523 : memref<50x128xf32, #tpu.memory_space<vmem>>)
    %dma_wait3A_532 = arith.constant 0 : i32
    %dma_wait3A_533 = arith.constant 2 : i32
    %dma_wait3A_534 = arith.constant 2 : i32
    %dma_wait3A_535 = arith.constant 2 : i32
    %dma_wait3A_536 = arith.constant 2 : i32
    %dma_wait3A_537 = arith.constant 0 : i32
    %dma_wait3A_538 = arith.constant 0 : i32
    %dma_wait3A_539 = tpu.memref_slice %arg6[%dma_wait3A_534, %dma_wait3A_535, %dma_wait3A_537, %dma_wait3A_538] : memref<4x4x50x128xf32, #tpu.memory_space<vmem>> -> memref<1x1x50x128xf32, #tpu.memory_space<vmem>>
    %dma_wait3A_540 = tpu.memref_squeeze %dma_wait3A_539 : memref<1x1x50x128xf32, #tpu.memory_space<vmem>> -> memref<50x128xf32, #tpu.memory_space<vmem>>
    %dma_wait3A_541 = arith.constant 0 : i32
    %dma_wait3A_542 = tpu.memref_slice %arg5[%dma_wait3A_532, %dma_wait3A_533, %dma_wait3A_541] : memref<32x4x50xi32, #tpu.memory_space<vmem>> -> memref<1x1x50xi32, #tpu.memory_space<vmem>>
    %dma_wait3A_543 = tpu.memref_squeeze %dma_wait3A_542 : memref<1x1x50xi32, #tpu.memory_space<vmem>> -> memref<50xi32, #tpu.memory_space<vmem>>
    %dma_wait3A_544 = arith.constant 0 : i32
    %dma_wait3A_545 = arith.constant 0 : i32
    %dma_wait3A_546 = tpu.memref_slice %arg3[%dma_wait3A_544, %dma_wait3A_545] : memref<100000x128xf32, #tpu.memory_space<hbm>> -> memref<100000x128xf32, #tpu.memory_space<hbm>>
    %dma_wait3A_547 = tpu.memref_slice %arg7[%dma_wait3A_536] : memref<4x!tpu.dma_semaphore, #tpu.memory_space<semaphore_mem>> -> memref<1x!tpu.dma_semaphore, #tpu.memory_space<semaphore_mem>>
    %dma_wait3A_548 = tpu.memref_squeeze %dma_wait3A_547 : memref<1x!tpu.dma_semaphore, #tpu.memory_space<semaphore_mem>> -> memref<!tpu.dma_semaphore, #tpu.memory_space<semaphore_mem>>
    tpu.wait_indirect_dma semaphore(%dma_wait3A_548 : memref<!tpu.dma_semaphore, #tpu.memory_space<semaphore_mem>>) src(%dma_wait3A_546 : memref<100000x128xf32, #tpu.memory_space<hbm>>) dst(%dma_wait3A_540 : memref<50x128xf32, #tpu.memory_space<vmem>>)
    %dma_wait3A_549 = arith.constant 0 : i32
    %dma_wait3A_550 = arith.constant 3 : i32
    %dma_wait3A_551 = arith.constant 2 : i32
    %dma_wait3A_552 = arith.constant 3 : i32
    %dma_wait3A_553 = arith.constant 2 : i32
    %dma_wait3A_554 = arith.constant 0 : i32
    %dma_wait3A_555 = arith.constant 0 : i32
    %dma_wait3A_556 = tpu.memref_slice %arg6[%dma_wait3A_551, %dma_wait3A_552, %dma_wait3A_554, %dma_wait3A_555] : memref<4x4x50x128xf32, #tpu.memory_space<vmem>> -> memref<1x1x50x128xf32, #tpu.memory_space<vmem>>
    %dma_wait3A_557 = tpu.memref_squeeze %dma_wait3A_556 : memref<1x1x50x128xf32, #tpu.memory_space<vmem>> -> memref<50x128xf32, #tpu.memory_space<vmem>>
    %dma_wait3A_558 = arith.constant 0 : i32
    %dma_wait3A_559 = tpu.memref_slice %arg5[%dma_wait3A_549, %dma_wait3A_550, %dma_wait3A_558] : memref<32x4x50xi32, #tpu.memory_space<vmem>> -> memref<1x1x50xi32, #tpu.memory_space<vmem>>
    %dma_wait3A_560 = tpu.memref_squeeze %dma_wait3A_559 : memref<1x1x50xi32, #tpu.memory_space<vmem>> -> memref<50xi32, #tpu.memory_space<vmem>>
    %dma_wait3A_561 = arith.constant 0 : i32
    %dma_wait3A_562 = arith.constant 0 : i32
    %dma_wait3A_563 = tpu.memref_slice %arg3[%dma_wait3A_561, %dma_wait3A_562] : memref<100000x128xf32, #tpu.memory_space<hbm>> -> memref<100000x128xf32, #tpu.memory_space<hbm>>
    %dma_wait3A_564 = tpu.memref_slice %arg7[%dma_wait3A_553] : memref<4x!tpu.dma_semaphore, #tpu.memory_space<semaphore_mem>> -> memref<1x!tpu.dma_semaphore, #tpu.memory_space<semaphore_mem>>
    %dma_wait3A_565 = tpu.memref_squeeze %dma_wait3A_564 : memref<1x!tpu.dma_semaphore, #tpu.memory_space<semaphore_mem>> -> memref<!tpu.dma_semaphore, #tpu.memory_space<semaphore_mem>>
    tpu.wait_indirect_dma semaphore(%dma_wait3A_565 : memref<!tpu.dma_semaphore, #tpu.memory_space<semaphore_mem>>) src(%dma_wait3A_563 : memref<100000x128xf32, #tpu.memory_space<hbm>>) dst(%dma_wait3A_557 : memref<50x128xf32, #tpu.memory_space<vmem>>)
    %add3A_566 = arith.constant 120 : i32
    %add3A_567 = arith.addi %mul3A_2, %add3A_566 : i32
    %dma_start3A_568 = arith.constant 2 : i32
    %dma_start3A_569 = arith.constant 2 : i32
    %dma_start3A_570 = arith.constant 0 : i32
    %dma_start3A_571 = arith.constant 0 : i32
    %dma_start3A_572 = arith.constant 0 : i32
    %dma_start3A_573 = tpu.memref_slice %arg6[%dma_start3A_568, %dma_start3A_570, %dma_start3A_571, %dma_start3A_572] : memref<4x4x50x128xf32, #tpu.memory_space<vmem>> -> memref<1x4x50x128xf32, #tpu.memory_space<vmem>>
    %dma_start3A_574 = tpu.memref_squeeze %dma_start3A_573 : memref<1x4x50x128xf32, #tpu.memory_space<vmem>> -> memref<4x50x128xf32, #tpu.memory_space<vmem>>
    %dma_start3A_575 = arith.constant 0 : i32
    %dma_start3A_576 = arith.constant 0 : i32
    %dma_start3A_577 = tpu.memref_slice %arg4[%add3A_567, %dma_start3A_575, %dma_start3A_576] : memref<4096x50x128xf32, #tpu.memory_space<hbm>> -> memref<4x50x128xf32, #tpu.memory_space<hbm>>
    %dma_start3A_578 = tpu.memref_slice %arg8[%dma_start3A_569] : memref<4x!tpu.dma_semaphore, #tpu.memory_space<semaphore_mem>> -> memref<1x!tpu.dma_semaphore, #tpu.memory_space<semaphore_mem>>
    %dma_start3A_579 = tpu.memref_squeeze %dma_start3A_578 : memref<1x!tpu.dma_semaphore, #tpu.memory_space<semaphore_mem>> -> memref<!tpu.dma_semaphore, #tpu.memory_space<semaphore_mem>>
    %dma_start3A_580 = arith.constant 0 : i32
    %dma_start3A_581 = arith.constant 0 : i32
    %dma_start3A_582 = tpu.memref_slice %arg4[%add3A_567, %dma_start3A_580, %dma_start3A_581] : memref<4096x50x128xf32, #tpu.memory_space<hbm>> -> memref<4x50x128xf32, #tpu.memory_space<hbm>>
    %dma_start3A_583 = arith.constant 0 : i32
    %dma_start3A_584 = arith.constant 0 : i32
    %dma_start3A_585 = arith.constant 0 : i32
    %dma_start3A_586 = tpu.memref_slice %arg6[%dma_start3A_568, %dma_start3A_583, %dma_start3A_584, %dma_start3A_585] : memref<4x4x50x128xf32, #tpu.memory_space<vmem>> -> memref<1x4x50x128xf32, #tpu.memory_space<vmem>>
    %dma_start3A_587 = tpu.memref_squeeze %dma_start3A_586 : memref<1x4x50x128xf32, #tpu.memory_space<vmem>> -> memref<4x50x128xf32, #tpu.memory_space<vmem>>
    tpu.enqueue_dma source(%dma_start3A_587 : memref<4x50x128xf32, #tpu.memory_space<vmem>>) target(%dma_start3A_582 : memref<4x50x128xf32, #tpu.memory_space<hbm>>) target_semaphore(%dma_start3A_579 : memref<!tpu.dma_semaphore, #tpu.memory_space<semaphore_mem>>)
    %dma_wait3A_588 = arith.constant 2 : i32
    %dma_wait3A_589 = arith.constant 2 : i32
    %dma_wait3A_590 = arith.constant 0 : i32
    %dma_wait3A_591 = arith.constant 0 : i32
    %dma_wait3A_592 = arith.constant 0 : i32
    %dma_wait3A_593 = tpu.memref_slice %arg6[%dma_wait3A_588, %dma_wait3A_590, %dma_wait3A_591, %dma_wait3A_592] : memref<4x4x50x128xf32, #tpu.memory_space<vmem>> -> memref<1x4x50x128xf32, #tpu.memory_space<vmem>>
    %dma_wait3A_594 = tpu.memref_squeeze %dma_wait3A_593 : memref<1x4x50x128xf32, #tpu.memory_space<vmem>> -> memref<4x50x128xf32, #tpu.memory_space<vmem>>
    %dma_wait3A_595 = arith.constant 0 : i32
    %dma_wait3A_596 = arith.constant 0 : i32
    %dma_wait3A_597 = tpu.memref_slice %arg4[%mul3A_2, %dma_wait3A_595, %dma_wait3A_596] : memref<4096x50x128xf32, #tpu.memory_space<hbm>> -> memref<4x50x128xf32, #tpu.memory_space<hbm>>
    %dma_wait3A_598 = tpu.memref_slice %arg8[%dma_wait3A_589] : memref<4x!tpu.dma_semaphore, #tpu.memory_space<semaphore_mem>> -> memref<1x!tpu.dma_semaphore, #tpu.memory_space<semaphore_mem>>
    %dma_wait3A_599 = tpu.memref_squeeze %dma_wait3A_598 : memref<1x!tpu.dma_semaphore, #tpu.memory_space<semaphore_mem>> -> memref<!tpu.dma_semaphore, #tpu.memory_space<semaphore_mem>>
    %dma_wait3A_600 = arith.constant 0 : i32
    %dma_wait3A_601 = arith.constant 0 : i32
    %dma_wait3A_602 = tpu.memref_slice %arg4[%mul3A_2, %dma_wait3A_600, %dma_wait3A_601] : memref<4096x50x128xf32, #tpu.memory_space<hbm>> -> memref<4x50x128xf32, #tpu.memory_space<hbm>>
    %dma_wait3A_603 = arith.constant 0 : i32
    %dma_wait3A_604 = arith.constant 0 : i32
    %dma_wait3A_605 = arith.constant 0 : i32
    %dma_wait3A_606 = tpu.memref_slice %arg6[%dma_wait3A_588, %dma_wait3A_603, %dma_wait3A_604, %dma_wait3A_605] : memref<4x4x50x128xf32, #tpu.memory_space<vmem>> -> memref<1x4x50x128xf32, #tpu.memory_space<vmem>>
    %dma_wait3A_607 = tpu.memref_squeeze %dma_wait3A_606 : memref<1x4x50x128xf32, #tpu.memory_space<vmem>> -> memref<4x50x128xf32, #tpu.memory_space<vmem>>
    tpu.wait_dma2 semaphore(%dma_wait3A_599 : memref<!tpu.dma_semaphore, #tpu.memory_space<semaphore_mem>>) src(%dma_wait3A_607 : memref<4x50x128xf32, #tpu.memory_space<vmem>>) dst(%dma_wait3A_602 : memref<4x50x128xf32, #tpu.memory_space<hbm>>)
    %dma_wait3A_608 = arith.constant 0 : i32
    %dma_wait3A_609 = arith.constant 0 : i32
    %dma_wait3A_610 = arith.constant 3 : i32
    %dma_wait3A_611 = arith.constant 0 : i32
    %dma_wait3A_612 = arith.constant 3 : i32
    %dma_wait3A_613 = arith.constant 0 : i32
    %dma_wait3A_614 = arith.constant 0 : i32
    %dma_wait3A_615 = tpu.memref_slice %arg6[%dma_wait3A_610, %dma_wait3A_611, %dma_wait3A_613, %dma_wait3A_614] : memref<4x4x50x128xf32, #tpu.memory_space<vmem>> -> memref<1x1x50x128xf32, #tpu.memory_space<vmem>>
    %dma_wait3A_616 = tpu.memref_squeeze %dma_wait3A_615 : memref<1x1x50x128xf32, #tpu.memory_space<vmem>> -> memref<50x128xf32, #tpu.memory_space<vmem>>
    %dma_wait3A_617 = arith.constant 0 : i32
    %dma_wait3A_618 = tpu.memref_slice %arg5[%dma_wait3A_608, %dma_wait3A_609, %dma_wait3A_617] : memref<32x4x50xi32, #tpu.memory_space<vmem>> -> memref<1x1x50xi32, #tpu.memory_space<vmem>>
    %dma_wait3A_619 = tpu.memref_squeeze %dma_wait3A_618 : memref<1x1x50xi32, #tpu.memory_space<vmem>> -> memref<50xi32, #tpu.memory_space<vmem>>
    %dma_wait3A_620 = arith.constant 0 : i32
    %dma_wait3A_621 = arith.constant 0 : i32
    %dma_wait3A_622 = tpu.memref_slice %arg3[%dma_wait3A_620, %dma_wait3A_621] : memref<100000x128xf32, #tpu.memory_space<hbm>> -> memref<100000x128xf32, #tpu.memory_space<hbm>>
    %dma_wait3A_623 = tpu.memref_slice %arg7[%dma_wait3A_612] : memref<4x!tpu.dma_semaphore, #tpu.memory_space<semaphore_mem>> -> memref<1x!tpu.dma_semaphore, #tpu.memory_space<semaphore_mem>>
    %dma_wait3A_624 = tpu.memref_squeeze %dma_wait3A_623 : memref<1x!tpu.dma_semaphore, #tpu.memory_space<semaphore_mem>> -> memref<!tpu.dma_semaphore, #tpu.memory_space<semaphore_mem>>
    tpu.wait_indirect_dma semaphore(%dma_wait3A_624 : memref<!tpu.dma_semaphore, #tpu.memory_space<semaphore_mem>>) src(%dma_wait3A_622 : memref<100000x128xf32, #tpu.memory_space<hbm>>) dst(%dma_wait3A_616 : memref<50x128xf32, #tpu.memory_space<vmem>>)
    %dma_wait3A_625 = arith.constant 0 : i32
    %dma_wait3A_626 = arith.constant 1 : i32
    %dma_wait3A_627 = arith.constant 3 : i32
    %dma_wait3A_628 = arith.constant 1 : i32
    %dma_wait3A_629 = arith.constant 3 : i32
    %dma_wait3A_630 = arith.constant 0 : i32
    %dma_wait3A_631 = arith.constant 0 : i32
    %dma_wait3A_632 = tpu.memref_slice %arg6[%dma_wait3A_627, %dma_wait3A_628, %dma_wait3A_630, %dma_wait3A_631] : memref<4x4x50x128xf32, #tpu.memory_space<vmem>> -> memref<1x1x50x128xf32, #tpu.memory_space<vmem>>
    %dma_wait3A_633 = tpu.memref_squeeze %dma_wait3A_632 : memref<1x1x50x128xf32, #tpu.memory_space<vmem>> -> memref<50x128xf32, #tpu.memory_space<vmem>>
    %dma_wait3A_634 = arith.constant 0 : i32
    %dma_wait3A_635 = tpu.memref_slice %arg5[%dma_wait3A_625, %dma_wait3A_626, %dma_wait3A_634] : memref<32x4x50xi32, #tpu.memory_space<vmem>> -> memref<1x1x50xi32, #tpu.memory_space<vmem>>
    %dma_wait3A_636 = tpu.memref_squeeze %dma_wait3A_635 : memref<1x1x50xi32, #tpu.memory_space<vmem>> -> memref<50xi32, #tpu.memory_space<vmem>>
    %dma_wait3A_637 = arith.constant 0 : i32
    %dma_wait3A_638 = arith.constant 0 : i32
    %dma_wait3A_639 = tpu.memref_slice %arg3[%dma_wait3A_637, %dma_wait3A_638] : memref<100000x128xf32, #tpu.memory_space<hbm>> -> memref<100000x128xf32, #tpu.memory_space<hbm>>
    %dma_wait3A_640 = tpu.memref_slice %arg7[%dma_wait3A_629] : memref<4x!tpu.dma_semaphore, #tpu.memory_space<semaphore_mem>> -> memref<1x!tpu.dma_semaphore, #tpu.memory_space<semaphore_mem>>
    %dma_wait3A_641 = tpu.memref_squeeze %dma_wait3A_640 : memref<1x!tpu.dma_semaphore, #tpu.memory_space<semaphore_mem>> -> memref<!tpu.dma_semaphore, #tpu.memory_space<semaphore_mem>>
    tpu.wait_indirect_dma semaphore(%dma_wait3A_641 : memref<!tpu.dma_semaphore, #tpu.memory_space<semaphore_mem>>) src(%dma_wait3A_639 : memref<100000x128xf32, #tpu.memory_space<hbm>>) dst(%dma_wait3A_633 : memref<50x128xf32, #tpu.memory_space<vmem>>)
    %dma_wait3A_642 = arith.constant 0 : i32
    %dma_wait3A_643 = arith.constant 2 : i32
    %dma_wait3A_644 = arith.constant 3 : i32
    %dma_wait3A_645 = arith.constant 2 : i32
    %dma_wait3A_646 = arith.constant 3 : i32
    %dma_wait3A_647 = arith.constant 0 : i32
    %dma_wait3A_648 = arith.constant 0 : i32
    %dma_wait3A_649 = tpu.memref_slice %arg6[%dma_wait3A_644, %dma_wait3A_645, %dma_wait3A_647, %dma_wait3A_648] : memref<4x4x50x128xf32, #tpu.memory_space<vmem>> -> memref<1x1x50x128xf32, #tpu.memory_space<vmem>>
    %dma_wait3A_650 = tpu.memref_squeeze %dma_wait3A_649 : memref<1x1x50x128xf32, #tpu.memory_space<vmem>> -> memref<50x128xf32, #tpu.memory_space<vmem>>
    %dma_wait3A_651 = arith.constant 0 : i32
    %dma_wait3A_652 = tpu.memref_slice %arg5[%dma_wait3A_642, %dma_wait3A_643, %dma_wait3A_651] : memref<32x4x50xi32, #tpu.memory_space<vmem>> -> memref<1x1x50xi32, #tpu.memory_space<vmem>>
    %dma_wait3A_653 = tpu.memref_squeeze %dma_wait3A_652 : memref<1x1x50xi32, #tpu.memory_space<vmem>> -> memref<50xi32, #tpu.memory_space<vmem>>
    %dma_wait3A_654 = arith.constant 0 : i32
    %dma_wait3A_655 = arith.constant 0 : i32
    %dma_wait3A_656 = tpu.memref_slice %arg3[%dma_wait3A_654, %dma_wait3A_655] : memref<100000x128xf32, #tpu.memory_space<hbm>> -> memref<100000x128xf32, #tpu.memory_space<hbm>>
    %dma_wait3A_657 = tpu.memref_slice %arg7[%dma_wait3A_646] : memref<4x!tpu.dma_semaphore, #tpu.memory_space<semaphore_mem>> -> memref<1x!tpu.dma_semaphore, #tpu.memory_space<semaphore_mem>>
    %dma_wait3A_658 = tpu.memref_squeeze %dma_wait3A_657 : memref<1x!tpu.dma_semaphore, #tpu.memory_space<semaphore_mem>> -> memref<!tpu.dma_semaphore, #tpu.memory_space<semaphore_mem>>
    tpu.wait_indirect_dma semaphore(%dma_wait3A_658 : memref<!tpu.dma_semaphore, #tpu.memory_space<semaphore_mem>>) src(%dma_wait3A_656 : memref<100000x128xf32, #tpu.memory_space<hbm>>) dst(%dma_wait3A_650 : memref<50x128xf32, #tpu.memory_space<vmem>>)
    %dma_wait3A_659 = arith.constant 0 : i32
    %dma_wait3A_660 = arith.constant 3 : i32
    %dma_wait3A_661 = arith.constant 3 : i32
    %dma_wait3A_662 = arith.constant 3 : i32
    %dma_wait3A_663 = arith.constant 3 : i32
    %dma_wait3A_664 = arith.constant 0 : i32
    %dma_wait3A_665 = arith.constant 0 : i32
    %dma_wait3A_666 = tpu.memref_slice %arg6[%dma_wait3A_661, %dma_wait3A_662, %dma_wait3A_664, %dma_wait3A_665] : memref<4x4x50x128xf32, #tpu.memory_space<vmem>> -> memref<1x1x50x128xf32, #tpu.memory_space<vmem>>
    %dma_wait3A_667 = tpu.memref_squeeze %dma_wait3A_666 : memref<1x1x50x128xf32, #tpu.memory_space<vmem>> -> memref<50x128xf32, #tpu.memory_space<vmem>>
    %dma_wait3A_668 = arith.constant 0 : i32
    %dma_wait3A_669 = tpu.memref_slice %arg5[%dma_wait3A_659, %dma_wait3A_660, %dma_wait3A_668] : memref<32x4x50xi32, #tpu.memory_space<vmem>> -> memref<1x1x50xi32, #tpu.memory_space<vmem>>
    %dma_wait3A_670 = tpu.memref_squeeze %dma_wait3A_669 : memref<1x1x50xi32, #tpu.memory_space<vmem>> -> memref<50xi32, #tpu.memory_space<vmem>>
    %dma_wait3A_671 = arith.constant 0 : i32
    %dma_wait3A_672 = arith.constant 0 : i32
    %dma_wait3A_673 = tpu.memref_slice %arg3[%dma_wait3A_671, %dma_wait3A_672] : memref<100000x128xf32, #tpu.memory_space<hbm>> -> memref<100000x128xf32, #tpu.memory_space<hbm>>
    %dma_wait3A_674 = tpu.memref_slice %arg7[%dma_wait3A_663] : memref<4x!tpu.dma_semaphore, #tpu.memory_space<semaphore_mem>> -> memref<1x!tpu.dma_semaphore, #tpu.memory_space<semaphore_mem>>
    %dma_wait3A_675 = tpu.memref_squeeze %dma_wait3A_674 : memref<1x!tpu.dma_semaphore, #tpu.memory_space<semaphore_mem>> -> memref<!tpu.dma_semaphore, #tpu.memory_space<semaphore_mem>>
    tpu.wait_indirect_dma semaphore(%dma_wait3A_675 : memref<!tpu.dma_semaphore, #tpu.memory_space<semaphore_mem>>) src(%dma_wait3A_673 : memref<100000x128xf32, #tpu.memory_space<hbm>>) dst(%dma_wait3A_667 : memref<50x128xf32, #tpu.memory_space<vmem>>)
    %add3A_676 = arith.constant 124 : i32
    %add3A_677 = arith.addi %mul3A_2, %add3A_676 : i32
    %dma_start3A_678 = arith.constant 3 : i32
    %dma_start3A_679 = arith.constant 3 : i32
    %dma_start3A_680 = arith.constant 0 : i32
    %dma_start3A_681 = arith.constant 0 : i32
    %dma_start3A_682 = arith.constant 0 : i32
    %dma_start3A_683 = tpu.memref_slice %arg6[%dma_start3A_678, %dma_start3A_680, %dma_start3A_681, %dma_start3A_682] : memref<4x4x50x128xf32, #tpu.memory_space<vmem>> -> memref<1x4x50x128xf32, #tpu.memory_space<vmem>>
    %dma_start3A_684 = tpu.memref_squeeze %dma_start3A_683 : memref<1x4x50x128xf32, #tpu.memory_space<vmem>> -> memref<4x50x128xf32, #tpu.memory_space<vmem>>
    %dma_start3A_685 = arith.constant 0 : i32
    %dma_start3A_686 = arith.constant 0 : i32
    %dma_start3A_687 = tpu.memref_slice %arg4[%add3A_677, %dma_start3A_685, %dma_start3A_686] : memref<4096x50x128xf32, #tpu.memory_space<hbm>> -> memref<4x50x128xf32, #tpu.memory_space<hbm>>
    %dma_start3A_688 = tpu.memref_slice %arg8[%dma_start3A_679] : memref<4x!tpu.dma_semaphore, #tpu.memory_space<semaphore_mem>> -> memref<1x!tpu.dma_semaphore, #tpu.memory_space<semaphore_mem>>
    %dma_start3A_689 = tpu.memref_squeeze %dma_start3A_688 : memref<1x!tpu.dma_semaphore, #tpu.memory_space<semaphore_mem>> -> memref<!tpu.dma_semaphore, #tpu.memory_space<semaphore_mem>>
    %dma_start3A_690 = arith.constant 0 : i32
    %dma_start3A_691 = arith.constant 0 : i32
    %dma_start3A_692 = tpu.memref_slice %arg4[%add3A_677, %dma_start3A_690, %dma_start3A_691] : memref<4096x50x128xf32, #tpu.memory_space<hbm>> -> memref<4x50x128xf32, #tpu.memory_space<hbm>>
    %dma_start3A_693 = arith.constant 0 : i32
    %dma_start3A_694 = arith.constant 0 : i32
    %dma_start3A_695 = arith.constant 0 : i32
    %dma_start3A_696 = tpu.memref_slice %arg6[%dma_start3A_678, %dma_start3A_693, %dma_start3A_694, %dma_start3A_695] : memref<4x4x50x128xf32, #tpu.memory_space<vmem>> -> memref<1x4x50x128xf32, #tpu.memory_space<vmem>>
    %dma_start3A_697 = tpu.memref_squeeze %dma_start3A_696 : memref<1x4x50x128xf32, #tpu.memory_space<vmem>> -> memref<4x50x128xf32, #tpu.memory_space<vmem>>
    tpu.enqueue_dma source(%dma_start3A_697 : memref<4x50x128xf32, #tpu.memory_space<vmem>>) target(%dma_start3A_692 : memref<4x50x128xf32, #tpu.memory_space<hbm>>) target_semaphore(%dma_start3A_689 : memref<!tpu.dma_semaphore, #tpu.memory_space<semaphore_mem>>)
    %dma_wait3A_698 = arith.constant 3 : i32
    %dma_wait3A_699 = arith.constant 3 : i32
    %dma_wait3A_700 = arith.constant 0 : i32
    %dma_wait3A_701 = arith.constant 0 : i32
    %dma_wait3A_702 = arith.constant 0 : i32
    %dma_wait3A_703 = tpu.memref_slice %arg6[%dma_wait3A_698, %dma_wait3A_700, %dma_wait3A_701, %dma_wait3A_702] : memref<4x4x50x128xf32, #tpu.memory_space<vmem>> -> memref<1x4x50x128xf32, #tpu.memory_space<vmem>>
    %dma_wait3A_704 = tpu.memref_squeeze %dma_wait3A_703 : memref<1x4x50x128xf32, #tpu.memory_space<vmem>> -> memref<4x50x128xf32, #tpu.memory_space<vmem>>
    %dma_wait3A_705 = arith.constant 0 : i32
    %dma_wait3A_706 = arith.constant 0 : i32
    %dma_wait3A_707 = tpu.memref_slice %arg4[%mul3A_2, %dma_wait3A_705, %dma_wait3A_706] : memref<4096x50x128xf32, #tpu.memory_space<hbm>> -> memref<4x50x128xf32, #tpu.memory_space<hbm>>
    %dma_wait3A_708 = tpu.memref_slice %arg8[%dma_wait3A_699] : memref<4x!tpu.dma_semaphore, #tpu.memory_space<semaphore_mem>> -> memref<1x!tpu.dma_semaphore, #tpu.memory_space<semaphore_mem>>
    %dma_wait3A_709 = tpu.memref_squeeze %dma_wait3A_708 : memref<1x!tpu.dma_semaphore, #tpu.memory_space<semaphore_mem>> -> memref<!tpu.dma_semaphore, #tpu.memory_space<semaphore_mem>>
    %dma_wait3A_710 = arith.constant 0 : i32
    %dma_wait3A_711 = arith.constant 0 : i32
    %dma_wait3A_712 = tpu.memref_slice %arg4[%mul3A_2, %dma_wait3A_710, %dma_wait3A_711] : memref<4096x50x128xf32, #tpu.memory_space<hbm>> -> memref<4x50x128xf32, #tpu.memory_space<hbm>>
    %dma_wait3A_713 = arith.constant 0 : i32
    %dma_wait3A_714 = arith.constant 0 : i32
    %dma_wait3A_715 = arith.constant 0 : i32
    %dma_wait3A_716 = tpu.memref_slice %arg6[%dma_wait3A_698, %dma_wait3A_713, %dma_wait3A_714, %dma_wait3A_715] : memref<4x4x50x128xf32, #tpu.memory_space<vmem>> -> memref<1x4x50x128xf32, #tpu.memory_space<vmem>>
    %dma_wait3A_717 = tpu.memref_squeeze %dma_wait3A_716 : memref<1x4x50x128xf32, #tpu.memory_space<vmem>> -> memref<4x50x128xf32, #tpu.memory_space<vmem>>
    tpu.wait_dma2 semaphore(%dma_wait3A_709 : memref<!tpu.dma_semaphore, #tpu.memory_space<semaphore_mem>>) src(%dma_wait3A_717 : memref<4x50x128xf32, #tpu.memory_space<vmem>>) dst(%dma_wait3A_712 : memref<4x50x128xf32, #tpu.memory_space<hbm>>)
    return
  }
}

</mosaic_0001>

<sc_bundles>
// kernel: kernel.3.cloned.1.call-start
scs
__scs_entry_jumppad:
0x0: {  	(pc) =	sbr.rel $0x88, $3  }
0x1: {  	(tag) =	ssettag $0x0;
	lr =	simm.s32 $0x1  }
0x2: {  	[smem:$0x3F9F] =	sst lr;
	_ =	strace $0xD0000000  }
0x3: {  	_ = 	snop  }
0x4: {  	_ = 	snop  }
0x5: {  	_ = 	snop  }
0x6: {  	_ = 	snop  }
0x7: {  	_ = 	snop  }
__scs_overlays_trampoline_lowered:
0x8: {  	[smem:$0x3FAE] =	sst s0  }
0x9: {  	[smem:$0x3FAF] =	sst s1  }
0xa: {  	[smem:$0x3FB0] =	sst s2  }
0xb: {  	[smem:$0x3FB1] =	sst s3  }
0xc: {  	[smem:$0x3FB2] =	sst s4  }
0xd: {  	[smem:$0x3FB3] =	sst s5  }
0xe: {  	[smem:$0x3FB4] =	sst s6  }
0xf: {  	[smem:$0x3FB5] =	sst s7  }
0x10: {  	[smem:$0x3FB6] =	sst s8  }
0x11: {  	[smem:$0x3FB7] =	sst s9;
	s0 =	simm.s32 @!p0 $0x0  }
0x12: {  	s1 =	sld [smem:$0x3F9D];
	s0 =	simm.s32 @p0 $0x1  }
0x13: {  	[smem:$0x3FB8] =	sst s0;
	s0 =	simm.s32 @!p1 $0x0  }
0x14: {  	s2 =	sld [smem:$0x3F9C];
	s0 =	simm.s32 @p1 $0x1  }
0x15: {  	[smem:$0x3FB9] =	sst s0;
	s0 =	simm.s32 @!p2 $0x0  }
0x16: {  	s3 =	sld [smem:$0x3FDB];
	s0 =	simm.s32 @p2 $0x1  }
0x17: {  	s4 =	simm.s32 $0x1BF5;
	[smem:$0x3FBB] =	sst s0  }
0x18: {  	s0 =	sld [smem:$0x3F9E];
	_ =	swait.ge [sflag:s4], $0x0  }
0x19: {  	s7 =	sld [smem:$0x3F9F]  }
0x1a: {  	s8 =	sadd.s32 $0xFFFFE003, lr  }
0x1b: {  	s9 =	sadd.s32 $0xFFFFFEF7, lr;
	s5 =	simm.s32 $0xFFFFFFFF;
	p2 =	slt.u32 s8, $0xFFFFF086  }
0x1c: {  	p1 =	slt.u32 s9, $0xF7A;
	s5 =	simm.s32 @!p2 $0x0  }
0x1d: {  	s5 =	simm.s32 @p1 $0x1;
	p0 =	seq.s32 s7, s2  }
0x1e: {  	s7 =	smul.u32 @!p0 $0xF7A, s2;
	p2 =	seq.s32 @!p0 s5, $0x0  }
0x1f: {  	s9 =	smul.u32 $0xF7A, s1;
	s8 =	simm.s32 @!p0 $0x1BF5;
	p2 =	por !p2, p0  }
0x20: {  	[sflag:s8] =	ssyncset.s32 @!p0 $0xFFFFF086;
	s6 =	sadd.s32 @!p0 s3, s7;
	s7 =	simm.s32 @!p0 $0x108  }
0x21: {  	s3 =	sadd.s32 s3, s9;
	s6 =	sadd.s32 @!p0 $0x88, s6;
	s7 =	simm.s32 @p2 $0x1082  }
0x22: {  	[simem:s7], [sflag:s8] =	dma.local @!p0 [hbm:s6], $0xF7A  }
0x23: {  	s9 =	sor.u32 $0xD0000000, s2;
	s6 =	simm.s32 $0x108;
	_ =	swait.ge @!p0 [sflag:s8], $0x0  }
0x24: {  	s3 =	sadd.s32 $0x88, s3;
	s6 =	simm.s32 @!p1 $0x1082;
	[sflag:s4] =	ssyncset.s32 $0xFFFFF086  }
0x25: {  	[simem:s6], [sflag:s4] =	dma.local [hbm:s3], $0xF7A  }
0x26: {  	[smem:$0x3F9F] =	sst s1;
	(tag) =	ssettag s2;
	_ =	strace s9  }
0x27: {  	s1 =	sld [smem:$0x3FAF]  }
0x28: {  	s2 =	sld [smem:$0x3FB0]  }
0x29: {  	s4 =	sld [smem:$0x3FB2]  }
0x2a: {  	p0 =	seq.s32 s5, $0x0;
	s5 =	sld [smem:$0x3FB3]  }
0x2b: {  	s6 =	sld [smem:$0x3FB4]  }
0x2c: {  	s7 =	sld [smem:$0x3FB5]  }
0x2d: {  	s3 =	simm.s32 $0x108;
	s8 =	sld [smem:$0x3FB6]  }
0x2e: {  	s3 =	simm.s32 @!p0 $0x1082;
	s9 =	sld [smem:$0x3FB7]  }
0x2f: {  	lr =	sadd.s32 s0, s3;
	s0 =	sld [smem:$0x3FAE]  }
0x30: {  	s3 =	sld [smem:$0x3FB1]  }
0x31: {  	[smem:$0x3FBA] =	sst s10  }
0x32: {  	s10 =	sld [smem:$0x3FB8];
	_ =	sdelay $0x3  }
0x33: {  	p0 =	seq.s32 s10, $0x1;
	s10 =	sld [smem:$0x3FBA];
	_ =	sdelay $0x3  }
0x34: {  	[smem:$0x3FBA] =	sst s10  }
0x35: {  	s10 =	sld [smem:$0x3FB9];
	_ =	sdelay $0x3  }
0x36: {  	p1 =	seq.s32 s10, $0x1;
	s10 =	sld [smem:$0x3FBA];
	_ =	sdelay $0x3  }
0x37: {  	[smem:$0x3FBA] =	sst s10  }
0x38: {  	s10 =	sld [smem:$0x3FBB]  }
0x39: {  	_ = 	snop;
	(pc) =	sbr.ind lr, $3  }
0x3a: {  	_ = 	snop  }
0x3b: {  	_ = 	snop  }
0x3c: {  	p2 =	seq.s32 s10, $0x1;
	s10 =	sld [smem:$0x3FBA]  }
0x3d: {  	_ =	shalt  }
0x3e: {  	_ =	shalt  }
0x3f: {  	_ =	shalt  }
0x40: {  	_ =	shalt  }
0x41: {  	_ =	shalt  }
0x42: {  	_ =	shalt  }
0x43: {  	_ =	shalt  }
0x44: {  	_ =	shalt  }
0x45: {  	_ =	shalt  }
0x46: {  	_ =	shalt  }
0x47: {  	_ =	shalt  }
0x48: {  	_ =	shalt  }
0x49: {  	_ =	shalt  }
0x4a: {  	_ =	shalt  }
0x4b: {  	_ =	shalt  }
0x4c: {  	_ =	shalt  }
0x4d: {  	_ =	shalt  }
0x4e: {  	_ =	shalt  }
0x4f: {  	_ =	shalt  }
0x50: {  	_ =	shalt  }
0x51: {  	_ =	shalt  }
0x52: {  	_ =	shalt  }
0x53: {  	_ =	shalt  }
0x54: {  	_ =	shalt  }
0x55: {  	_ =	shalt  }
0x56: {  	_ =	shalt  }
0x57: {  	_ =	shalt  }
0x58: {  	_ =	shalt  }
0x59: {  	_ =	shalt  }
0x5a: {  	_ =	shalt  }
0x5b: {  	_ =	shalt  }
0x5c: {  	_ =	shalt  }
0x5d: {  	_ =	shalt  }
0x5e: {  	_ =	shalt  }
0x5f: {  	_ =	shalt  }
0x60: {  	_ =	shalt  }
0x61: {  	_ =	shalt  }
0x62: {  	_ =	shalt  }
0x63: {  	_ =	shalt  }
0x64: {  	_ =	shalt  }
0x65: {  	_ =	shalt  }
0x66: {  	_ =	shalt  }
0x67: {  	_ =	shalt  }
0x68: {  	_ =	shalt  }
0x69: {  	_ =	shalt  }
0x6a: {  	_ =	shalt  }
0x6b: {  	_ =	shalt  }
0x6c: {  	_ =	shalt  }
0x6d: {  	_ =	shalt  }
0x6e: {  	_ =	shalt  }
0x6f: {  	_ =	shalt  }
0x70: {  	_ =	shalt  }
0x71: {  	_ =	shalt  }
0x72: {  	_ =	shalt  }
0x73: {  	_ =	shalt  }
0x74: {  	_ =	shalt  }
0x75: {  	_ =	shalt  }
0x76: {  	_ =	shalt  }
0x77: {  	_ =	shalt  }
0x78: {  	_ =	shalt  }
0x79: {  	_ =	shalt  }
0x7a: {  	_ =	shalt  }
0x7b: {  	_ =	shalt  }
0x7c: {  	_ =	shalt  }
0x7d: {  	_ =	shalt  }
0x7e: {  	_ =	shalt  }
0x7f: {  	_ =	shalt  }
0x80: {  	_ =	shalt  }
0x81: {  	_ =	shalt  }
0x82: {  	_ =	shalt  }
0x83: {  	_ =	shalt  }
0x84: {  	_ =	shalt  }
0x85: {  	_ =	shalt  }
0x86: {  	_ =	shalt  }
0x87: {  	_ =	shalt  }
.Lfunc_end0:
.L_simem_size_0:
called_computation_lowered:
.L_overlay_start_0:
0x88: {  	s2 =	sld [smem:$0x3FD9]  }
0x89: {  	s3 =	sld [smem:$0x3FFE];
	_ =	sdelay $0x1  }
0x8a: {  	s1 =	srdreg.scid  }
0x8b: {  	s0 =	sand.u32 $0x1, s1  }
0x8c: {  	s17 =	sshll.u32 s0, $0xA;
	s2 =	sadd.s32 s3, s2  }
0x8d: {  	s2 =	sadd.s32 s2, s17  }
0x8e: {  	[smem:$0x3FC6] =	sst s2  }
0x8f: {  	_ = 	snop  }
0x90: {  	s2 =	sld [smem:$0x3FC8]  }
0x91: {  	s18 =	sld [smem:$0x3FD0];
	(tm) =	ssettm $0x1  }
0x92: {  	s4 =	sld [smem:$0x3FFB];
	_ =	sdelay $0x3  }
0x93: {  	_ =	strace s4  }
0x94: {  	s4 =	sld [smem:$0x3FFC];
	_ =	sdelay $0x3  }
0x95: {  	_ =	strace s4  }
0x96: {  	s4 =	sld [smem:$0x3FFD];
	_ =	sdelay $0x3  }
0x97: {  	_ =	strace s4  }
0x98: {  	_ =	strace $0x8FFFFFFF  }
0x99: {  	s19 =	sld [smem:$0x3FDB];
	_ =	sdelay $0x1  }
0x9a: {  	s5 =	simm.s32 $_scs_section_size  }
0x9b: {  	s6 =	simm.s32 $_size__tile_overlayer_lowered;
	s7 =	simm.s32 $_tile_overlayer_lowered  }
0x9c: {  	s22 =	simm.s32 $0x1BFF;
	s21 =	sshll.u32 s7, $0x1;
	s4 =	sadd.s32 s5, s19  }
0x9d: {  	s8 =	simm.s32 $0x0;
	s20 =	sshll.u32 s6, $0x1;
	s6 =	sadd.s32 s21, s4  }
0x9e: {  	[timem:s8], [sflag:s22] =	dma.local [hbm:s6], s20  }
0x9f: {  	_ =	swait.ge [sflag:s22], s20  }
0xa0: {  	s5 =	ssub.s32 $0x0, s20;
	[sflag:s22] =	ssyncset.done $0x0  }
0xa1: {  	[sflag:s22] =	ssyncadd.s32 s5;
	_ =	sdelay $0x1  }
0xa2: {  	s23 =	simm.s32 $0x1B8B  }
0xa3: {  	_ =	swait.ge [sflag:s23], $0x1  }
0xa4: {  	[sflag:s23] =	ssyncset.done $0x0  }
0xa5: {  	s25 =	simm.s32 $0x1B8E;
	s24 =	sld [smem:$0x3FFE];
	[sflag:s23] =	ssyncadd.s32 $0xFFFFFFFF  }
0xa6: {  	s26 =	simm.s32 $execute0_lowered;
	[smem:$0x3FD2] =	sst s25  }
0xa7: {  	s6 =	sshll.u32 s26, $0x1;
	_ =	strace $0x80000046;
	[dreg:$0x1] =	wrdreg $0xFFFFFFFF  }
0xa8: {  	s28 =	simm.s32 $_size_execute0_lowered;
	s4 =	sadd.s32 s4, s6;
	[dreg:$0x0] =	wrdreg $0x0  }
0xa9: {  	s6 =	sshll.u32 s28, $0x1;
	[dreg:$0x2] =	wrdreg s4  }
0xaa: {  	[dreg:$0x3] =	wrdreg s6  }
0xab: {  	[dreg:$0x4] =	wrdreg $0xC0  }
0xac: {  	_ =	task [dreg:s8], $0x5FFFF  }
0xad: {  	[dreg:$0x1] =	wrdreg $0xFFFFFFFF  }
0xae: {  	[dreg:$0x0] =	wrdreg $0x60  }
0xaf: {  	[dreg:$0x2] =	wrdreg s18  }
0xb0: {  	[dreg:$0x3] =	wrdreg s2  }
0xb1: {  	[dreg:$0x4] =	wrdreg s24  }
0xb2: {  	[dreg:$0x5] =	wrdreg $0x9  }
0xb3: {  	_ =	task.clear_ibuf [dreg:s8], $0x6FFFF;
	_ =	strace $0x90000046  }
0xb4: {  	s29 =	simm.s32 $0x9;
	_ =	strace $0x80000048  }
0xb5: {  	_ =	swait.ge [sflag:s29], $0x1  }
0xb6: {  	[sflag:s29] =	ssyncadd.s32 $0xFFFFFFFF  }
0xb7: {  	_ =	strace $0x90000048  }
0xb8: {  	_ =	sfence  }
0xb9: {  	s30 =	sld [smem:$0x0];
	_ =	sdelay $0x2  }
0xba: {  	s31 =	sshll.u32 s1, $0xD;
	s1 =	sshrl.u32 s1, $0x2  }
0xbb: {  	s3 =	sand.u32 $0x4000, s31;
	s1 =	sadd.s32 s1, s30  }
0xbc: {  	s0 =	sor.u32 s3, s0;
	s1 =	sshll.u32 s1, $0x11  }
0xbd: {  	s0 =	sor.u32 s1, s0  }
0xbe: {  	s0 =	sadd.s32 $0x8F2B, s0  }
0xbf: {  	[sflag:s0] =	ssyncadd.remote.s32 $0x1  }
0xc0: {  	_ =	sfence.sel $0xFFFF  }
0xc1: {  	[dreg:$0x0] =	wrdreg $0xFFFFFFFF;
	(pc) =	sbr.abs _section_cstart, $3  }
0xc2: {  	[dreg:$0x1] =	wrdreg $0xFFFFFFFF  }
0xc3: {  	_ =	task.clear_ibuf [dreg:s8], $0x2FFFF;
	_ =	strace $0x9FFFFFFF  }
0xc4: {  	(tm) =	ssettm $0x7FFFFFFF  }
0xc5: {  	_ =	shalt  }
tec
execute0_lowered:
.L_overlay_start_1:
0x0: {  	(tag) =	ssettag $0x1  }
0x1: {  	s0 =	rddreg [dreg:$0x0]  }
0x2: {  	s2 =	rddreg [dreg:$0x1]  }
0x3: {  	s1 =	rddreg [dreg:$0x2];
	s4 =	srdreg.scid  }
0x4: {  	s10 =	stileid.u32;
	s3 =	simm.s32 $0x0;
	s12 =	simm.s32 $0x32  }
0x5: {  	s13 =	simm.s32 $0x4000;
	s15 =	simm.s32 $0x5C00;
	s17 =	simm.s32 $0x7800  }
0x6: {  	s19 =	simm.s32 $0x9400;
	s28 =	simm.s32 $0x10400;
	s30 =	simm.s32 $0x12000  }
0x7: {  	s14 =	simm.s32 $0x15800;
	s18 =	simm.s32 $0x17400;
	s31 =	simm.s32 $0x1C800  }
0x8: {  	s16 =	simm.s32 $0x1E400;
	s29 =	simm.s32 $0x2;
	s11 =	simm.s32 $0x4  }
0x9: {  	s4 =	sand.u32 $0x1, s4;
	s5 =	sshll.u32 s10, $0x1;
	[smem:$0x7FF] =	sst s3  }
0xa: {  	s1 =	sadd.s32 $0x400, s1;
	s20 =	smul.u32 $0x38000, s10;
	s5 =	sor.u32 s4, s5  }
0xb: {  	_ =	strace $0x80000047;
	s6 =	ssub.s32 $0x2, s4;
	s7 =	smul.u32 $0x1C000, s5  }
0xc: {  	s8 =	sshrl.u32 s6, $0x1;
	s9 =	smul.u32 $0xE0000, s5;
	s5 =	sshll.u32 s5, $0xB  }
0xd: {  	s4 =	smul.u32 $0x1C000, s4;
	s6 =	ssub.s32 s6, s8;
	s0 =	sadd.s32 s0, s5  }
0xe: {  	s5 =	simm.s32 $0x8;
	[dreg:$0x4] =	wrdreg s0;
	s21 =	sshrl.u32 s9, $0x3  }
0xf: {  	s22 =	sadd.s32 s1, s7;
	s25 =	smax.u32 s6, $0x1;
	s9 =	simm.s32 $0x7  }
0x10: {  	s7 =	simm.s32 $0x0;
	[dreg:$0x5] =	wrdreg s22;
	s0 =	sadd.s32 s1, s21  }
0x11: {  	s1 =	sadd.s32 s20, s1;
	[dreg:$0x9] =	wrdreg s25;
	s21 =	simm.s32 $0xB000  }
0x12: {  	s25 =	simm.s32 $0xE800;
	s22 =	simm.s32 $0x19000;
	s23 =	sadd.s32 $0x19600, s0  }
0x13: {  	s20 =	simm.s32 $0x1;
	s24 =	sadd.s32 $0x1A400, s0;
	[dreg:$0x6] =	wrdreg s23  }
0x14: {  	s1 =	sadd.s32 s4, s1;
	s0 =	sadd.s32 $0x1B200, s0;
	[dreg:$0x7] =	wrdreg s24  }
0x15: {  	s4 =	simm.s32 $0x3;
	[dreg:$0x8] =	wrdreg s0;
	s26 =	sadd.s32 $0x1C00, s1  }
0x16: {  	s23 =	simm.s32 $0xCC00;
	s0 =	simm.s32 $0x13C00;
	s24 =	simm.s32 $0x5  }
0x17: {  	s1 =	simm.s32 $0x6;
	[dreg:$0xa] =	wrdreg s26;
	s26 =	simm.s32 $0x1AC00  }
.LBB2_1:
0x18: {  	[dreg:$0xb] =	wrdreg s7  }
0x19: {  	s6 =	rddreg [dreg:$0x4];
	s7 =	simm.s32 $0x9  }
0x1a: {  	[tilespmem:s3], [sflag:$0x9] =	stream.linear.gather [hbm4b:s6+s3], $0x4000, $0x38;
	v63 =	vld [tilespmem:$0x0]  }
0x1b: {  	_ =	swait.ge [sflag:s7], $0x4000  }
0x1c: {  	[sflag:s7] =	ssyncset.done $0x0  }
0x1d: {  	[sflag:s7] =	ssyncadd.s32 $0xFFFFC000  }
0x1e: {  	[tilespmem:s13], [sflag:$0x1] =	stream.indirect.gather [hbm4b:s2+s12], $0x80, s3, s12, $0xb8;
	v63 =	vld [tilespmem:$0x0]  }
0x1f: {  	s8 =	simm.s32 $0x80  }
0x20: {  	[tilespmem:s15], [sflag:$0x1] =	stream.indirect.gather [hbm4b:s2+s12], $0x80, s8, s12, $0xb8;
	v63 =	vld [tilespmem:$0x0]  }
0x21: {  	s10 =	simm.s32 $0x100  }
0x22: {  	[tilespmem:s17], [sflag:$0x1] =	stream.indirect.gather [hbm4b:s2+s12], $0x80, s10, s12, $0xb8;
	v63 =	vld [tilespmem:$0x0]  }
0x23: {  	s7 =	simm.s32 $0x180  }
0x24: {  	[tilespmem:s19], [sflag:$0x1] =	stream.indirect.gather [hbm4b:s2+s12], $0x80, s7, s12, $0xb8;
	v63 =	vld [tilespmem:$0x0]  }
0x25: {  	s8 =	simm.s32 $0x200  }
0x26: {  	[tilespmem:s21], [sflag:$0x2] =	stream.indirect.gather [hbm4b:s2+s12], $0x80, s8, s12, $0xb8;
	v63 =	vld [tilespmem:$0x0]  }
0x27: {  	s10 =	simm.s32 $0x280  }
0x28: {  	[tilespmem:s23], [sflag:$0x2] =	stream.indirect.gather [hbm4b:s2+s12], $0x80, s10, s12, $0xb8;
	v63 =	vld [tilespmem:$0x0]  }
0x29: {  	s7 =	simm.s32 $0x300  }
0x2a: {  	[tilespmem:s25], [sflag:$0x2] =	stream.indirect.gather [hbm4b:s2+s12], $0x80, s7, s12, $0xb8;
	v63 =	vld [tilespmem:$0x0]  }
0x2b: {  	s8 =	simm.s32 $0x380  }
0x2c: {  	[tilespmem:s28], [sflag:$0x2] =	stream.indirect.gather [hbm4b:s2+s12], $0x80, s8, s12, $0xb8;
	v63 =	vld [tilespmem:$0x0]  }
0x2d: {  	s10 =	simm.s32 $0x400  }
0x2e: {  	[tilespmem:s30], [sflag:$0x3] =	stream.indirect.gather [hbm4b:s2+s12], $0x80, s10, s12, $0xb8;
	v63 =	vld [tilespmem:$0x0]  }
0x2f: {  	s7 =	simm.s32 $0x480  }
0x30: {  	[tilespmem:s0], [sflag:$0x3] =	stream.indirect.gather [hbm4b:s2+s12], $0x80, s7, s12, $0xb8;
	v63 =	vld [tilespmem:$0x0]  }
0x31: {  	s8 =	simm.s32 $0x500  }
0x32: {  	[tilespmem:s14], [sflag:$0x3] =	stream.indirect.gather [hbm4b:s2+s12], $0x80, s8, s12, $0xb8;
	v63 =	vld [tilespmem:$0x0]  }
0x33: {  	s10 =	simm.s32 $0x580  }
0x34: {  	[tilespmem:s18], [sflag:$0x3] =	stream.indirect.gather [hbm4b:s2+s12], $0x80, s10, s12, $0xb8;
	v63 =	vld [tilespmem:$0x0]  }
0x35: {  	s7 =	simm.s32 $0x600  }
0x36: {  	[tilespmem:s22], [sflag:$0x4] =	stream.indirect.gather [hbm4b:s2+s12], $0x80, s7, s12, $0xb8;
	v63 =	vld [tilespmem:$0x0]  }
0x37: {  	s8 =	simm.s32 $0x680  }
0x38: {  	[tilespmem:s26], [sflag:$0x4] =	stream.indirect.gather [hbm4b:s2+s12], $0x80, s8, s12, $0xb8;
	v63 =	vld [tilespmem:$0x0]  }
0x39: {  	s10 =	simm.s32 $0x700  }
0x3a: {  	[tilespmem:s31], [sflag:$0x4] =	stream.indirect.gather [hbm4b:s2+s12], $0x80, s10, s12, $0xb8;
	v63 =	vld [tilespmem:$0x0]  }
0x3b: {  	s7 =	simm.s32 $0x780  }
0x3c: {  	[tilespmem:s16], [sflag:$0x4] =	stream.indirect.gather [hbm4b:s2+s12], $0x80, s7, s12, $0xb8;
	v63 =	vld [tilespmem:$0x0]  }
0x3d: {  	_ =	swait.ge [sflag:s20], $0x1900  }
0x3e: {  	[sflag:s20] =	ssyncset.done $0x0  }
0x3f: {  	[sflag:s20] =	ssyncadd.s32 $0xFFFFE700  }
0x40: {  	_ =	swait.ge [sflag:s20], $0x1900  }
0x41: {  	[sflag:s20] =	ssyncset.done $0x0  }
0x42: {  	[sflag:s20] =	ssyncadd.s32 $0xFFFFE700  }
0x43: {  	_ =	swait.ge [sflag:s20], $0x1900  }
0x44: {  	[sflag:s20] =	ssyncset.done $0x0  }
0x45: {  	[sflag:s20] =	ssyncadd.s32 $0xFFFFE700  }
0x46: {  	_ =	swait.ge [sflag:s20], $0x1900  }
0x47: {  	[sflag:s20] =	ssyncset.done $0x0  }
0x48: {  	s7 =	rddreg [dreg:$0x5];
	[sflag:s20] =	ssyncadd.s32 $0xFFFFE700  }
0x49: {  	[hbm4b:s7+s3] =	stream.linear.scatter [tilespmem:s13], [sflag:$0x5], $0x1900, $0x38;
	v63 =	vld [tilespmem:$0x0]  }
0x4a: {  	s8 =	sadd.s32 $0x380, s7  }
0x4b: {  	[hbm4b:s8+s3] =	stream.linear.scatter [tilespmem:s15], [sflag:$0x5], $0x1900, $0x38;
	v63 =	vld [tilespmem:$0x0]  }
0x4c: {  	s10 =	sadd.s32 $0x700, s7  }
0x4d: {  	[hbm4b:s10+s3] =	stream.linear.scatter [tilespmem:s17], [sflag:$0x5], $0x1900, $0x38;
	v63 =	vld [tilespmem:$0x0]  }
0x4e: {  	s8 =	sadd.s32 $0xA80, s7  }
0x4f: {  	[hbm4b:s8+s3] =	stream.linear.scatter [tilespmem:s19], [sflag:$0x5], $0x1900, $0x38;
	v63 =	vld [tilespmem:$0x0]  }
0x50: {  	_ =	swait.ge [sflag:s24], $0x6400  }
0x51: {  	[sflag:s24] =	ssyncset.done $0x0  }
0x52: {  	s10 =	simm.s32 $0x800;
	[sflag:s24] =	ssyncadd.s32 $0xFFFF9C00  }
0x53: {  	[tilespmem:s13], [sflag:$0x1] =	stream.indirect.gather [hbm4b:s2+s12], $0x80, s10, s12, $0xb8;
	v63 =	vld [tilespmem:$0x0]  }
0x54: {  	s7 =	simm.s32 $0x880  }
0x55: {  	[tilespmem:s15], [sflag:$0x1] =	stream.indirect.gather [hbm4b:s2+s12], $0x80, s7, s12, $0xb8;
	v63 =	vld [tilespmem:$0x0]  }
0x56: {  	s8 =	simm.s32 $0x900  }
0x57: {  	[tilespmem:s17], [sflag:$0x1] =	stream.indirect.gather [hbm4b:s2+s12], $0x80, s8, s12, $0xb8;
	v63 =	vld [tilespmem:$0x0]  }
0x58: {  	s10 =	simm.s32 $0x980  }
0x59: {  	[tilespmem:s19], [sflag:$0x1] =	stream.indirect.gather [hbm4b:s2+s12], $0x80, s10, s12, $0xb8;
	v63 =	vld [tilespmem:$0x0]  }
0x5a: {  	_ =	swait.ge [sflag:s29], $0x1900  }
0x5b: {  	[sflag:s29] =	ssyncset.done $0x0  }
0x5c: {  	[sflag:s29] =	ssyncadd.s32 $0xFFFFE700  }
0x5d: {  	_ =	swait.ge [sflag:s29], $0x1900  }
0x5e: {  	[sflag:s29] =	ssyncset.done $0x0  }
0x5f: {  	[sflag:s29] =	ssyncadd.s32 $0xFFFFE700  }
0x60: {  	_ =	swait.ge [sflag:s29], $0x1900  }
0x61: {  	[sflag:s29] =	ssyncset.done $0x0  }
0x62: {  	[sflag:s29] =	ssyncadd.s32 $0xFFFFE700  }
0x63: {  	_ =	swait.ge [sflag:s29], $0x1900  }
0x64: {  	[sflag:s29] =	ssyncset.done $0x0;
	s8 =	rddreg [dreg:$0xa]  }
0x65: {  	[sflag:s29] =	ssyncadd.s32 $0xFFFFE700;
	s7 =	sadd.s32 $0xFFFFF200, s8  }
0x66: {  	[hbm4b:s7+s3] =	stream.linear.scatter [tilespmem:s21], [sflag:$0x6], $0x1900, $0x38;
	v63 =	vld [tilespmem:$0x0]  }
0x67: {  	s10 =	sadd.s32 $0xFFFFF580, s8  }
0x68: {  	[hbm4b:s10+s3] =	stream.linear.scatter [tilespmem:s23], [sflag:$0x6], $0x1900, $0x38;
	v63 =	vld [tilespmem:$0x0]  }
0x69: {  	s7 =	sadd.s32 $0xFFFFF900, s8  }
0x6a: {  	[hbm4b:s7+s3] =	stream.linear.scatter [tilespmem:s25], [sflag:$0x6], $0x1900, $0x38;
	v63 =	vld [tilespmem:$0x0]  }
0x6b: {  	s10 =	sadd.s32 $0xFFFFFC80, s8  }
0x6c: {  	[hbm4b:s10+s3] =	stream.linear.scatter [tilespmem:s28], [sflag:$0x6], $0x1900, $0x38;
	v63 =	vld [tilespmem:$0x0]  }
0x6d: {  	_ =	swait.ge [sflag:s1], $0x6400  }
0x6e: {  	[sflag:s1] =	ssyncset.done $0x0  }
0x6f: {  	s7 =	simm.s32 $0xA00;
	[sflag:s1] =	ssyncadd.s32 $0xFFFF9C00  }
0x70: {  	[tilespmem:s21], [sflag:$0x2] =	stream.indirect.gather [hbm4b:s2+s12], $0x80, s7, s12, $0xb8;
	v63 =	vld [tilespmem:$0x0]  }
0x71: {  	s10 =	simm.s32 $0xA80  }
0x72: {  	[tilespmem:s23], [sflag:$0x2] =	stream.indirect.gather [hbm4b:s2+s12], $0x80, s10, s12, $0xb8;
	v63 =	vld [tilespmem:$0x0]  }
0x73: {  	s7 =	simm.s32 $0xB00  }
0x74: {  	[tilespmem:s25], [sflag:$0x2] =	stream.indirect.gather [hbm4b:s2+s12], $0x80, s7, s12, $0xb8;
	v63 =	vld [tilespmem:$0x0]  }
0x75: {  	s10 =	simm.s32 $0xB80  }
0x76: {  	[tilespmem:s28], [sflag:$0x2] =	stream.indirect.gather [hbm4b:s2+s12], $0x80, s10, s12, $0xb8;
	v63 =	vld [tilespmem:$0x0]  }
0x77: {  	_ =	swait.ge [sflag:s4], $0x1900  }
0x78: {  	[sflag:s4] =	ssyncset.done $0x0  }
0x79: {  	[sflag:s4] =	ssyncadd.s32 $0xFFFFE700  }
0x7a: {  	_ =	swait.ge [sflag:s4], $0x1900  }
0x7b: {  	[sflag:s4] =	ssyncset.done $0x0  }
0x7c: {  	[sflag:s4] =	ssyncadd.s32 $0xFFFFE700  }
0x7d: {  	_ =	swait.ge [sflag:s4], $0x1900  }
0x7e: {  	[sflag:s4] =	ssyncset.done $0x0  }
0x7f: {  	[sflag:s4] =	ssyncadd.s32 $0xFFFFE700  }
0x80: {  	_ =	swait.ge [sflag:s4], $0x1900  }
0x81: {  	[sflag:s4] =	ssyncset.done $0x0  }
0x82: {  	[sflag:s4] =	ssyncadd.s32 $0xFFFFE700  }
0x83: {  	[hbm4b:s8+s3] =	stream.linear.scatter [tilespmem:s30], [sflag:$0x7], $0x1900, $0x38;
	v63 =	vld [tilespmem:$0x0]  }
0x84: {  	s7 =	sadd.s32 $0x380, s8  }
0x85: {  	[hbm4b:s7+s3] =	stream.linear.scatter [tilespmem:s0], [sflag:$0x7], $0x1900, $0x38;
	v63 =	vld [tilespmem:$0x0]  }
0x86: {  	s10 =	sadd.s32 $0x700, s8  }
0x87: {  	[hbm4b:s10+s3] =	stream.linear.scatter [tilespmem:s14], [sflag:$0x7], $0x1900, $0x38;
	v63 =	vld [tilespmem:$0x0]  }
0x88: {  	s7 =	sadd.s32 $0xA80, s8  }
0x89: {  	[hbm4b:s7+s3] =	stream.linear.scatter [tilespmem:s18], [sflag:$0x7], $0x1900, $0x38;
	v63 =	vld [tilespmem:$0x0]  }
0x8a: {  	_ =	swait.ge [sflag:s9], $0x6400  }
0x8b: {  	[sflag:s9] =	ssyncset.done $0x0  }
0x8c: {  	s10 =	simm.s32 $0xC00;
	[sflag:s9] =	ssyncadd.s32 $0xFFFF9C00  }
0x8d: {  	[tilespmem:s30], [sflag:$0x3] =	stream.indirect.gather [hbm4b:s2+s12], $0x80, s10, s12, $0xb8;
	v63 =	vld [tilespmem:$0x0]  }
0x8e: {  	s7 =	simm.s32 $0xC80  }
0x8f: {  	[tilespmem:s0], [sflag:$0x3] =	stream.indirect.gather [hbm4b:s2+s12], $0x80, s7, s12, $0xb8;
	v63 =	vld [tilespmem:$0x0]  }
0x90: {  	s10 =	simm.s32 $0xD00  }
0x91: {  	[tilespmem:s14], [sflag:$0x3] =	stream.indirect.gather [hbm4b:s2+s12], $0x80, s10, s12, $0xb8;
	v63 =	vld [tilespmem:$0x0]  }
0x92: {  	s7 =	simm.s32 $0xD80  }
0x93: {  	[tilespmem:s18], [sflag:$0x3] =	stream.indirect.gather [hbm4b:s2+s12], $0x80, s7, s12, $0xb8;
	v63 =	vld [tilespmem:$0x0]  }
0x94: {  	_ =	swait.ge [sflag:s11], $0x1900  }
0x95: {  	[sflag:s11] =	ssyncset.done $0x0  }
0x96: {  	[sflag:s11] =	ssyncadd.s32 $0xFFFFE700  }
0x97: {  	_ =	swait.ge [sflag:s11], $0x1900  }
0x98: {  	[sflag:s11] =	ssyncset.done $0x0  }
0x99: {  	[sflag:s11] =	ssyncadd.s32 $0xFFFFE700  }
0x9a: {  	_ =	swait.ge [sflag:s11], $0x1900  }
0x9b: {  	[sflag:s11] =	ssyncset.done $0x0  }
0x9c: {  	[sflag:s11] =	ssyncadd.s32 $0xFFFFE700  }
0x9d: {  	_ =	swait.ge [sflag:s11], $0x1900  }
0x9e: {  	[sflag:s11] =	ssyncset.done $0x0  }
0x9f: {  	s10 =	sadd.s32 $0xE00, s8;
	[sflag:s11] =	ssyncadd.s32 $0xFFFFE700  }
0xa0: {  	[hbm4b:s10+s3] =	stream.linear.scatter [tilespmem:s22], [sflag:$0x8], $0x1900, $0x38;
	v63 =	vld [tilespmem:$0x0]  }
0xa1: {  	s7 =	sadd.s32 $0x1180, s8  }
0xa2: {  	[hbm4b:s7+s3] =	stream.linear.scatter [tilespmem:s26], [sflag:$0x8], $0x1900, $0x38;
	v63 =	vld [tilespmem:$0x0]  }
0xa3: {  	s10 =	sadd.s32 $0x1500, s8  }
0xa4: {  	[hbm4b:s10+s3] =	stream.linear.scatter [tilespmem:s31], [sflag:$0x8], $0x1900, $0x38;
	v63 =	vld [tilespmem:$0x0]  }
0xa5: {  	s7 =	sadd.s32 $0x1880, s8  }
0xa6: {  	[hbm4b:s7+s3] =	stream.linear.scatter [tilespmem:s16], [sflag:$0x8], $0x1900, $0x38;
	v63 =	vld [tilespmem:$0x0]  }
0xa7: {  	_ =	swait.ge [sflag:s5], $0x6400  }
0xa8: {  	[sflag:s5] =	ssyncset.done $0x0  }
0xa9: {  	s10 =	simm.s32 $0xE00;
	[sflag:s5] =	ssyncadd.s32 $0xFFFF9C00  }
0xaa: {  	[tilespmem:s22], [sflag:$0x4] =	stream.indirect.gather [hbm4b:s2+s12], $0x80, s10, s12, $0xb8;
	v63 =	vld [tilespmem:$0x0]  }
0xab: {  	s7 =	simm.s32 $0xE80  }
0xac: {  	[tilespmem:s26], [sflag:$0x4] =	stream.indirect.gather [hbm4b:s2+s12], $0x80, s7, s12, $0xb8;
	v63 =	vld [tilespmem:$0x0]  }
0xad: {  	s10 =	simm.s32 $0xF00  }
0xae: {  	[tilespmem:s31], [sflag:$0x4] =	stream.indirect.gather [hbm4b:s2+s12], $0x80, s10, s12, $0xb8;
	v63 =	vld [tilespmem:$0x0]  }
0xaf: {  	s7 =	simm.s32 $0xF80  }
0xb0: {  	[tilespmem:s16], [sflag:$0x4] =	stream.indirect.gather [hbm4b:s2+s12], $0x80, s7, s12, $0xb8;
	v63 =	vld [tilespmem:$0x0]  }
0xb1: {  	_ =	swait.ge [sflag:s20], $0x1900  }
0xb2: {  	[sflag:s20] =	ssyncset.done $0x0  }
0xb3: {  	[sflag:s20] =	ssyncadd.s32 $0xFFFFE700  }
0xb4: {  	_ =	swait.ge [sflag:s20], $0x1900  }
0xb5: {  	[sflag:s20] =	ssyncset.done $0x0  }
0xb6: {  	[sflag:s20] =	ssyncadd.s32 $0xFFFFE700  }
0xb7: {  	_ =	swait.ge [sflag:s20], $0x1900  }
0xb8: {  	[sflag:s20] =	ssyncset.done $0x0  }
0xb9: {  	[sflag:s20] =	ssyncadd.s32 $0xFFFFE700  }
0xba: {  	_ =	swait.ge [sflag:s20], $0x1900  }
0xbb: {  	[sflag:s20] =	ssyncset.done $0x0  }
0xbc: {  	s10 =	sadd.s32 $0x1C00, s8;
	[sflag:s20] =	ssyncadd.s32 $0xFFFFE700  }
0xbd: {  	[hbm4b:s10+s3] =	stream.linear.scatter [tilespmem:s13], [sflag:$0x5], $0x1900, $0x38;
	v63 =	vld [tilespmem:$0x0]  }
0xbe: {  	s6 =	sadd.s32 $0x2680, s8;
	s7 =	sadd.s32 $0x1F80, s8  }
0xbf: {  	[hbm4b:s7+s3] =	stream.linear.scatter [tilespmem:s15], [sflag:$0x5], $0x1900, $0x38;
	v63 =	vld [tilespmem:$0x0]  }
0xc0: {  	s10 =	sadd.s32 $0x2300, s8;
	s8 =	sadd.s32 $0x3800, s8;
	s7 =	simm.s32 $0x2000  }
0xc1: {  	[hbm4b:s10+s3] =	stream.linear.scatter [tilespmem:s17], [sflag:$0x5], $0x1900, $0x38;
	v63 =	vld [tilespmem:$0x0]  }
.LBB2_2:
0xc2: {  	[hbm4b:s6+s3] =	stream.linear.scatter [tilespmem:s19], [sflag:$0x5], $0x1900, $0x38;
	v63 =	vld [tilespmem:$0x0]  }
0xc3: {  	s6 =	smov.u32 s7  }
0xc4: {  	p0 =	sne.s32 s7, $0xC000;
	s7 =	sadd.s32 $0x2000, s7;
	_ =	swait.ge [sflag:s24], $0x6400  }
0xc5: {  	s6 =	sshra.s32 s6, $0x2;
	[sflag:s24] =	ssyncset.done $0x0  }
0xc6: {  	s10 =	sadd.s32 $0x800, s6;
	[sflag:s24] =	ssyncadd.s32 $0xFFFF9C00  }
0xc7: {  	[tilespmem:s13], [sflag:$0x1] =	stream.indirect.gather [hbm4b:s2+s12], $0x80, s10, s12, $0xb8;
	v63 =	vld [tilespmem:$0x0]  }
0xc8: {  	s10 =	sadd.s32 $0x880, s6  }
0xc9: {  	[tilespmem:s15], [sflag:$0x1] =	stream.indirect.gather [hbm4b:s2+s12], $0x80, s10, s12, $0xb8;
	v63 =	vld [tilespmem:$0x0]  }
0xca: {  	s10 =	sadd.s32 $0x900, s6  }
0xcb: {  	[tilespmem:s17], [sflag:$0x1] =	stream.indirect.gather [hbm4b:s2+s12], $0x80, s10, s12, $0xb8;
	v63 =	vld [tilespmem:$0x0]  }
0xcc: {  	s10 =	sadd.s32 $0x980, s6  }
0xcd: {  	[tilespmem:s19], [sflag:$0x1] =	stream.indirect.gather [hbm4b:s2+s12], $0x80, s10, s12, $0xb8;
	v63 =	vld [tilespmem:$0x0]  }
0xce: {  	_ =	swait.ge [sflag:s29], $0x1900  }
0xcf: {  	[sflag:s29] =	ssyncset.done $0x0  }
0xd0: {  	[sflag:s29] =	ssyncadd.s32 $0xFFFFE700  }
0xd1: {  	_ =	swait.ge [sflag:s29], $0x1900  }
0xd2: {  	[sflag:s29] =	ssyncset.done $0x0  }
0xd3: {  	[sflag:s29] =	ssyncadd.s32 $0xFFFFE700  }
0xd4: {  	_ =	swait.ge [sflag:s29], $0x1900  }
0xd5: {  	[sflag:s29] =	ssyncset.done $0x0  }
0xd6: {  	[sflag:s29] =	ssyncadd.s32 $0xFFFFE700  }
0xd7: {  	_ =	swait.ge [sflag:s29], $0x1900  }
0xd8: {  	[sflag:s29] =	ssyncset.done $0x0  }
0xd9: {  	s10 =	sadd.s32 $0xFFFFF200, s8;
	[sflag:s29] =	ssyncadd.s32 $0xFFFFE700  }
0xda: {  	[hbm4b:s10+s3] =	stream.linear.scatter [tilespmem:s21], [sflag:$0x6], $0x1900, $0x38;
	v63 =	vld [tilespmem:$0x0]  }
0xdb: {  	s10 =	sadd.s32 $0xFFFFF580, s8  }
0xdc: {  	[hbm4b:s10+s3] =	stream.linear.scatter [tilespmem:s23], [sflag:$0x6], $0x1900, $0x38;
	v63 =	vld [tilespmem:$0x0]  }
0xdd: {  	s10 =	sadd.s32 $0xFFFFF900, s8  }
0xde: {  	[hbm4b:s10+s3] =	stream.linear.scatter [tilespmem:s25], [sflag:$0x6], $0x1900, $0x38;
	v63 =	vld [tilespmem:$0x0]  }
0xdf: {  	s10 =	sadd.s32 $0xFFFFFC80, s8  }
0xe0: {  	[hbm4b:s10+s3] =	stream.linear.scatter [tilespmem:s28], [sflag:$0x6], $0x1900, $0x38;
	v63 =	vld [tilespmem:$0x0]  }
0xe1: {  	_ =	swait.ge [sflag:s1], $0x6400  }
0xe2: {  	[sflag:s1] =	ssyncset.done $0x0  }
0xe3: {  	s10 =	sadd.s32 $0xA00, s6;
	[sflag:s1] =	ssyncadd.s32 $0xFFFF9C00  }
0xe4: {  	[tilespmem:s21], [sflag:$0x2] =	stream.indirect.gather [hbm4b:s2+s12], $0x80, s10, s12, $0xb8;
	v63 =	vld [tilespmem:$0x0]  }
0xe5: {  	s10 =	sadd.s32 $0xA80, s6  }
0xe6: {  	[tilespmem:s23], [sflag:$0x2] =	stream.indirect.gather [hbm4b:s2+s12], $0x80, s10, s12, $0xb8;
	v63 =	vld [tilespmem:$0x0]  }
0xe7: {  	s10 =	sadd.s32 $0xB00, s6  }
0xe8: {  	[tilespmem:s25], [sflag:$0x2] =	stream.indirect.gather [hbm4b:s2+s12], $0x80, s10, s12, $0xb8;
	v63 =	vld [tilespmem:$0x0]  }
0xe9: {  	s10 =	sadd.s32 $0xB80, s6  }
0xea: {  	[tilespmem:s28], [sflag:$0x2] =	stream.indirect.gather [hbm4b:s2+s12], $0x80, s10, s12, $0xb8;
	v63 =	vld [tilespmem:$0x0]  }
0xeb: {  	_ =	swait.ge [sflag:s4], $0x1900  }
0xec: {  	[sflag:s4] =	ssyncset.done $0x0  }
0xed: {  	[sflag:s4] =	ssyncadd.s32 $0xFFFFE700  }
0xee: {  	_ =	swait.ge [sflag:s4], $0x1900  }
0xef: {  	[sflag:s4] =	ssyncset.done $0x0  }
0xf0: {  	[sflag:s4] =	ssyncadd.s32 $0xFFFFE700  }
0xf1: {  	_ =	swait.ge [sflag:s4], $0x1900  }
0xf2: {  	[sflag:s4] =	ssyncset.done $0x0  }
0xf3: {  	[sflag:s4] =	ssyncadd.s32 $0xFFFFE700  }
0xf4: {  	_ =	swait.ge [sflag:s4], $0x1900  }
0xf5: {  	[sflag:s4] =	ssyncset.done $0x0  }
0xf6: {  	[sflag:s4] =	ssyncadd.s32 $0xFFFFE700  }
0xf7: {  	[hbm4b:s8+s3] =	stream.linear.scatter [tilespmem:s30], [sflag:$0x7], $0x1900, $0x38;
	v63 =	vld [tilespmem:$0x0]  }
0xf8: {  	s10 =	sadd.s32 $0x380, s8  }
0xf9: {  	[hbm4b:s10+s3] =	stream.linear.scatter [tilespmem:s0], [sflag:$0x7], $0x1900, $0x38;
	v63 =	vld [tilespmem:$0x0]  }
0xfa: {  	s10 =	sadd.s32 $0x700, s8  }
0xfb: {  	[hbm4b:s10+s3] =	stream.linear.scatter [tilespmem:s14], [sflag:$0x7], $0x1900, $0x38;
	v63 =	vld [tilespmem:$0x0]  }
0xfc: {  	s10 =	sadd.s32 $0xA80, s8  }
0xfd: {  	[hbm4b:s10+s3] =	stream.linear.scatter [tilespmem:s18], [sflag:$0x7], $0x1900, $0x38;
	v63 =	vld [tilespmem:$0x0]  }
0xfe: {  	_ =	swait.ge [sflag:s9], $0x6400  }
0xff: {  	[sflag:s9] =	ssyncset.done $0x0  }
0x100: {  	s10 =	sadd.s32 $0xC00, s6;
	[sflag:s9] =	ssyncadd.s32 $0xFFFF9C00  }
0x101: {  	[tilespmem:s30], [sflag:$0x3] =	stream.indirect.gather [hbm4b:s2+s12], $0x80, s10, s12, $0xb8;
	v63 =	vld [tilespmem:$0x0]  }
0x102: {  	s10 =	sadd.s32 $0xC80, s6  }
0x103: {  	[tilespmem:s0], [sflag:$0x3] =	stream.indirect.gather [hbm4b:s2+s12], $0x80, s10, s12, $0xb8;
	v63 =	vld [tilespmem:$0x0]  }
0x104: {  	s10 =	sadd.s32 $0xD00, s6  }
0x105: {  	[tilespmem:s14], [sflag:$0x3] =	stream.indirect.gather [hbm4b:s2+s12], $0x80, s10, s12, $0xb8;
	v63 =	vld [tilespmem:$0x0]  }
0x106: {  	s10 =	sadd.s32 $0xD80, s6  }
0x107: {  	[tilespmem:s18], [sflag:$0x3] =	stream.indirect.gather [hbm4b:s2+s12], $0x80, s10, s12, $0xb8;
	v63 =	vld [tilespmem:$0x0]  }
0x108: {  	_ =	swait.ge [sflag:s11], $0x1900  }
0x109: {  	[sflag:s11] =	ssyncset.done $0x0  }
0x10a: {  	[sflag:s11] =	ssyncadd.s32 $0xFFFFE700  }
0x10b: {  	_ =	swait.ge [sflag:s11], $0x1900  }
0x10c: {  	[sflag:s11] =	ssyncset.done $0x0  }
0x10d: {  	[sflag:s11] =	ssyncadd.s32 $0xFFFFE700  }
0x10e: {  	_ =	swait.ge [sflag:s11], $0x1900  }
0x10f: {  	[sflag:s11] =	ssyncset.done $0x0  }
0x110: {  	[sflag:s11] =	ssyncadd.s32 $0xFFFFE700  }
0x111: {  	_ =	swait.ge [sflag:s11], $0x1900  }
0x112: {  	[sflag:s11] =	ssyncset.done $0x0  }
0x113: {  	s10 =	sadd.s32 $0xE00, s8;
	[sflag:s11] =	ssyncadd.s32 $0xFFFFE700  }
0x114: {  	[hbm4b:s10+s3] =	stream.linear.scatter [tilespmem:s22], [sflag:$0x8], $0x1900, $0x38;
	v63 =	vld [tilespmem:$0x0]  }
0x115: {  	s10 =	sadd.s32 $0x1180, s8  }
0x116: {  	[hbm4b:s10+s3] =	stream.linear.scatter [tilespmem:s26], [sflag:$0x8], $0x1900, $0x38;
	v63 =	vld [tilespmem:$0x0]  }
0x117: {  	s10 =	sadd.s32 $0x1500, s8  }
0x118: {  	[hbm4b:s10+s3] =	stream.linear.scatter [tilespmem:s31], [sflag:$0x8], $0x1900, $0x38;
	v63 =	vld [tilespmem:$0x0]  }
0x119: {  	s10 =	sadd.s32 $0x1880, s8  }
0x11a: {  	[hbm4b:s10+s3] =	stream.linear.scatter [tilespmem:s16], [sflag:$0x8], $0x1900, $0x38;
	v63 =	vld [tilespmem:$0x0]  }
0x11b: {  	_ =	swait.ge [sflag:s5], $0x6400  }
0x11c: {  	[sflag:s5] =	ssyncset.done $0x0  }
0x11d: {  	s10 =	sadd.s32 $0xE00, s6;
	[sflag:s5] =	ssyncadd.s32 $0xFFFF9C00  }
0x11e: {  	[tilespmem:s22], [sflag:$0x4] =	stream.indirect.gather [hbm4b:s2+s12], $0x80, s10, s12, $0xb8;
	v63 =	vld [tilespmem:$0x0]  }
0x11f: {  	s10 =	sadd.s32 $0xE80, s6  }
0x120: {  	[tilespmem:s26], [sflag:$0x4] =	stream.indirect.gather [hbm4b:s2+s12], $0x80, s10, s12, $0xb8;
	v63 =	vld [tilespmem:$0x0]  }
0x121: {  	s10 =	sadd.s32 $0xF00, s6  }
0x122: {  	[tilespmem:s31], [sflag:$0x4] =	stream.indirect.gather [hbm4b:s2+s12], $0x80, s10, s12, $0xb8;
	v63 =	vld [tilespmem:$0x0]  }
0x123: {  	s6 =	sadd.s32 $0xF80, s6  }
0x124: {  	[tilespmem:s16], [sflag:$0x4] =	stream.indirect.gather [hbm4b:s2+s12], $0x80, s6, s12, $0xb8;
	v63 =	vld [tilespmem:$0x0]  }
0x125: {  	_ =	swait.ge [sflag:s20], $0x1900  }
0x126: {  	[sflag:s20] =	ssyncset.done $0x0  }
0x127: {  	[sflag:s20] =	ssyncadd.s32 $0xFFFFE700  }
0x128: {  	_ =	swait.ge [sflag:s20], $0x1900  }
0x129: {  	[sflag:s20] =	ssyncset.done $0x0  }
0x12a: {  	[sflag:s20] =	ssyncadd.s32 $0xFFFFE700  }
0x12b: {  	_ =	swait.ge [sflag:s20], $0x1900  }
0x12c: {  	[sflag:s20] =	ssyncset.done $0x0  }
0x12d: {  	[sflag:s20] =	ssyncadd.s32 $0xFFFFE700  }
0x12e: {  	_ =	swait.ge [sflag:s20], $0x1900  }
0x12f: {  	[sflag:s20] =	ssyncset.done $0x0  }
0x130: {  	s6 =	sadd.s32 $0x1C00, s8;
	[sflag:s20] =	ssyncadd.s32 $0xFFFFE700  }
0x131: {  	[hbm4b:s6+s3] =	stream.linear.scatter [tilespmem:s13], [sflag:$0x5], $0x1900, $0x38;
	v63 =	vld [tilespmem:$0x0]  }
.Ltmp0:
0x132: {  	s6 =	sadd.s32 $0x1F80, s8;
	(pc) =	sbr.rel @p0 .LBB2_2-.Ltmp0, $4  }
0x133: {  	[hbm4b:s6+s3] =	stream.linear.scatter [tilespmem:s15], [sflag:$0x5], $0x1900, $0x38;
	v63 =	vld [tilespmem:$0x0]  }
0x134: {  	s6 =	sadd.s32 $0x2300, s8  }
0x135: {  	[hbm4b:s6+s3] =	stream.linear.scatter [tilespmem:s17], [sflag:$0x5], $0x1900, $0x38;
	v63 =	vld [tilespmem:$0x0]  }
0x136: {  	s6 =	sadd.s32 $0x2680, s8;
	s8 =	sadd.s32 $0x3800, s8  }
0x137: {  	[hbm4b:s6+s3] =	stream.linear.scatter [tilespmem:s19], [sflag:$0x5], $0x1900, $0x38;
	v63 =	vld [tilespmem:$0x0]  }
0x138: {  	_ =	swait.ge [sflag:s24], $0x6400  }
0x139: {  	[sflag:s24] =	ssyncset.done $0x0  }
0x13a: {  	[sflag:s24] =	ssyncadd.s32 $0xFFFF9C00  }
0x13b: {  	_ =	swait.ge [sflag:s29], $0x1900  }
0x13c: {  	[sflag:s29] =	ssyncset.done $0x0  }
0x13d: {  	[sflag:s29] =	ssyncadd.s32 $0xFFFFE700  }
0x13e: {  	_ =	swait.ge [sflag:s29], $0x1900  }
0x13f: {  	[sflag:s29] =	ssyncset.done $0x0  }
0x140: {  	[sflag:s29] =	ssyncadd.s32 $0xFFFFE700  }
0x141: {  	_ =	swait.ge [sflag:s29], $0x1900  }
0x142: {  	[sflag:s29] =	ssyncset.done $0x0  }
0x143: {  	[sflag:s29] =	ssyncadd.s32 $0xFFFFE700  }
0x144: {  	_ =	swait.ge [sflag:s29], $0x1900  }
0x145: {  	[sflag:s29] =	ssyncset.done $0x0  }
0x146: {  	s7 =	rddreg [dreg:$0x6];
	[sflag:s29] =	ssyncadd.s32 $0xFFFFE700  }
0x147: {  	[hbm4b:s7+s3] =	stream.linear.scatter [tilespmem:s21], [sflag:$0x6], $0x1900, $0x38;
	v63 =	vld [tilespmem:$0x0]  }
0x148: {  	s8 =	sadd.s32 $0x380, s7  }
0x149: {  	[hbm4b:s8+s3] =	stream.linear.scatter [tilespmem:s23], [sflag:$0x6], $0x1900, $0x38;
	v63 =	vld [tilespmem:$0x0]  }
0x14a: {  	s10 =	sadd.s32 $0x700, s7  }
0x14b: {  	[hbm4b:s10+s3] =	stream.linear.scatter [tilespmem:s25], [sflag:$0x6], $0x1900, $0x38;
	v63 =	vld [tilespmem:$0x0]  }
0x14c: {  	s7 =	sadd.s32 $0xA80, s7  }
0x14d: {  	[hbm4b:s7+s3] =	stream.linear.scatter [tilespmem:s28], [sflag:$0x6], $0x1900, $0x38;
	v63 =	vld [tilespmem:$0x0]  }
0x14e: {  	_ =	swait.ge [sflag:s1], $0x6400  }
0x14f: {  	[sflag:s1] =	ssyncset.done $0x0  }
0x150: {  	[sflag:s1] =	ssyncadd.s32 $0xFFFF9C00  }
0x151: {  	_ =	swait.ge [sflag:s4], $0x1900  }
0x152: {  	[sflag:s4] =	ssyncset.done $0x0  }
0x153: {  	[sflag:s4] =	ssyncadd.s32 $0xFFFFE700  }
0x154: {  	_ =	swait.ge [sflag:s4], $0x1900  }
0x155: {  	[sflag:s4] =	ssyncset.done $0x0  }
0x156: {  	[sflag:s4] =	ssyncadd.s32 $0xFFFFE700  }
0x157: {  	_ =	swait.ge [sflag:s4], $0x1900  }
0x158: {  	[sflag:s4] =	ssyncset.done $0x0  }
0x159: {  	[sflag:s4] =	ssyncadd.s32 $0xFFFFE700  }
0x15a: {  	_ =	swait.ge [sflag:s4], $0x1900  }
0x15b: {  	[sflag:s4] =	ssyncset.done $0x0  }
0x15c: {  	s7 =	rddreg [dreg:$0x7];
	[sflag:s4] =	ssyncadd.s32 $0xFFFFE700  }
0x15d: {  	[hbm4b:s7+s3] =	stream.linear.scatter [tilespmem:s30], [sflag:$0x7], $0x1900, $0x38;
	v63 =	vld [tilespmem:$0x0]  }
0x15e: {  	s8 =	sadd.s32 $0x380, s7  }
0x15f: {  	[hbm4b:s8+s3] =	stream.linear.scatter [tilespmem:s0], [sflag:$0x7], $0x1900, $0x38;
	v63 =	vld [tilespmem:$0x0]  }
0x160: {  	s10 =	sadd.s32 $0x700, s7  }
0x161: {  	[hbm4b:s10+s3] =	stream.linear.scatter [tilespmem:s14], [sflag:$0x7], $0x1900, $0x38;
	v63 =	vld [tilespmem:$0x0]  }
0x162: {  	s7 =	sadd.s32 $0xA80, s7  }
0x163: {  	[hbm4b:s7+s3] =	stream.linear.scatter [tilespmem:s18], [sflag:$0x7], $0x1900, $0x38;
	v63 =	vld [tilespmem:$0x0]  }
0x164: {  	_ =	swait.ge [sflag:s9], $0x6400  }
0x165: {  	[sflag:s9] =	ssyncset.done $0x0  }
0x166: {  	[sflag:s9] =	ssyncadd.s32 $0xFFFF9C00  }
0x167: {  	_ =	swait.ge [sflag:s11], $0x1900  }
0x168: {  	[sflag:s11] =	ssyncset.done $0x0  }
0x169: {  	[sflag:s11] =	ssyncadd.s32 $0xFFFFE700  }
0x16a: {  	_ =	swait.ge [sflag:s11], $0x1900  }
0x16b: {  	[sflag:s11] =	ssyncset.done $0x0  }
0x16c: {  	[sflag:s11] =	ssyncadd.s32 $0xFFFFE700  }
0x16d: {  	_ =	swait.ge [sflag:s11], $0x1900  }
0x16e: {  	[sflag:s11] =	ssyncset.done $0x0  }
0x16f: {  	[sflag:s11] =	ssyncadd.s32 $0xFFFFE700  }
0x170: {  	_ =	swait.ge [sflag:s11], $0x1900  }
0x171: {  	[sflag:s11] =	ssyncset.done $0x0  }
0x172: {  	s7 =	rddreg [dreg:$0x8];
	[sflag:s11] =	ssyncadd.s32 $0xFFFFE700  }
0x173: {  	[hbm4b:s7+s3] =	stream.linear.scatter [tilespmem:s22], [sflag:$0x8], $0x1900, $0x38;
	v63 =	vld [tilespmem:$0x0]  }
0x174: {  	s8 =	sadd.s32 $0x380, s7  }
0x175: {  	[hbm4b:s8+s3] =	stream.linear.scatter [tilespmem:s26], [sflag:$0x8], $0x1900, $0x38;
	v63 =	vld [tilespmem:$0x0]  }
0x176: {  	s10 =	sadd.s32 $0x700, s7  }
0x177: {  	[hbm4b:s10+s3] =	stream.linear.scatter [tilespmem:s31], [sflag:$0x8], $0x1900, $0x38;
	v63 =	vld [tilespmem:$0x0]  }
0x178: {  	s7 =	sadd.s32 $0xA80, s7  }
0x179: {  	[hbm4b:s7+s3] =	stream.linear.scatter [tilespmem:s16], [sflag:$0x8], $0x1900, $0x38;
	v63 =	vld [tilespmem:$0x0]  }
0x17a: {  	_ =	swait.ge [sflag:s5], $0x6400  }
0x17b: {  	s8 =	rddreg [dreg:$0xb]  }
0x17c: {  	s10 =	rddreg [dreg:$0x9];
	s7 =	sadd.s32 $0x1, s8  }
0x17d: {  	p0 =	sne.s32 s7, s10  }
.Ltmp1:
0x17e: {  	_ = 	snop;
	(pc) =	sbr.rel @p0 .LBB2_1-.Ltmp1, $3  }
0x17f: {  	_ =	sdelay $0x1  }
0x180: {  	[sflag:s5] =	ssyncset.done $0x0  }
0x181: {  	[sflag:s5] =	ssyncadd.s32 $0xFFFF9C00  }
0x182: {  	_ =	sfence.sel $0x180000  }
0x183: {  	[bflag:$0x0] =	sbarrier.arrive $0xFFFF  }
0x184: {  	_ =	strace $0x90000047  }
0x185: {  	s0 =	stileid.u32;
	[bflag:$0x2] =	sbarrier.arrive $0xFFFF  }
0x186: {  	p0 =	sne.s32 s0, $0x0;
	s0 =	rddreg [dreg:$0x3]  }
0x187: {  	s0 =	sadd.s32 @!p0 $0x100000, s0  }
0x188: {  	[sflag:s0] =	ssyncadd.tile.s32 @!p0 $0x1;
	_ =	shalt  }
.Lfunc_end2:
_tile_overlayer_lowered:
.L_overlay_start_2:
0x189: {  	(tag) =	ssettag $0x2  }
0x18a: {  	s0 =	rddreg [dreg:$0x0];
	s2 =	stileid.u32  }
0x18b: {  	s1 =	rddreg [dreg:$0x1];
	p0 =	sne.s32 s2, $0x0  }
0x18c: {  	s3 =	rddreg [dreg:$0x2];
	[bflag:$0x3] =	sbarrier.arrive $0xFFFF;
	s2 =	simm.s32 @!p0 $0x1C09  }
0x18d: {  	[timem:s3], [sflag:s2] =	dma.local @!p0 [hbm:s0], s1  }
0x18e: {  	s0 =	simm.s32 @!p0 $0x9  }
0x18f: {  	_ =	swait.ge @!p0 [sflag:s0], s1  }
0x190: {  	s1 =	ssub.s32 @!p0 $0x0, s1;
	[sflag:s0] =	ssyncset.done @!p0 $0x0  }
0x191: {  	[sflag:s0] =	ssyncadd.s32 @!p0 s1  }
0x192: {  	[bflag:$0x3] =	sbarrier.arrive $0xFFFF  }
0x193: {  	_ =	shalt  }

</sc_bundles>
